<compile_context>
chip_gen: v7x
topology: tpu7x:2x2x1
jax: 0.10.2.dev20260603
libtpu: 0.0.44.dev20260713+nightly
codegen_flags: <defaults>
</compile_context>

<pallas_src>
import functools

import jax
import jax.numpy as jnp
from jax import lax
from jax.experimental import pallas as pl
from jax.experimental.pallas import tpu as pltpu
from jax.experimental.pallas import tpu_sc as plsc

_NC = 2
_NS = 16
_NW = _NC * _NS


def _sc_edge_kernel(N, T, E, D):
    EPT = E // _NW
    CH = 2000
    assert EPT % CH == 0
    GCH = 128
    LCAP = ((EPT + GCH - 1) // GCH + 1) * GCH
    TP = T + 128
    STRIPE = TP // _NS
    VEC = 16

    mesh = plsc.VectorSubcoreMesh(core_axis_name="c", subcore_axis_name="s")

    def body(table_hbm, idx_hbm, src_hbm, dst_hbm,
             acc_out, cnt_out, win_out,
             inv_ref, idx_ref, src_ref, dst_ref, gsrc_ref, te_ref,
             gidx_ref, tidx_ref, rows_ref, gidx2_ref, tidx2_ref, rows2_ref,
             cnt2d_ref, wout_ref, sacc, sem, sem2, esem0, esem1):
        c = lax.axis_index("c")
        s = lax.axis_index("s")
        wid = s * _NC + c

        zv = jnp.zeros((VEC,), jnp.float32)

        def zrow(r, _):
            for k in range(D // VEC):
                rows_ref[r, pl.ds(k * VEC, VEC)] = zv
            return 0
        lax.fori_loop(0, GCH, zrow, 0)
        pltpu.sync_copy(rows_ref.at[pl.ds(0, STRIPE)],
                        sacc.at[pl.ds(s * STRIPE, STRIPE)])

        def zcnt(j, _):
            for r in range(VEC):
                cnt2d_ref[r, pl.ds(j * VEC, VEC)] = zv
            return 0
        lax.fori_loop(0, T // VEC, zcnt, 0)

        pltpu.sync_copy(idx_hbm, idx_ref)

        neg1 = jnp.full((VEC,), -1, jnp.int32)

        def memset_inv(i, _):
            inv_ref[pl.ds(i * VEC, VEC)] = neg1
            return 0
        lax.fori_loop(0, N // VEC, memset_inv, 0)

        lane = lax.broadcasted_iota(jnp.int32, (VEC,), 0)

        def build_inv(j, _):
            iv = idx_ref[pl.ds(j * VEC, VEC)]
            tv = lane + j * VEC
            plsc.store_scatter(inv_ref, [iv], tv)
            rb = plsc.load_gather(inv_ref, [iv])
            bad = jnp.sum((rb != tv).astype(jnp.int32))

            @pl.when(bad > 0)
            def _():
                for k in range(VEC):
                    plsc.store_scatter(inv_ref, [iv], tv, mask=lane == k)
            return 0
        lax.fori_loop(0, T // VEC, build_inv, 0)

        plsc.subcore_barrier()

        @pl.when(jnp.logical_and(c == 0, s == 0))
        def _():
            def wb(j, _):
                iv = idx_ref[pl.ds(j * VEC, VEC)]
                wout_ref[pl.ds(j * VEC, VEC)] = plsc.load_gather(inv_ref, [iv])
                return 0
            lax.fori_loop(0, T // VEC, wb, 0)
            pltpu.sync_copy(wout_ref, win_out)

        ebase = wid * EPT
        esems = (esem0, esem1)

        def start_chunk(ch):
            sl = ch % 2
            return (
                pltpu.async_copy(src_hbm.at[pl.ds(ebase + ch * CH, CH)],
                                 src_ref.at[pl.ds(sl * CH, CH)], esems[sl]),
                pltpu.async_copy(dst_hbm.at[pl.ds(ebase + ch * CH, CH)],
                                 dst_ref.at[pl.ds(sl * CH, CH)], esems[sl]),
            )

        NCHUNK = EPT // CH
        pend = start_chunk(0)
        off = jnp.int32(0)
        for ch in range(NCHUNK):
            sl = ch % 2
            nxt = start_chunk(ch + 1) if ch + 1 < NCHUNK else None
            pend[0].wait()
            pend[1].wait()
            pend = nxt

            ov = jnp.ones((VEC,), jnp.float32)

            def scan(j, off, sl=sl):
                dv = dst_ref[pl.ds(sl * CH + j * VEC, VEC)]
                sv = src_ref[pl.ds(sl * CH + j * VEC, VEC)]
                tev = plsc.load_gather(inv_ref, [dv])
                m = tev >= 0
                tsv = plsc.load_gather(inv_ref, [sv])
                gv = jnp.where(tsv >= 0, tsv + N, sv)
                plsc.store_compressed(gsrc_ref.at[pl.ds(off, VEC)], gv, mask=m)
                plsc.store_compressed(te_ref.at[pl.ds(off, VEC)], tev, mask=m)
                plsc.addupdate_scatter(cnt2d_ref, [lane, tev], ov, mask=m)
                return off + jnp.sum(m.astype(jnp.int32))
            off = lax.fori_loop(0, CH // VEC, scan, off)

        dummy = jnp.full((VEC,), T, jnp.int32)
        zidx = jnp.zeros((VEC,), jnp.int32)
        for k in range(GCH // VEC):
            te_ref[pl.ds(off + k * VEC, VEC)] = dummy
            gsrc_ref[pl.ds(off + k * VEC, VEC)] = zidx

        ncb = (off + (GCH - 1)) // GCH
        gidxs = (gidx_ref, gidx2_ref)
        tidxs = (tidx_ref, tidx2_ref)
        rowss = (rows_ref, rows2_ref)
        sems = (sem, sem2)

        def issue_gather(b2, cb):
            b0 = cb * GCH
            for k in range(GCH // VEC):
                gidxs[b2][pl.ds(k * VEC, VEC)] = gsrc_ref[pl.ds(b0 + k * VEC, VEC)]
                tidxs[b2][pl.ds(k * VEC, VEC)] = te_ref[pl.ds(b0 + k * VEC, VEC)]
            pltpu.async_copy(table_hbm.at[gidxs[b2]], rowss[b2], sems[b2])

        @pl.when(ncb > 0)
        def _():
            issue_gather(0, 0)

        def pair(g, _):
            for b2 in range(2):
                i = g * 2 + b2

                def step(i=i, b2=b2):
                    @pl.when(i + 1 < ncb)
                    def _():
                        issue_gather((b2 + 1) % 2, i + 1)
                    pltpu.make_async_copy(table_hbm.at[pl.ds(0, GCH)],
                                          rowss[b2], sems[b2]).wait()
                    pltpu.sync_copy(rowss[b2], sacc.at[tidxs[b2]], add=True)
                pl.when(i < ncb)(step)
            return 0
        lax.fori_loop(0, (ncb + 1) // 2, pair, 0)

        def fold(j, _):
            acc16 = cnt2d_ref[0, pl.ds(j * VEC, VEC)]
            for r in range(1, VEC):
                acc16 = acc16 + cnt2d_ref[r, pl.ds(j * VEC, VEC)]
            cnt2d_ref[0, pl.ds(j * VEC, VEC)] = acc16
            return 0
        lax.fori_loop(0, T // VEC, fold, 0)
        pltpu.sync_copy(cnt2d_ref.at[pl.ds(0, 1)], cnt_out.at[wid])

        plsc.subcore_barrier()

        pltpu.sync_copy(sacc.at[pl.ds(s * STRIPE, STRIPE)],
                        acc_out.at[c, pl.ds(s * STRIPE, STRIPE)])

    return pl.kernel(
        body,
        out_type=(
            jax.ShapeDtypeStruct((_NC, TP, D), jnp.float32),
            jax.ShapeDtypeStruct((_NW, 1, T), jnp.float32),
            jax.ShapeDtypeStruct((T,), jnp.int32),
        ),
        mesh=mesh,
        compiler_params=pltpu.CompilerParams(needs_layout_passes=False),
        scratch_types=[
            pltpu.VMEM((N,), jnp.int32),
            pltpu.VMEM((T,), jnp.int32),
            pltpu.VMEM((2 * CH,), jnp.int32),
            pltpu.VMEM((2 * CH,), jnp.int32),
            pltpu.VMEM((LCAP,), jnp.int32),
            pltpu.VMEM((LCAP,), jnp.int32),
            pltpu.VMEM((GCH,), jnp.int32),
            pltpu.VMEM((GCH,), jnp.int32),
            pltpu.VMEM((GCH, D), jnp.float32),
            pltpu.VMEM((GCH,), jnp.int32),
            pltpu.VMEM((GCH,), jnp.int32),
            pltpu.VMEM((GCH, D), jnp.float32),
            pltpu.VMEM((VEC, T), jnp.float32),
            pltpu.VMEM((T,), jnp.int32),
            pltpu.VMEM_SHARED((TP, D), jnp.float32),
            pltpu.SemaphoreType.DMA,
            pltpu.SemaphoreType.DMA,
            pltpu.SemaphoreType.DMA,
            pltpu.SemaphoreType.DMA,
        ],
    )


def _head_body(T, acc_ref, cnt_ref, win_ref, pert_ref,
               wa_ref, ws_ref, b_ref, wh_ref, bh_ref, out_ref):
    acc = acc_ref[...]
    accs = (acc[0] + acc[1])[:T]
    cnts = jnp.sum(cnt_ref[...], axis=0, keepdims=True)
    win = win_ref[...]
    sel = (win == lax.broadcasted_iota(jnp.int32, (T, T), 1)).astype(jnp.float32)
    accg = jnp.dot(sel, accs, preferred_element_type=jnp.float32)
    cntg = jnp.sum(sel * cnts, axis=1, keepdims=True)
    pert = jnp.dot(sel, pert_ref[...], preferred_element_type=jnp.float32)
    agg = accg / jnp.maximum(cntg, 1.0)
    emb = jnp.maximum(
        jnp.dot(agg, wa_ref[...], preferred_element_type=jnp.float32)
        + jnp.dot(pert, ws_ref[...], preferred_element_type=jnp.float32)
        + b_ref[...], 0.0)
    logits = jnp.dot(emb, wh_ref[...], preferred_element_type=jnp.float32) + bh_ref[...]
    mx = jnp.max(logits, axis=1, keepdims=True)
    ex = jnp.exp(logits - mx)
    out_ref[...] = ex / jnp.sum(ex, axis=1, keepdims=True)


def kernel(perturbed_target_node_features, target_node_original_indices_in_type,
           base_features, edge_index, W_agg, W_self, b, W_head, b_head):
    N, D = base_features.shape
    T = target_node_original_indices_in_type.shape[0]
    E = edge_index.shape[1]
    C = W_head.shape[1]

    table = jnp.concatenate(
        [base_features, perturbed_target_node_features], axis=0)
    idx32 = target_node_original_indices_in_type.astype(jnp.int32)
    src = edge_index[0].astype(jnp.int32)
    dst = edge_index[1].astype(jnp.int32)

    acc2, cnt2, winner = _sc_edge_kernel(N, T, E, D)(table, idx32, src, dst)

    out = pl.pallas_call(
        functools.partial(_head_body, T),
        out_shape=jax.ShapeDtypeStruct((T, C), jnp.float32),
    )(acc2, cnt2.reshape(_NW, T), winner.reshape(T, 1), perturbed_target_node_features,
      W_agg, W_self, b.reshape(1, D), W_head, b_head.reshape(1, C))
    return out

# --- scband reference (transcript-rebuilt; emitter-appended) ---
"""Pipeline reference for scband-node-classification-model-wrapper-2688649527836 (READ-ONLY COPY).

The authoritative reference and input builder live on the scoring server;
editing this copy changes nothing except your own understanding.
"""

import jax, jax.numpy as jnp
import numpy as np

N = 10000   # total nodes of target type
E = 320000  # edges
D = 128     # feature dim
C = 16      # num classes
T = 1024    # num target nodes being explained


def setup_inputs(seed: int = 0) -> dict:
    key = jax.random.key(seed)
    ks = jax.random.split(key, 9)
    scale = 1.0 / np.sqrt(D)
    perturbed = jax.random.normal(ks[0], (T, D), dtype=jnp.float32)
    idx = jax.random.randint(ks[1], (T,), 0, N)
    base_features = jax.random.normal(ks[2], (N, D), dtype=jnp.float32)
    edge_index = jax.random.randint(ks[3], (2, E), 0, N)
    W_agg = jax.random.normal(ks[4], (D, D), dtype=jnp.float32) * scale
    W_self = jax.random.normal(ks[5], (D, D), dtype=jnp.float32) * scale
    b = jnp.zeros((D,), dtype=jnp.float32)
    W_head = jax.random.normal(ks[6], (D, C), dtype=jnp.float32) * scale
    b_head = jnp.zeros((C,), dtype=jnp.float32)
    return {
        "perturbed_target_node_features": perturbed,
        "target_node_original_indices_in_type": idx,
        "base_features": base_features,
        "edge_index": edge_index,
        "W_agg": W_agg,
        "W_self": W_self,
        "b": b,
        "W_head": W_head,
        "b_head": b_head,
    }


def reference(perturbed_target_node_features, target_node_original_indices_in_type,
              base_features, edge_index, W_agg, W_self, b, W_head, b_head):
    # 1) clone full features and overwrite target-node rows with perturbed ones
    feats = base_features.at[target_node_original_indices_in_type].set(
        perturbed_target_node_features)
    # 2) GNN encoder: one mean-aggregation GraphConv layer over the fixed graph
    src = edge_index[0]
    dst = edge_index[1]
    msgs = jnp.take(feats, src, axis=0)                       # gather
    agg = jax.ops.segment_sum(msgs, dst, num_segments=N)      # scatter-add
    deg = jax.ops.segment_sum(jnp.ones((E,), jnp.float32), dst, num_segments=N)
    agg = agg / jnp.maximum(deg, 1.0)[:, None]
    h = jax.nn.relu(agg @ W_agg + feats @ W_self + b)
    # 3) extract target node embeddings
    emb = jnp.take(h, target_node_original_indices_in_type, axis=0)
    # 4) classification head + softmax
    logits = emb @ W_head + b_head
    return jax.nn.softmax(logits, axis=-1)

if __name__ == "__main__":
    import jax
    _d = setup_inputs()
    print(jax.jit(kernel)(*tuple(_d.values())))

</pallas_src>

<mosaic_0001>
#map = affine_map<(d0, d1) -> (0, 0)>
#map1 = affine_map<(d0, d1) -> (0)>
#map2 = affine_map<(d0, d1) -> (0, 0, 0)>
module attributes {stable_mosaic.version = 14 : i64} {
  func.func @body(%arg0: i32, %arg1: i32, %arg2: memref<11024x128xf32, #tpu.memory_space<hbm>>, %arg3: memref<1024xi32, #tpu.memory_space<hbm>>, %arg4: memref<320000xi32, #tpu.memory_space<hbm>>, %arg5: memref<320000xi32, #tpu.memory_space<hbm>>, %arg6: memref<2x1152x128xf32, #tpu.memory_space<hbm>>, %arg7: memref<32x1x1024xf32, #tpu.memory_space<hbm>>, %arg8: memref<1024xi32, #tpu.memory_space<hbm>>, %arg9: memref<10000xi32, #tpu.memory_space<vmem>>, %arg10: memref<1024xi32, #tpu.memory_space<vmem>>, %arg11: memref<4000xi32, #tpu.memory_space<vmem>>, %arg12: memref<4000xi32, #tpu.memory_space<vmem>>, %arg13: memref<10240xi32, #tpu.memory_space<vmem>>, %arg14: memref<10240xi32, #tpu.memory_space<vmem>>, %arg15: memref<128xi32, #tpu.memory_space<vmem>>, %arg16: memref<128xi32, #tpu.memory_space<vmem>>, %arg17: memref<128x128xf32, #tpu.memory_space<vmem>>, %arg18: memref<128xi32, #tpu.memory_space<vmem>>, %arg19: memref<128xi32, #tpu.memory_space<vmem>>, %arg20: memref<128x128xf32, #tpu.memory_space<vmem>>, %arg21: memref<16x1024xf32, #tpu.memory_space<vmem>>, %arg22: memref<1024xi32, #tpu.memory_space<vmem>>, %arg23: memref<1152x128xf32, #tpu.memory_space<vmem_shared>>, %arg24: memref<!tpu.dma_semaphore, #tpu.memory_space<semaphore_mem>>, %arg25: memref<!tpu.dma_semaphore, #tpu.memory_space<semaphore_mem>>, %arg26: memref<!tpu.dma_semaphore, #tpu.memory_space<semaphore_mem>>, %arg27: memref<!tpu.dma_semaphore, #tpu.memory_space<semaphore_mem>>) attributes {dimension_semantics = [#tpu.dimension_semantics<core_parallel>, #tpu.dimension_semantics<subcore_parallel>], iteration_bounds = array<i64: 2, 16>, scalar_prefetch = 0 : i64, scratch_operands = 19 : i64, tpu.core_type = #tpu.core_type<sc_vector_subcore>, window_params = [{transform_indices = #map}, {transform_indices = #map1}, {transform_indices = #map1}, {transform_indices = #map1}, {transform_indices = #map2}, {transform_indices = #map2}, {transform_indices = #map1}]} {
    %mul3A = arith.constant 2 : i32
    %mul3A_0 = arith.muli %arg1, %mul3A : i32
    %add3A = arith.addi %mul3A_0, %arg0 : i32
    %broadcast_in_dim3A = arith.constant 0.000000e+00 : f32
    %broadcast_in_dim3A_1 = vector.broadcast %broadcast_in_dim3A : f32 to vector<16xf32>
    %scan3A = arith.constant 0 : i32
    %scan3A_2 = arith.constant 0 : i32
    %scan3A_3 = arith.constant 128 : i32
    %scan3A_4 = arith.addi %scan3A_2, %scan3A_3 : i32
    %scan3A_5 = arith.constant 1 : i32
    %scan3A_6 = scf.for %scan3A_357 = %scan3A_2 to %scan3A_4 step %scan3A_5 iter_args(%scan3A_358 = %scan3A) -> (i32)  : i32 {
      %swap3A_359 = arith.index_cast %scan3A_357 : i32 to index
      %swap3A_360 = arith.constant 0 : index
      %swap3A_361 = tpu.vector_load %arg17[%swap3A_359, %swap3A_360] {strides = array<i32>} : memref<128x128xf32, #tpu.memory_space<vmem>>, vector<16xf32>,
      tpu.vector_store %arg17[%swap3A_359, %swap3A_360], %broadcast_in_dim3A_1 {strides = array<i32>} : memref<128x128xf32, #tpu.memory_space<vmem>>, vector<16xf32>,
      %swap3A_362 = arith.index_cast %scan3A_357 : i32 to index
      %swap3A_363 = arith.constant 16 : index
      %swap3A_364 = tpu.vector_load %arg17[%swap3A_362, %swap3A_363] {strides = array<i32>} : memref<128x128xf32, #tpu.memory_space<vmem>>, vector<16xf32>,
      tpu.vector_store %arg17[%swap3A_362, %swap3A_363], %broadcast_in_dim3A_1 {strides = array<i32>} : memref<128x128xf32, #tpu.memory_space<vmem>>, vector<16xf32>,
      %swap3A_365 = arith.index_cast %scan3A_357 : i32 to index
      %swap3A_366 = arith.constant 32 : index
      %swap3A_367 = tpu.vector_load %arg17[%swap3A_365, %swap3A_366] {strides = array<i32>} : memref<128x128xf32, #tpu.memory_space<vmem>>, vector<16xf32>,
      tpu.vector_store %arg17[%swap3A_365, %swap3A_366], %broadcast_in_dim3A_1 {strides = array<i32>} : memref<128x128xf32, #tpu.memory_space<vmem>>, vector<16xf32>,
      %swap3A_368 = arith.index_cast %scan3A_357 : i32 to index
      %swap3A_369 = arith.constant 48 : index
      %swap3A_370 = tpu.vector_load %arg17[%swap3A_368, %swap3A_369] {strides = array<i32>} : memref<128x128xf32, #tpu.memory_space<vmem>>, vector<16xf32>,
      tpu.vector_store %arg17[%swap3A_368, %swap3A_369], %broadcast_in_dim3A_1 {strides = array<i32>} : memref<128x128xf32, #tpu.memory_space<vmem>>, vector<16xf32>,
      %swap3A_371 = arith.index_cast %scan3A_357 : i32 to index
      %swap3A_372 = arith.constant 64 : index
      %swap3A_373 = tpu.vector_load %arg17[%swap3A_371, %swap3A_372] {strides = array<i32>} : memref<128x128xf32, #tpu.memory_space<vmem>>, vector<16xf32>,
      tpu.vector_store %arg17[%swap3A_371, %swap3A_372], %broadcast_in_dim3A_1 {strides = array<i32>} : memref<128x128xf32, #tpu.memory_space<vmem>>, vector<16xf32>,
      %swap3A_374 = arith.index_cast %scan3A_357 : i32 to index
      %swap3A_375 = arith.constant 80 : index
      %swap3A_376 = tpu.vector_load %arg17[%swap3A_374, %swap3A_375] {strides = array<i32>} : memref<128x128xf32, #tpu.memory_space<vmem>>, vector<16xf32>,
      tpu.vector_store %arg17[%swap3A_374, %swap3A_375], %broadcast_in_dim3A_1 {strides = array<i32>} : memref<128x128xf32, #tpu.memory_space<vmem>>, vector<16xf32>,
      %swap3A_377 = arith.index_cast %scan3A_357 : i32 to index
      %swap3A_378 = arith.constant 96 : index
      %swap3A_379 = tpu.vector_load %arg17[%swap3A_377, %swap3A_378] {strides = array<i32>} : memref<128x128xf32, #tpu.memory_space<vmem>>, vector<16xf32>,
      tpu.vector_store %arg17[%swap3A_377, %swap3A_378], %broadcast_in_dim3A_1 {strides = array<i32>} : memref<128x128xf32, #tpu.memory_space<vmem>>, vector<16xf32>,
      %swap3A_380 = arith.index_cast %scan3A_357 : i32 to index
      %swap3A_381 = arith.constant 112 : index
      %swap3A_382 = tpu.vector_load %arg17[%swap3A_380, %swap3A_381] {strides = array<i32>} : memref<128x128xf32, #tpu.memory_space<vmem>>, vector<16xf32>,
      tpu.vector_store %arg17[%swap3A_380, %swap3A_381], %broadcast_in_dim3A_1 {strides = array<i32>} : memref<128x128xf32, #tpu.memory_space<vmem>>, vector<16xf32>,
      %scan3A_383 = arith.constant 0 : i32
      scf.yield %scan3A_383 : i32
    }
    %scan3A_7 = arith.constant 128 : i32
    %mul3A_8 = arith.constant 72 : i32
    %mul3A_9 = arith.muli %arg1, %mul3A_8 : i32
    "tpu.region"() ({
      %run_scoped3A = tpu.sem_alloc : memref<!tpu.dma_semaphore, #tpu.memory_space<semaphore_mem>>
      %dma_start3A_357 = arith.constant 0 : i32
      %dma_start3A_358 = arith.constant 0 : i32
      %dma_start3A_359 = tpu.memref_slice %arg17[%dma_start3A_357, %dma_start3A_358] : memref<128x128xf32, #tpu.memory_space<vmem>> -> memref<72x128xf32, #tpu.memory_space<vmem>>
      %dma_start3A_360 = arith.constant 0 : i32
      %dma_start3A_361 = tpu.memref_slice %arg23[%mul3A_9, %dma_start3A_360] : memref<1152x128xf32, #tpu.memory_space<vmem_shared>> -> memref<72x128xf32, #tpu.memory_space<vmem_shared>>
      %dma_start3A_362 = arith.constant 0 : i32
      %dma_start3A_363 = tpu.memref_slice %arg23[%mul3A_9, %dma_start3A_362] : memref<1152x128xf32, #tpu.memory_space<vmem_shared>> -> memref<72x128xf32, #tpu.memory_space<vmem_shared>>
      %dma_start3A_364 = arith.constant 0 : i32
      %dma_start3A_365 = arith.constant 0 : i32
      %dma_start3A_366 = tpu.memref_slice %arg17[%dma_start3A_364, %dma_start3A_365] : memref<128x128xf32, #tpu.memory_space<vmem>> -> memref<72x128xf32, #tpu.memory_space<vmem>>
      tpu.enqueue_dma source(%dma_start3A_366 : memref<72x128xf32, #tpu.memory_space<vmem>>) target(%dma_start3A_363 : memref<72x128xf32, #tpu.memory_space<vmem_shared>>) target_semaphore(%run_scoped3A : memref<!tpu.dma_semaphore, #tpu.memory_space<semaphore_mem>>)
      %dma_wait3A_367 = arith.constant 0 : i32
      %dma_wait3A_368 = arith.constant 0 : i32
      %dma_wait3A_369 = tpu.memref_slice %arg17[%dma_wait3A_367, %dma_wait3A_368] : memref<128x128xf32, #tpu.memory_space<vmem>> -> memref<72x128xf32, #tpu.memory_space<vmem>>
      %dma_wait3A_370 = arith.constant 0 : i32
      %dma_wait3A_371 = tpu.memref_slice %arg23[%mul3A_9, %dma_wait3A_370] : memref<1152x128xf32, #tpu.memory_space<vmem_shared>> -> memref<72x128xf32, #tpu.memory_space<vmem_shared>>
      %dma_wait3A_372 = arith.constant 0 : i32
      %dma_wait3A_373 = tpu.memref_slice %arg23[%mul3A_9, %dma_wait3A_372] : memref<1152x128xf32, #tpu.memory_space<vmem_shared>> -> memref<72x128xf32, #tpu.memory_space<vmem_shared>>
      %dma_wait3A_374 = arith.constant 0 : i32
      %dma_wait3A_375 = arith.constant 0 : i32
      %dma_wait3A_376 = tpu.memref_slice %arg17[%dma_wait3A_374, %dma_wait3A_375] : memref<128x128xf32, #tpu.memory_space<vmem>> -> memref<72x128xf32, #tpu.memory_space<vmem>>
      tpu.wait_dma2 semaphore(%run_scoped3A : memref<!tpu.dma_semaphore, #tpu.memory_space<semaphore_mem>>) src(%dma_wait3A_376 : memref<72x128xf32, #tpu.memory_space<vmem>>) dst(%dma_wait3A_373 : memref<72x128xf32, #tpu.memory_space<vmem_shared>>)
      tpu.yield
    }) : () -> ()
    %scan3A_10 = arith.constant 0 : i32
    %scan3A_11 = arith.constant 0 : i32
    %scan3A_12 = arith.constant 64 : i32
    %scan3A_13 = arith.addi %scan3A_11, %scan3A_12 : i32
    %scan3A_14 = arith.constant 1 : i32
    %scan3A_15 = scf.for %scan3A_357 = %scan3A_11 to %scan3A_13 step %scan3A_14 iter_args(%scan3A_358 = %scan3A_10) -> (i32)  : i32 {
      %mul3A_359 = arith.constant 16 : i32
      %mul3A_360 = arith.muli %scan3A_357, %mul3A_359 : i32
      %swap3A_361 = arith.constant 0 : i32
      %swap3A_362 = arith.index_cast %swap3A_361 : i32 to index
      %swap3A_363 = arith.index_cast %mul3A_360 : i32 to index
      %swap3A_364 = tpu.vector_load %arg21[%swap3A_362, %swap3A_363] {strides = array<i32>} : memref<16x1024xf32, #tpu.memory_space<vmem>>, vector<16xf32>,
      tpu.vector_store %arg21[%swap3A_362, %swap3A_363], %broadcast_in_dim3A_1 {strides = array<i32>} : memref<16x1024xf32, #tpu.memory_space<vmem>>, vector<16xf32>,
      %mul3A_365 = arith.constant 16 : i32
      %mul3A_366 = arith.muli %scan3A_357, %mul3A_365 : i32
      %swap3A_367 = arith.constant 1 : i32
      %swap3A_368 = arith.index_cast %swap3A_367 : i32 to index
      %swap3A_369 = arith.index_cast %mul3A_366 : i32 to index
      %swap3A_370 = tpu.vector_load %arg21[%swap3A_368, %swap3A_369] {strides = array<i32>} : memref<16x1024xf32, #tpu.memory_space<vmem>>, vector<16xf32>,
      tpu.vector_store %arg21[%swap3A_368, %swap3A_369], %broadcast_in_dim3A_1 {strides = array<i32>} : memref<16x1024xf32, #tpu.memory_space<vmem>>, vector<16xf32>,
      %mul3A_371 = arith.constant 16 : i32
      %mul3A_372 = arith.muli %scan3A_357, %mul3A_371 : i32
      %swap3A_373 = arith.constant 2 : i32
      %swap3A_374 = arith.index_cast %swap3A_373 : i32 to index
      %swap3A_375 = arith.index_cast %mul3A_372 : i32 to index
      %swap3A_376 = tpu.vector_load %arg21[%swap3A_374, %swap3A_375] {strides = array<i32>} : memref<16x1024xf32, #tpu.memory_space<vmem>>, vector<16xf32>,
      tpu.vector_store %arg21[%swap3A_374, %swap3A_375], %broadcast_in_dim3A_1 {strides = array<i32>} : memref<16x1024xf32, #tpu.memory_space<vmem>>, vector<16xf32>,
      %mul3A_377 = arith.constant 16 : i32
      %mul3A_378 = arith.muli %scan3A_357, %mul3A_377 : i32
      %swap3A_379 = arith.constant 3 : i32
      %swap3A_380 = arith.index_cast %swap3A_379 : i32 to index
      %swap3A_381 = arith.index_cast %mul3A_378 : i32 to index
      %swap3A_382 = tpu.vector_load %arg21[%swap3A_380, %swap3A_381] {strides = array<i32>} : memref<16x1024xf32, #tpu.memory_space<vmem>>, vector<16xf32>,
      tpu.vector_store %arg21[%swap3A_380, %swap3A_381], %broadcast_in_dim3A_1 {strides = array<i32>} : memref<16x1024xf32, #tpu.memory_space<vmem>>, vector<16xf32>,
      %mul3A_383 = arith.constant 16 : i32
      %mul3A_384 = arith.muli %scan3A_357, %mul3A_383 : i32
      %swap3A_385 = arith.constant 4 : i32
      %swap3A_386 = arith.index_cast %swap3A_385 : i32 to index
      %swap3A_387 = arith.index_cast %mul3A_384 : i32 to index
      %swap3A_388 = tpu.vector_load %arg21[%swap3A_386, %swap3A_387] {strides = array<i32>} : memref<16x1024xf32, #tpu.memory_space<vmem>>, vector<16xf32>,
      tpu.vector_store %arg21[%swap3A_386, %swap3A_387], %broadcast_in_dim3A_1 {strides = array<i32>} : memref<16x1024xf32, #tpu.memory_space<vmem>>, vector<16xf32>,
      %mul3A_389 = arith.constant 16 : i32
      %mul3A_390 = arith.muli %scan3A_357, %mul3A_389 : i32
      %swap3A_391 = arith.constant 5 : i32
      %swap3A_392 = arith.index_cast %swap3A_391 : i32 to index
      %swap3A_393 = arith.index_cast %mul3A_390 : i32 to index
      %swap3A_394 = tpu.vector_load %arg21[%swap3A_392, %swap3A_393] {strides = array<i32>} : memref<16x1024xf32, #tpu.memory_space<vmem>>, vector<16xf32>,
      tpu.vector_store %arg21[%swap3A_392, %swap3A_393], %broadcast_in_dim3A_1 {strides = array<i32>} : memref<16x1024xf32, #tpu.memory_space<vmem>>, vector<16xf32>,
      %mul3A_395 = arith.constant 16 : i32
      %mul3A_396 = arith.muli %scan3A_357, %mul3A_395 : i32
      %swap3A_397 = arith.constant 6 : i32
      %swap3A_398 = arith.index_cast %swap3A_397 : i32 to index
      %swap3A_399 = arith.index_cast %mul3A_396 : i32 to index
      %swap3A_400 = tpu.vector_load %arg21[%swap3A_398, %swap3A_399] {strides = array<i32>} : memref<16x1024xf32, #tpu.memory_space<vmem>>, vector<16xf32>,
      tpu.vector_store %arg21[%swap3A_398, %swap3A_399], %broadcast_in_dim3A_1 {strides = array<i32>} : memref<16x1024xf32, #tpu.memory_space<vmem>>, vector<16xf32>,
      %mul3A_401 = arith.constant 16 : i32
      %mul3A_402 = arith.muli %scan3A_357, %mul3A_401 : i32
      %swap3A_403 = arith.constant 7 : i32
      %swap3A_404 = arith.index_cast %swap3A_403 : i32 to index
      %swap3A_405 = arith.index_cast %mul3A_402 : i32 to index
      %swap3A_406 = tpu.vector_load %arg21[%swap3A_404, %swap3A_405] {strides = array<i32>} : memref<16x1024xf32, #tpu.memory_space<vmem>>, vector<16xf32>,
      tpu.vector_store %arg21[%swap3A_404, %swap3A_405], %broadcast_in_dim3A_1 {strides = array<i32>} : memref<16x1024xf32, #tpu.memory_space<vmem>>, vector<16xf32>,
      %mul3A_407 = arith.constant 16 : i32
      %mul3A_408 = arith.muli %scan3A_357, %mul3A_407 : i32
      %swap3A_409 = arith.constant 8 : i32
      %swap3A_410 = arith.index_cast %swap3A_409 : i32 to index
      %swap3A_411 = arith.index_cast %mul3A_408 : i32 to index
      %swap3A_412 = tpu.vector_load %arg21[%swap3A_410, %swap3A_411] {strides = array<i32>} : memref<16x1024xf32, #tpu.memory_space<vmem>>, vector<16xf32>,
      tpu.vector_store %arg21[%swap3A_410, %swap3A_411], %broadcast_in_dim3A_1 {strides = array<i32>} : memref<16x1024xf32, #tpu.memory_space<vmem>>, vector<16xf32>,
      %mul3A_413 = arith.constant 16 : i32
      %mul3A_414 = arith.muli %scan3A_357, %mul3A_413 : i32
      %swap3A_415 = arith.constant 9 : i32
      %swap3A_416 = arith.index_cast %swap3A_415 : i32 to index
      %swap3A_417 = arith.index_cast %mul3A_414 : i32 to index
      %swap3A_418 = tpu.vector_load %arg21[%swap3A_416, %swap3A_417] {strides = array<i32>} : memref<16x1024xf32, #tpu.memory_space<vmem>>, vector<16xf32>,
      tpu.vector_store %arg21[%swap3A_416, %swap3A_417], %broadcast_in_dim3A_1 {strides = array<i32>} : memref<16x1024xf32, #tpu.memory_space<vmem>>, vector<16xf32>,
      %mul3A_419 = arith.constant 16 : i32
      %mul3A_420 = arith.muli %scan3A_357, %mul3A_419 : i32
      %swap3A_421 = arith.constant 10 : i32
      %swap3A_422 = arith.index_cast %swap3A_421 : i32 to index
      %swap3A_423 = arith.index_cast %mul3A_420 : i32 to index
      %swap3A_424 = tpu.vector_load %arg21[%swap3A_422, %swap3A_423] {strides = array<i32>} : memref<16x1024xf32, #tpu.memory_space<vmem>>, vector<16xf32>,
      tpu.vector_store %arg21[%swap3A_422, %swap3A_423], %broadcast_in_dim3A_1 {strides = array<i32>} : memref<16x1024xf32, #tpu.memory_space<vmem>>, vector<16xf32>,
      %mul3A_425 = arith.constant 16 : i32
      %mul3A_426 = arith.muli %scan3A_357, %mul3A_425 : i32
      %swap3A_427 = arith.constant 11 : i32
      %swap3A_428 = arith.index_cast %swap3A_427 : i32 to index
      %swap3A_429 = arith.index_cast %mul3A_426 : i32 to index
      %swap3A_430 = tpu.vector_load %arg21[%swap3A_428, %swap3A_429] {strides = array<i32>} : memref<16x1024xf32, #tpu.memory_space<vmem>>, vector<16xf32>,
      tpu.vector_store %arg21[%swap3A_428, %swap3A_429], %broadcast_in_dim3A_1 {strides = array<i32>} : memref<16x1024xf32, #tpu.memory_space<vmem>>, vector<16xf32>,
      %mul3A_431 = arith.constant 16 : i32
      %mul3A_432 = arith.muli %scan3A_357, %mul3A_431 : i32
      %swap3A_433 = arith.constant 12 : i32
      %swap3A_434 = arith.index_cast %swap3A_433 : i32 to index
      %swap3A_435 = arith.index_cast %mul3A_432 : i32 to index
      %swap3A_436 = tpu.vector_load %arg21[%swap3A_434, %swap3A_435] {strides = array<i32>} : memref<16x1024xf32, #tpu.memory_space<vmem>>, vector<16xf32>,
      tpu.vector_store %arg21[%swap3A_434, %swap3A_435], %broadcast_in_dim3A_1 {strides = array<i32>} : memref<16x1024xf32, #tpu.memory_space<vmem>>, vector<16xf32>,
      %mul3A_437 = arith.constant 16 : i32
      %mul3A_438 = arith.muli %scan3A_357, %mul3A_437 : i32
      %swap3A_439 = arith.constant 13 : i32
      %swap3A_440 = arith.index_cast %swap3A_439 : i32 to index
      %swap3A_441 = arith.index_cast %mul3A_438 : i32 to index
      %swap3A_442 = tpu.vector_load %arg21[%swap3A_440, %swap3A_441] {strides = array<i32>} : memref<16x1024xf32, #tpu.memory_space<vmem>>, vector<16xf32>,
      tpu.vector_store %arg21[%swap3A_440, %swap3A_441], %broadcast_in_dim3A_1 {strides = array<i32>} : memref<16x1024xf32, #tpu.memory_space<vmem>>, vector<16xf32>,
      %mul3A_443 = arith.constant 16 : i32
      %mul3A_444 = arith.muli %scan3A_357, %mul3A_443 : i32
      %swap3A_445 = arith.constant 14 : i32
      %swap3A_446 = arith.index_cast %swap3A_445 : i32 to index
      %swap3A_447 = arith.index_cast %mul3A_444 : i32 to index
      %swap3A_448 = tpu.vector_load %arg21[%swap3A_446, %swap3A_447] {strides = array<i32>} : memref<16x1024xf32, #tpu.memory_space<vmem>>, vector<16xf32>,
      tpu.vector_store %arg21[%swap3A_446, %swap3A_447], %broadcast_in_dim3A_1 {strides = array<i32>} : memref<16x1024xf32, #tpu.memory_space<vmem>>, vector<16xf32>,
      %mul3A_449 = arith.constant 16 : i32
      %mul3A_450 = arith.muli %scan3A_357, %mul3A_449 : i32
      %swap3A_451 = arith.constant 15 : i32
      %swap3A_452 = arith.index_cast %swap3A_451 : i32 to index
      %swap3A_453 = arith.index_cast %mul3A_450 : i32 to index
      %swap3A_454 = tpu.vector_load %arg21[%swap3A_452, %swap3A_453] {strides = array<i32>} : memref<16x1024xf32, #tpu.memory_space<vmem>>, vector<16xf32>,
      tpu.vector_store %arg21[%swap3A_452, %swap3A_453], %broadcast_in_dim3A_1 {strides = array<i32>} : memref<16x1024xf32, #tpu.memory_space<vmem>>, vector<16xf32>,
      %scan3A_455 = arith.constant 0 : i32
      scf.yield %scan3A_455 : i32
    }
    %scan3A_16 = arith.constant 64 : i32
    "tpu.region"() ({
      %run_scoped3A = tpu.sem_alloc : memref<!tpu.dma_semaphore, #tpu.memory_space<semaphore_mem>>
      tpu.enqueue_dma source(%arg3 : memref<1024xi32, #tpu.memory_space<hbm>>) target(%arg10 : memref<1024xi32, #tpu.memory_space<vmem>>) target_semaphore(%run_scoped3A : memref<!tpu.dma_semaphore, #tpu.memory_space<semaphore_mem>>)
      tpu.wait_dma2 semaphore(%run_scoped3A : memref<!tpu.dma_semaphore, #tpu.memory_space<semaphore_mem>>) src(%arg3 : memref<1024xi32, #tpu.memory_space<hbm>>) dst(%arg10 : memref<1024xi32, #tpu.memory_space<vmem>>)
      tpu.yield
    }) : () -> ()
    %broadcast_in_dim3A_17 = arith.constant -1 : i32
    %broadcast_in_dim3A_18 = vector.broadcast %broadcast_in_dim3A_17 : i32 to vector<16xi32>
    %scan3A_19 = arith.constant 0 : i32
    %scan3A_20 = arith.constant 0 : i32
    %scan3A_21 = arith.constant 625 : i32
    %scan3A_22 = arith.addi %scan3A_20, %scan3A_21 : i32
    %scan3A_23 = arith.constant 1 : i32
    %scan3A_24 = scf.for %scan3A_357 = %scan3A_20 to %scan3A_22 step %scan3A_23 iter_args(%scan3A_358 = %scan3A_19) -> (i32)  : i32 {
      %mul3A_359 = arith.constant 16 : i32
      %mul3A_360 = arith.muli %scan3A_357, %mul3A_359 : i32
      %swap3A_361 = arith.index_cast %mul3A_360 : i32 to index
      %swap3A_362 = tpu.vector_load %arg9[%swap3A_361] {strides = array<i32>} : memref<10000xi32, #tpu.memory_space<vmem>>, vector<16xi32>,
      tpu.vector_store %arg9[%swap3A_361], %broadcast_in_dim3A_18 {strides = array<i32>} : memref<10000xi32, #tpu.memory_space<vmem>>, vector<16xi32>,
      %scan3A_363 = arith.constant 0 : i32
      scf.yield %scan3A_363 : i32
    }
    %scan3A_25 = arith.constant 625 : i32
    %iota3A = tpu.iota {dimensions = array<i32: 0>} : vector<16xi32>
    %scan3A_26 = arith.constant 0 : i32
    %scan3A_27 = arith.constant 0 : i32
    %scan3A_28 = arith.constant 64 : i32
    %scan3A_29 = arith.addi %scan3A_27, %scan3A_28 : i32
    %scan3A_30 = arith.constant 1 : i32
    %scan3A_31 = scf.for %scan3A_357 = %scan3A_27 to %scan3A_29 step %scan3A_30 iter_args(%scan3A_358 = %scan3A_26) -> (i32)  : i32 {
      %mul3A_359 = arith.constant 16 : i32
      %mul3A_360 = arith.muli %scan3A_357, %mul3A_359 : i32
      %get3A = arith.index_cast %mul3A_360 : i32 to index
      %get3A_361 = tpu.vector_load %arg10[%get3A] {strides = array<i32>} : memref<1024xi32, #tpu.memory_space<vmem>>, vector<16xi32>,
      %mul3A_362 = arith.constant 16 : i32
      %mul3A_363 = arith.muli %scan3A_357, %mul3A_362 : i32
      %add3A_364 = vector.broadcast %mul3A_363 : i32 to vector<16xi32>
      %add3A_365 = arith.addi %iota3A, %add3A_364 : vector<16xi32>
      tpu.vector_store_idx %arg9[%get3A_361], %add3A_365 : memref<10000xi32, #tpu.memory_space<vmem>>[vector<16xi32>], vector<16xi32>,
      %gather3A = tpu.vector_load_idx %arg9[%get3A_361] : memref<10000xi32, #tpu.memory_space<vmem>>[vector<16xi32>], vector<16xi32>,
      %ne3A_366 = arith.cmpi ne, %gather3A, %add3A_365 : vector<16xi32>
      %convert_element_type3A_367 = arith.extui %ne3A_366 : vector<16xi1> to vector<16xi32>
      %reduce_sum3A = arith.constant true
      %reduce_sum3A_368 = vector.broadcast %reduce_sum3A : i1 to vector<16xi1>
      %reduce_sum3A_369 = tpu.scan <sum>, %convert_element_type3A_367 masked %reduce_sum3A_368 : vector<16xi32>, vector<16xi1> -> vector<16xi32>
      %reduce_sum3A_370 = vector.extract %reduce_sum3A_369[15] : i32 from vector<16xi32>
      %gt3A_371 = arith.constant 0 : i32
      %gt3A_372 = arith.cmpi sgt, %reduce_sum3A_370, %gt3A_371 : i32
      %convert_element_type3A_373 = arith.extui %gt3A_372 : i1 to i32
      %cond3A_374 = arith.constant 0 : i32
      %cond3A_375 = arith.cmpi ne, %convert_element_type3A_373, %cond3A_374 : i32
      scf.if %cond3A_375 {
        %eq3A_377 = arith.constant 0 : i32
        %eq3A_378 = vector.broadcast %eq3A_377 : i32 to vector<16xi32>
        %eq3A_379 = arith.cmpi eq, %iota3A, %eq3A_378 : vector<16xi32>
        tpu.vector_store_idx %arg9[%get3A_361], %add3A_365 masked %eq3A_379 : memref<10000xi32, #tpu.memory_space<vmem>>[vector<16xi32>], vector<16xi32>, vector<16xi1>
        %eq3A_380 = arith.constant 1 : i32
        %eq3A_381 = vector.broadcast %eq3A_380 : i32 to vector<16xi32>
        %eq3A_382 = arith.cmpi eq, %iota3A, %eq3A_381 : vector<16xi32>
        tpu.vector_store_idx %arg9[%get3A_361], %add3A_365 masked %eq3A_382 : memref<10000xi32, #tpu.memory_space<vmem>>[vector<16xi32>], vector<16xi32>, vector<16xi1>
        %eq3A_383 = arith.constant 2 : i32
        %eq3A_384 = vector.broadcast %eq3A_383 : i32 to vector<16xi32>
        %eq3A_385 = arith.cmpi eq, %iota3A, %eq3A_384 : vector<16xi32>
        tpu.vector_store_idx %arg9[%get3A_361], %add3A_365 masked %eq3A_385 : memref<10000xi32, #tpu.memory_space<vmem>>[vector<16xi32>], vector<16xi32>, vector<16xi1>
        %eq3A_386 = arith.constant 3 : i32
        %eq3A_387 = vector.broadcast %eq3A_386 : i32 to vector<16xi32>
        %eq3A_388 = arith.cmpi eq, %iota3A, %eq3A_387 : vector<16xi32>
        tpu.vector_store_idx %arg9[%get3A_361], %add3A_365 masked %eq3A_388 : memref<10000xi32, #tpu.memory_space<vmem>>[vector<16xi32>], vector<16xi32>, vector<16xi1>
        %eq3A_389 = arith.constant 4 : i32
        %eq3A_390 = vector.broadcast %eq3A_389 : i32 to vector<16xi32>
        %eq3A_391 = arith.cmpi eq, %iota3A, %eq3A_390 : vector<16xi32>
        tpu.vector_store_idx %arg9[%get3A_361], %add3A_365 masked %eq3A_391 : memref<10000xi32, #tpu.memory_space<vmem>>[vector<16xi32>], vector<16xi32>, vector<16xi1>
        %eq3A_392 = arith.constant 5 : i32
        %eq3A_393 = vector.broadcast %eq3A_392 : i32 to vector<16xi32>
        %eq3A_394 = arith.cmpi eq, %iota3A, %eq3A_393 : vector<16xi32>
        tpu.vector_store_idx %arg9[%get3A_361], %add3A_365 masked %eq3A_394 : memref<10000xi32, #tpu.memory_space<vmem>>[vector<16xi32>], vector<16xi32>, vector<16xi1>
        %eq3A_395 = arith.constant 6 : i32
        %eq3A_396 = vector.broadcast %eq3A_395 : i32 to vector<16xi32>
        %eq3A_397 = arith.cmpi eq, %iota3A, %eq3A_396 : vector<16xi32>
        tpu.vector_store_idx %arg9[%get3A_361], %add3A_365 masked %eq3A_397 : memref<10000xi32, #tpu.memory_space<vmem>>[vector<16xi32>], vector<16xi32>, vector<16xi1>
        %eq3A_398 = arith.constant 7 : i32
        %eq3A_399 = vector.broadcast %eq3A_398 : i32 to vector<16xi32>
        %eq3A_400 = arith.cmpi eq, %iota3A, %eq3A_399 : vector<16xi32>
        tpu.vector_store_idx %arg9[%get3A_361], %add3A_365 masked %eq3A_400 : memref<10000xi32, #tpu.memory_space<vmem>>[vector<16xi32>], vector<16xi32>, vector<16xi1>
        %eq3A_401 = arith.constant 8 : i32
        %eq3A_402 = vector.broadcast %eq3A_401 : i32 to vector<16xi32>
        %eq3A_403 = arith.cmpi eq, %iota3A, %eq3A_402 : vector<16xi32>
        tpu.vector_store_idx %arg9[%get3A_361], %add3A_365 masked %eq3A_403 : memref<10000xi32, #tpu.memory_space<vmem>>[vector<16xi32>], vector<16xi32>, vector<16xi1>
        %eq3A_404 = arith.constant 9 : i32
        %eq3A_405 = vector.broadcast %eq3A_404 : i32 to vector<16xi32>
        %eq3A_406 = arith.cmpi eq, %iota3A, %eq3A_405 : vector<16xi32>
        tpu.vector_store_idx %arg9[%get3A_361], %add3A_365 masked %eq3A_406 : memref<10000xi32, #tpu.memory_space<vmem>>[vector<16xi32>], vector<16xi32>, vector<16xi1>
        %eq3A_407 = arith.constant 10 : i32
        %eq3A_408 = vector.broadcast %eq3A_407 : i32 to vector<16xi32>
        %eq3A_409 = arith.cmpi eq, %iota3A, %eq3A_408 : vector<16xi32>
        tpu.vector_store_idx %arg9[%get3A_361], %add3A_365 masked %eq3A_409 : memref<10000xi32, #tpu.memory_space<vmem>>[vector<16xi32>], vector<16xi32>, vector<16xi1>
        %eq3A_410 = arith.constant 11 : i32
        %eq3A_411 = vector.broadcast %eq3A_410 : i32 to vector<16xi32>
        %eq3A_412 = arith.cmpi eq, %iota3A, %eq3A_411 : vector<16xi32>
        tpu.vector_store_idx %arg9[%get3A_361], %add3A_365 masked %eq3A_412 : memref<10000xi32, #tpu.memory_space<vmem>>[vector<16xi32>], vector<16xi32>, vector<16xi1>
        %eq3A_413 = arith.constant 12 : i32
        %eq3A_414 = vector.broadcast %eq3A_413 : i32 to vector<16xi32>
        %eq3A_415 = arith.cmpi eq, %iota3A, %eq3A_414 : vector<16xi32>
        tpu.vector_store_idx %arg9[%get3A_361], %add3A_365 masked %eq3A_415 : memref<10000xi32, #tpu.memory_space<vmem>>[vector<16xi32>], vector<16xi32>, vector<16xi1>
        %eq3A_416 = arith.constant 13 : i32
        %eq3A_417 = vector.broadcast %eq3A_416 : i32 to vector<16xi32>
        %eq3A_418 = arith.cmpi eq, %iota3A, %eq3A_417 : vector<16xi32>
        tpu.vector_store_idx %arg9[%get3A_361], %add3A_365 masked %eq3A_418 : memref<10000xi32, #tpu.memory_space<vmem>>[vector<16xi32>], vector<16xi32>, vector<16xi1>
        %eq3A_419 = arith.constant 14 : i32
        %eq3A_420 = vector.broadcast %eq3A_419 : i32 to vector<16xi32>
        %eq3A_421 = arith.cmpi eq, %iota3A, %eq3A_420 : vector<16xi32>
        tpu.vector_store_idx %arg9[%get3A_361], %add3A_365 masked %eq3A_421 : memref<10000xi32, #tpu.memory_space<vmem>>[vector<16xi32>], vector<16xi32>, vector<16xi1>
        %eq3A_422 = arith.constant 15 : i32
        %eq3A_423 = vector.broadcast %eq3A_422 : i32 to vector<16xi32>
        %eq3A_424 = arith.cmpi eq, %iota3A, %eq3A_423 : vector<16xi32>
        tpu.vector_store_idx %arg9[%get3A_361], %add3A_365 masked %eq3A_424 : memref<10000xi32, #tpu.memory_space<vmem>>[vector<16xi32>], vector<16xi32>, vector<16xi1>
      } else {
      }
      %scan3A_376 = arith.constant 0 : i32
      scf.yield %scan3A_376 : i32
    }
    %scan3A_32 = arith.constant 64 : i32
    %barrier3A = arith.constant 0 : index
    tpu.barrier barrier_id(%barrier3A)
    %eq3A = arith.constant 0 : i32
    %eq3A_33 = arith.cmpi eq, %arg0, %eq3A : i32
    %eq3A_34 = arith.constant 0 : i32
    %eq3A_35 = arith.cmpi eq, %arg1, %eq3A_34 : i32
    %and3A = arith.andi %eq3A_33, %eq3A_35 : i1
    %convert_element_type3A = arith.extui %and3A : i1 to i32
    %cond3A = arith.constant 0 : i32
    %cond3A_36 = arith.cmpi ne, %convert_element_type3A, %cond3A : i32
    scf.if %cond3A_36 {
      %scan3A_357 = arith.constant 0 : i32
      %scan3A_358 = arith.constant 0 : i32
      %scan3A_359 = arith.constant 64 : i32
      %scan3A_360 = arith.addi %scan3A_358, %scan3A_359 : i32
      %scan3A_361 = arith.constant 1 : i32
      %scan3A_362 = scf.for %scan3A_364 = %scan3A_358 to %scan3A_360 step %scan3A_361 iter_args(%scan3A_365 = %scan3A_357) -> (i32)  : i32 {
        %mul3A_366 = arith.constant 16 : i32
        %mul3A_367 = arith.muli %scan3A_364, %mul3A_366 : i32
        %get3A = arith.index_cast %mul3A_367 : i32 to index
        %get3A_368 = tpu.vector_load %arg10[%get3A] {strides = array<i32>} : memref<1024xi32, #tpu.memory_space<vmem>>, vector<16xi32>,
        %gather3A = tpu.vector_load_idx %arg9[%get3A_368] : memref<10000xi32, #tpu.memory_space<vmem>>[vector<16xi32>], vector<16xi32>,
        %mul3A_369 = arith.constant 16 : i32
        %mul3A_370 = arith.muli %scan3A_364, %mul3A_369 : i32
        %swap3A_371 = arith.index_cast %mul3A_370 : i32 to index
        %swap3A_372 = tpu.vector_load %arg22[%swap3A_371] {strides = array<i32>} : memref<1024xi32, #tpu.memory_space<vmem>>, vector<16xi32>,
        tpu.vector_store %arg22[%swap3A_371], %gather3A {strides = array<i32>} : memref<1024xi32, #tpu.memory_space<vmem>>, vector<16xi32>,
        %scan3A_373 = arith.constant 0 : i32
        scf.yield %scan3A_373 : i32
      }
      %scan3A_363 = arith.constant 64 : i32
      "tpu.region"() ({
        %run_scoped3A = tpu.sem_alloc : memref<!tpu.dma_semaphore, #tpu.memory_space<semaphore_mem>>
        tpu.enqueue_dma source(%arg22 : memref<1024xi32, #tpu.memory_space<vmem>>) target(%arg8 : memref<1024xi32, #tpu.memory_space<hbm>>) target_semaphore(%run_scoped3A : memref<!tpu.dma_semaphore, #tpu.memory_space<semaphore_mem>>)
        tpu.wait_dma2 semaphore(%run_scoped3A : memref<!tpu.dma_semaphore, #tpu.memory_space<semaphore_mem>>) src(%arg22 : memref<1024xi32, #tpu.memory_space<vmem>>) dst(%arg8 : memref<1024xi32, #tpu.memory_space<hbm>>)
        tpu.yield
      }) : () -> ()
    } else {
    }
    %mul3A_37 = arith.constant 10000 : i32
    %mul3A_38 = arith.muli %add3A, %mul3A_37 : i32
    %add3A_39 = arith.constant 0 : i32
    %add3A_40 = arith.addi %mul3A_38, %add3A_39 : i32
    %dma_start3A = arith.constant 0 : i32
    %dma_start3A_41 = tpu.memref_slice %arg11[%dma_start3A] : memref<4000xi32, #tpu.memory_space<vmem>> -> memref<2000xi32, #tpu.memory_space<vmem>>
    %dma_start3A_42 = tpu.memref_slice %arg4[%add3A_40] : memref<320000xi32, #tpu.memory_space<hbm>> -> memref<2000xi32, #tpu.memory_space<hbm>>
    %dma_start3A_43 = arith.constant 0 : i32
    %dma_start3A_44 = tpu.memref_slice %arg11[%dma_start3A_43] : memref<4000xi32, #tpu.memory_space<vmem>> -> memref<2000xi32, #tpu.memory_space<vmem>>
    %dma_start3A_45 = tpu.memref_slice %arg4[%add3A_40] : memref<320000xi32, #tpu.memory_space<hbm>> -> memref<2000xi32, #tpu.memory_space<hbm>>
    tpu.enqueue_dma source(%dma_start3A_45 : memref<2000xi32, #tpu.memory_space<hbm>>) target(%dma_start3A_44 : memref<2000xi32, #tpu.memory_space<vmem>>) target_semaphore(%arg26 : memref<!tpu.dma_semaphore, #tpu.memory_space<semaphore_mem>>)
    %add3A_46 = arith.constant 0 : i32
    %add3A_47 = arith.addi %mul3A_38, %add3A_46 : i32
    %dma_start3A_48 = arith.constant 0 : i32
    %dma_start3A_49 = tpu.memref_slice %arg12[%dma_start3A_48] : memref<4000xi32, #tpu.memory_space<vmem>> -> memref<2000xi32, #tpu.memory_space<vmem>>
    %dma_start3A_50 = tpu.memref_slice %arg5[%add3A_47] : memref<320000xi32, #tpu.memory_space<hbm>> -> memref<2000xi32, #tpu.memory_space<hbm>>
    %dma_start3A_51 = arith.constant 0 : i32
    %dma_start3A_52 = tpu.memref_slice %arg12[%dma_start3A_51] : memref<4000xi32, #tpu.memory_space<vmem>> -> memref<2000xi32, #tpu.memory_space<vmem>>
    %dma_start3A_53 = tpu.memref_slice %arg5[%add3A_47] : memref<320000xi32, #tpu.memory_space<hbm>> -> memref<2000xi32, #tpu.memory_space<hbm>>
    tpu.enqueue_dma source(%dma_start3A_53 : memref<2000xi32, #tpu.memory_space<hbm>>) target(%dma_start3A_52 : memref<2000xi32, #tpu.memory_space<vmem>>) target_semaphore(%arg26 : memref<!tpu.dma_semaphore, #tpu.memory_space<semaphore_mem>>)
    %add3A_54 = arith.constant 2000 : i32
    %add3A_55 = arith.addi %mul3A_38, %add3A_54 : i32
    %dma_start3A_56 = arith.constant 2000 : i32
    %dma_start3A_57 = tpu.memref_slice %arg11[%dma_start3A_56] : memref<4000xi32, #tpu.memory_space<vmem>> -> memref<2000xi32, #tpu.memory_space<vmem>>
    %dma_start3A_58 = tpu.memref_slice %arg4[%add3A_55] : memref<320000xi32, #tpu.memory_space<hbm>> -> memref<2000xi32, #tpu.memory_space<hbm>>
    %dma_start3A_59 = arith.constant 2000 : i32
    %dma_start3A_60 = tpu.memref_slice %arg11[%dma_start3A_59] : memref<4000xi32, #tpu.memory_space<vmem>> -> memref<2000xi32, #tpu.memory_space<vmem>>
    %dma_start3A_61 = tpu.memref_slice %arg4[%add3A_55] : memref<320000xi32, #tpu.memory_space<hbm>> -> memref<2000xi32, #tpu.memory_space<hbm>>
    tpu.enqueue_dma source(%dma_start3A_61 : memref<2000xi32, #tpu.memory_space<hbm>>) target(%dma_start3A_60 : memref<2000xi32, #tpu.memory_space<vmem>>) target_semaphore(%arg27 : memref<!tpu.dma_semaphore, #tpu.memory_space<semaphore_mem>>)
    %add3A_62 = arith.constant 2000 : i32
    %add3A_63 = arith.addi %mul3A_38, %add3A_62 : i32
    %dma_start3A_64 = arith.constant 2000 : i32
    %dma_start3A_65 = tpu.memref_slice %arg12[%dma_start3A_64] : memref<4000xi32, #tpu.memory_space<vmem>> -> memref<2000xi32, #tpu.memory_space<vmem>>
    %dma_start3A_66 = tpu.memref_slice %arg5[%add3A_63] : memref<320000xi32, #tpu.memory_space<hbm>> -> memref<2000xi32, #tpu.memory_space<hbm>>
    %dma_start3A_67 = arith.constant 2000 : i32
    %dma_start3A_68 = tpu.memref_slice %arg12[%dma_start3A_67] : memref<4000xi32, #tpu.memory_space<vmem>> -> memref<2000xi32, #tpu.memory_space<vmem>>
    %dma_start3A_69 = tpu.memref_slice %arg5[%add3A_63] : memref<320000xi32, #tpu.memory_space<hbm>> -> memref<2000xi32, #tpu.memory_space<hbm>>
    tpu.enqueue_dma source(%dma_start3A_69 : memref<2000xi32, #tpu.memory_space<hbm>>) target(%dma_start3A_68 : memref<2000xi32, #tpu.memory_space<vmem>>) target_semaphore(%arg27 : memref<!tpu.dma_semaphore, #tpu.memory_space<semaphore_mem>>)
    %dma_wait3A = arith.constant 0 : i32
    %dma_wait3A_70 = tpu.memref_slice %arg11[%dma_wait3A] : memref<4000xi32, #tpu.memory_space<vmem>> -> memref<2000xi32, #tpu.memory_space<vmem>>
    %dma_wait3A_71 = tpu.memref_slice %arg4[%add3A_40] : memref<320000xi32, #tpu.memory_space<hbm>> -> memref<2000xi32, #tpu.memory_space<hbm>>
    %dma_wait3A_72 = arith.constant 0 : i32
    %dma_wait3A_73 = tpu.memref_slice %arg11[%dma_wait3A_72] : memref<4000xi32, #tpu.memory_space<vmem>> -> memref<2000xi32, #tpu.memory_space<vmem>>
    %dma_wait3A_74 = tpu.memref_slice %arg4[%add3A_40] : memref<320000xi32, #tpu.memory_space<hbm>> -> memref<2000xi32, #tpu.memory_space<hbm>>
    tpu.wait_dma2 semaphore(%arg26 : memref<!tpu.dma_semaphore, #tpu.memory_space<semaphore_mem>>) src(%dma_wait3A_74 : memref<2000xi32, #tpu.memory_space<hbm>>) dst(%dma_wait3A_73 : memref<2000xi32, #tpu.memory_space<vmem>>)
    %dma_wait3A_75 = arith.constant 0 : i32
    %dma_wait3A_76 = tpu.memref_slice %arg12[%dma_wait3A_75] : memref<4000xi32, #tpu.memory_space<vmem>> -> memref<2000xi32, #tpu.memory_space<vmem>>
    %dma_wait3A_77 = tpu.memref_slice %arg5[%add3A_47] : memref<320000xi32, #tpu.memory_space<hbm>> -> memref<2000xi32, #tpu.memory_space<hbm>>
    %dma_wait3A_78 = arith.constant 0 : i32
    %dma_wait3A_79 = tpu.memref_slice %arg12[%dma_wait3A_78] : memref<4000xi32, #tpu.memory_space<vmem>> -> memref<2000xi32, #tpu.memory_space<vmem>>
    %dma_wait3A_80 = tpu.memref_slice %arg5[%add3A_47] : memref<320000xi32, #tpu.memory_space<hbm>> -> memref<2000xi32, #tpu.memory_space<hbm>>
    tpu.wait_dma2 semaphore(%arg26 : memref<!tpu.dma_semaphore, #tpu.memory_space<semaphore_mem>>) src(%dma_wait3A_80 : memref<2000xi32, #tpu.memory_space<hbm>>) dst(%dma_wait3A_79 : memref<2000xi32, #tpu.memory_space<vmem>>)
    %broadcast_in_dim3A_81 = arith.constant 1.000000e+00 : f32
    %broadcast_in_dim3A_82 = vector.broadcast %broadcast_in_dim3A_81 : f32 to vector<16xf32>
    %scan3A_83 = arith.constant 0 : i32
    %scan3A_84 = arith.constant 0 : i32
    %scan3A_85 = arith.constant 125 : i32
    %scan3A_86 = arith.addi %scan3A_84, %scan3A_85 : i32
    %scan3A_87 = arith.constant 1 : i32
    %scan3A_88 = scf.for %scan3A_357 = %scan3A_84 to %scan3A_86 step %scan3A_87 iter_args(%scan3A_358 = %scan3A_83) -> (i32)  : i32 {
      %mul3A_359 = arith.constant 16 : i32
      %mul3A_360 = arith.muli %scan3A_357, %mul3A_359 : i32
      %add3A_361 = arith.constant 0 : i32
      %add3A_362 = arith.addi %add3A_361, %mul3A_360 : i32
      %get3A = arith.index_cast %add3A_362 : i32 to index
      %get3A_363 = tpu.vector_load %arg12[%get3A] {strides = array<i32>} : memref<4000xi32, #tpu.memory_space<vmem>>, vector<16xi32>,
      %mul3A_364 = arith.constant 16 : i32
      %mul3A_365 = arith.muli %scan3A_357, %mul3A_364 : i32
      %add3A_366 = arith.constant 0 : i32
      %add3A_367 = arith.addi %add3A_366, %mul3A_365 : i32
      %get3A_368 = arith.index_cast %add3A_367 : i32 to index
      %get3A_369 = tpu.vector_load %arg11[%get3A_368] {strides = array<i32>} : memref<4000xi32, #tpu.memory_space<vmem>>, vector<16xi32>,
      %gather3A = tpu.vector_load_idx %arg9[%get3A_363] : memref<10000xi32, #tpu.memory_space<vmem>>[vector<16xi32>], vector<16xi32>,
      %ge3A = arith.constant 0 : i32
      %ge3A_370 = vector.broadcast %ge3A : i32 to vector<16xi32>
      %ge3A_371 = arith.cmpi sge, %gather3A, %ge3A_370 : vector<16xi32>
      %gather3A_372 = tpu.vector_load_idx %arg9[%get3A_369] : memref<10000xi32, #tpu.memory_space<vmem>>[vector<16xi32>], vector<16xi32>,
      %ge3A_373 = arith.constant 0 : i32
      %ge3A_374 = vector.broadcast %ge3A_373 : i32 to vector<16xi32>
      %ge3A_375 = arith.cmpi sge, %gather3A_372, %ge3A_374 : vector<16xi32>
      %add3A_376 = arith.constant 10000 : i32
      %add3A_377 = vector.broadcast %add3A_376 : i32 to vector<16xi32>
      %add3A_378 = arith.addi %gather3A_372, %add3A_377 : vector<16xi32>
      %select_n3A_379 = arith.select %ge3A_375, %add3A_378, %get3A_369 : vector<16xi1>, vector<16xi32>
      %swap3A_380 = arith.index_cast %scan3A_358 : i32 to index
      %swap3A_381 = tpu.vector_load %arg13[%swap3A_380] masked %ge3A_371 {strides = array<i32>} : memref<10240xi32, #tpu.memory_space<vmem>>, vector<16xi32>, vector<16xi1>
      tpu.vector_store %arg13[%swap3A_380], %select_n3A_379 masked %ge3A_371 {strides = array<i32>} : memref<10240xi32, #tpu.memory_space<vmem>>, vector<16xi32>, vector<16xi1>
      %swap3A_382 = arith.index_cast %scan3A_358 : i32 to index
      %swap3A_383 = tpu.vector_load %arg14[%swap3A_382] masked %ge3A_371 {strides = array<i32>} : memref<10240xi32, #tpu.memory_space<vmem>>, vector<16xi32>, vector<16xi1>
      tpu.vector_store %arg14[%swap3A_382], %gather3A masked %ge3A_371 {strides = array<i32>} : memref<10240xi32, #tpu.memory_space<vmem>>, vector<16xi32>, vector<16xi1>
      tpu.vector_store_idx %arg21[%iota3A, %gather3A], %broadcast_in_dim3A_82 masked %ge3A_371 {add = true} : memref<16x1024xf32, #tpu.memory_space<vmem>>[vector<16xi32>, vector<16xi32>], vector<16xf32>, vector<16xi1>
      %convert_element_type3A_384 = arith.extui %ge3A_371 : vector<16xi1> to vector<16xi32>
      %reduce_sum3A = arith.constant true
      %reduce_sum3A_385 = vector.broadcast %reduce_sum3A : i1 to vector<16xi1>
      %reduce_sum3A_386 = tpu.scan <sum>, %convert_element_type3A_384 masked %reduce_sum3A_385 : vector<16xi32>, vector<16xi1> -> vector<16xi32>
      %reduce_sum3A_387 = vector.extract %reduce_sum3A_386[15] : i32 from vector<16xi32>
      %add3A_388 = arith.addi %scan3A_358, %reduce_sum3A_387 : i32
      scf.yield %add3A_388 : i32
    }
    %scan3A_89 = arith.constant 125 : i32
    %add3A_90 = arith.constant 4000 : i32
    %add3A_91 = arith.addi %mul3A_38, %add3A_90 : i32
    %dma_start3A_92 = arith.constant 0 : i32
    %dma_start3A_93 = tpu.memref_slice %arg11[%dma_start3A_92] : memref<4000xi32, #tpu.memory_space<vmem>> -> memref<2000xi32, #tpu.memory_space<vmem>>
    %dma_start3A_94 = tpu.memref_slice %arg4[%add3A_91] : memref<320000xi32, #tpu.memory_space<hbm>> -> memref<2000xi32, #tpu.memory_space<hbm>>
    %dma_start3A_95 = arith.constant 0 : i32
    %dma_start3A_96 = tpu.memref_slice %arg11[%dma_start3A_95] : memref<4000xi32, #tpu.memory_space<vmem>> -> memref<2000xi32, #tpu.memory_space<vmem>>
    %dma_start3A_97 = tpu.memref_slice %arg4[%add3A_91] : memref<320000xi32, #tpu.memory_space<hbm>> -> memref<2000xi32, #tpu.memory_space<hbm>>
    tpu.enqueue_dma source(%dma_start3A_97 : memref<2000xi32, #tpu.memory_space<hbm>>) target(%dma_start3A_96 : memref<2000xi32, #tpu.memory_space<vmem>>) target_semaphore(%arg26 : memref<!tpu.dma_semaphore, #tpu.memory_space<semaphore_mem>>)
    %add3A_98 = arith.constant 4000 : i32
    %add3A_99 = arith.addi %mul3A_38, %add3A_98 : i32
    %dma_start3A_100 = arith.constant 0 : i32
    %dma_start3A_101 = tpu.memref_slice %arg12[%dma_start3A_100] : memref<4000xi32, #tpu.memory_space<vmem>> -> memref<2000xi32, #tpu.memory_space<vmem>>
    %dma_start3A_102 = tpu.memref_slice %arg5[%add3A_99] : memref<320000xi32, #tpu.memory_space<hbm>> -> memref<2000xi32, #tpu.memory_space<hbm>>
    %dma_start3A_103 = arith.constant 0 : i32
    %dma_start3A_104 = tpu.memref_slice %arg12[%dma_start3A_103] : memref<4000xi32, #tpu.memory_space<vmem>> -> memref<2000xi32, #tpu.memory_space<vmem>>
    %dma_start3A_105 = tpu.memref_slice %arg5[%add3A_99] : memref<320000xi32, #tpu.memory_space<hbm>> -> memref<2000xi32, #tpu.memory_space<hbm>>
    tpu.enqueue_dma source(%dma_start3A_105 : memref<2000xi32, #tpu.memory_space<hbm>>) target(%dma_start3A_104 : memref<2000xi32, #tpu.memory_space<vmem>>) target_semaphore(%arg26 : memref<!tpu.dma_semaphore, #tpu.memory_space<semaphore_mem>>)
    %dma_wait3A_106 = arith.constant 2000 : i32
    %dma_wait3A_107 = tpu.memref_slice %arg11[%dma_wait3A_106] : memref<4000xi32, #tpu.memory_space<vmem>> -> memref<2000xi32, #tpu.memory_space<vmem>>
    %dma_wait3A_108 = tpu.memref_slice %arg4[%add3A_55] : memref<320000xi32, #tpu.memory_space<hbm>> -> memref<2000xi32, #tpu.memory_space<hbm>>
    %dma_wait3A_109 = arith.constant 2000 : i32
    %dma_wait3A_110 = tpu.memref_slice %arg11[%dma_wait3A_109] : memref<4000xi32, #tpu.memory_space<vmem>> -> memref<2000xi32, #tpu.memory_space<vmem>>
    %dma_wait3A_111 = tpu.memref_slice %arg4[%add3A_55] : memref<320000xi32, #tpu.memory_space<hbm>> -> memref<2000xi32, #tpu.memory_space<hbm>>
    tpu.wait_dma2 semaphore(%arg27 : memref<!tpu.dma_semaphore, #tpu.memory_space<semaphore_mem>>) src(%dma_wait3A_111 : memref<2000xi32, #tpu.memory_space<hbm>>) dst(%dma_wait3A_110 : memref<2000xi32, #tpu.memory_space<vmem>>)
    %dma_wait3A_112 = arith.constant 2000 : i32
    %dma_wait3A_113 = tpu.memref_slice %arg12[%dma_wait3A_112] : memref<4000xi32, #tpu.memory_space<vmem>> -> memref<2000xi32, #tpu.memory_space<vmem>>
    %dma_wait3A_114 = tpu.memref_slice %arg5[%add3A_63] : memref<320000xi32, #tpu.memory_space<hbm>> -> memref<2000xi32, #tpu.memory_space<hbm>>
    %dma_wait3A_115 = arith.constant 2000 : i32
    %dma_wait3A_116 = tpu.memref_slice %arg12[%dma_wait3A_115] : memref<4000xi32, #tpu.memory_space<vmem>> -> memref<2000xi32, #tpu.memory_space<vmem>>
    %dma_wait3A_117 = tpu.memref_slice %arg5[%add3A_63] : memref<320000xi32, #tpu.memory_space<hbm>> -> memref<2000xi32, #tpu.memory_space<hbm>>
    tpu.wait_dma2 semaphore(%arg27 : memref<!tpu.dma_semaphore, #tpu.memory_space<semaphore_mem>>) src(%dma_wait3A_117 : memref<2000xi32, #tpu.memory_space<hbm>>) dst(%dma_wait3A_116 : memref<2000xi32, #tpu.memory_space<vmem>>)
    %broadcast_in_dim3A_118 = arith.constant 1.000000e+00 : f32
    %broadcast_in_dim3A_119 = vector.broadcast %broadcast_in_dim3A_118 : f32 to vector<16xf32>
    %scan3A_120 = arith.constant 0 : i32
    %scan3A_121 = arith.constant 125 : i32
    %scan3A_122 = arith.addi %scan3A_120, %scan3A_121 : i32
    %scan3A_123 = arith.constant 1 : i32
    %scan3A_124 = scf.for %scan3A_357 = %scan3A_120 to %scan3A_122 step %scan3A_123 iter_args(%scan3A_358 = %scan3A_88) -> (i32)  : i32 {
      %mul3A_359 = arith.constant 16 : i32
      %mul3A_360 = arith.muli %scan3A_357, %mul3A_359 : i32
      %add3A_361 = arith.constant 2000 : i32
      %add3A_362 = arith.addi %add3A_361, %mul3A_360 : i32
      %get3A = arith.index_cast %add3A_362 : i32 to index
      %get3A_363 = tpu.vector_load %arg12[%get3A] {strides = array<i32>} : memref<4000xi32, #tpu.memory_space<vmem>>, vector<16xi32>,
      %mul3A_364 = arith.constant 16 : i32
      %mul3A_365 = arith.muli %scan3A_357, %mul3A_364 : i32
      %add3A_366 = arith.constant 2000 : i32
      %add3A_367 = arith.addi %add3A_366, %mul3A_365 : i32
      %get3A_368 = arith.index_cast %add3A_367 : i32 to index
      %get3A_369 = tpu.vector_load %arg11[%get3A_368] {strides = array<i32>} : memref<4000xi32, #tpu.memory_space<vmem>>, vector<16xi32>,
      %gather3A = tpu.vector_load_idx %arg9[%get3A_363] : memref<10000xi32, #tpu.memory_space<vmem>>[vector<16xi32>], vector<16xi32>,
      %ge3A = arith.constant 0 : i32
      %ge3A_370 = vector.broadcast %ge3A : i32 to vector<16xi32>
      %ge3A_371 = arith.cmpi sge, %gather3A, %ge3A_370 : vector<16xi32>
      %gather3A_372 = tpu.vector_load_idx %arg9[%get3A_369] : memref<10000xi32, #tpu.memory_space<vmem>>[vector<16xi32>], vector<16xi32>,
      %ge3A_373 = arith.constant 0 : i32
      %ge3A_374 = vector.broadcast %ge3A_373 : i32 to vector<16xi32>
      %ge3A_375 = arith.cmpi sge, %gather3A_372, %ge3A_374 : vector<16xi32>
      %add3A_376 = arith.constant 10000 : i32
      %add3A_377 = vector.broadcast %add3A_376 : i32 to vector<16xi32>
      %add3A_378 = arith.addi %gather3A_372, %add3A_377 : vector<16xi32>
      %select_n3A_379 = arith.select %ge3A_375, %add3A_378, %get3A_369 : vector<16xi1>, vector<16xi32>
      %swap3A_380 = arith.index_cast %scan3A_358 : i32 to index
      %swap3A_381 = tpu.vector_load %arg13[%swap3A_380] masked %ge3A_371 {strides = array<i32>} : memref<10240xi32, #tpu.memory_space<vmem>>, vector<16xi32>, vector<16xi1>
      tpu.vector_store %arg13[%swap3A_380], %select_n3A_379 masked %ge3A_371 {strides = array<i32>} : memref<10240xi32, #tpu.memory_space<vmem>>, vector<16xi32>, vector<16xi1>
      %swap3A_382 = arith.index_cast %scan3A_358 : i32 to index
      %swap3A_383 = tpu.vector_load %arg14[%swap3A_382] masked %ge3A_371 {strides = array<i32>} : memref<10240xi32, #tpu.memory_space<vmem>>, vector<16xi32>, vector<16xi1>
      tpu.vector_store %arg14[%swap3A_382], %gather3A masked %ge3A_371 {strides = array<i32>} : memref<10240xi32, #tpu.memory_space<vmem>>, vector<16xi32>, vector<16xi1>
      tpu.vector_store_idx %arg21[%iota3A, %gather3A], %broadcast_in_dim3A_119 masked %ge3A_371 {add = true} : memref<16x1024xf32, #tpu.memory_space<vmem>>[vector<16xi32>, vector<16xi32>], vector<16xf32>, vector<16xi1>
      %convert_element_type3A_384 = arith.extui %ge3A_371 : vector<16xi1> to vector<16xi32>
      %reduce_sum3A = arith.constant true
      %reduce_sum3A_385 = vector.broadcast %reduce_sum3A : i1 to vector<16xi1>
      %reduce_sum3A_386 = tpu.scan <sum>, %convert_element_type3A_384 masked %reduce_sum3A_385 : vector<16xi32>, vector<16xi1> -> vector<16xi32>
      %reduce_sum3A_387 = vector.extract %reduce_sum3A_386[15] : i32 from vector<16xi32>
      %add3A_388 = arith.addi %scan3A_358, %reduce_sum3A_387 : i32
      scf.yield %add3A_388 : i32
    }
    %scan3A_125 = arith.constant 125 : i32
    %add3A_126 = arith.constant 6000 : i32
    %add3A_127 = arith.addi %mul3A_38, %add3A_126 : i32
    %dma_start3A_128 = arith.constant 2000 : i32
    %dma_start3A_129 = tpu.memref_slice %arg11[%dma_start3A_128] : memref<4000xi32, #tpu.memory_space<vmem>> -> memref<2000xi32, #tpu.memory_space<vmem>>
    %dma_start3A_130 = tpu.memref_slice %arg4[%add3A_127] : memref<320000xi32, #tpu.memory_space<hbm>> -> memref<2000xi32, #tpu.memory_space<hbm>>
    %dma_start3A_131 = arith.constant 2000 : i32
    %dma_start3A_132 = tpu.memref_slice %arg11[%dma_start3A_131] : memref<4000xi32, #tpu.memory_space<vmem>> -> memref<2000xi32, #tpu.memory_space<vmem>>
    %dma_start3A_133 = tpu.memref_slice %arg4[%add3A_127] : memref<320000xi32, #tpu.memory_space<hbm>> -> memref<2000xi32, #tpu.memory_space<hbm>>
    tpu.enqueue_dma source(%dma_start3A_133 : memref<2000xi32, #tpu.memory_space<hbm>>) target(%dma_start3A_132 : memref<2000xi32, #tpu.memory_space<vmem>>) target_semaphore(%arg27 : memref<!tpu.dma_semaphore, #tpu.memory_space<semaphore_mem>>)
    %add3A_134 = arith.constant 6000 : i32
    %add3A_135 = arith.addi %mul3A_38, %add3A_134 : i32
    %dma_start3A_136 = arith.constant 2000 : i32
    %dma_start3A_137 = tpu.memref_slice %arg12[%dma_start3A_136] : memref<4000xi32, #tpu.memory_space<vmem>> -> memref<2000xi32, #tpu.memory_space<vmem>>
    %dma_start3A_138 = tpu.memref_slice %arg5[%add3A_135] : memref<320000xi32, #tpu.memory_space<hbm>> -> memref<2000xi32, #tpu.memory_space<hbm>>
    %dma_start3A_139 = arith.constant 2000 : i32
    %dma_start3A_140 = tpu.memref_slice %arg12[%dma_start3A_139] : memref<4000xi32, #tpu.memory_space<vmem>> -> memref<2000xi32, #tpu.memory_space<vmem>>
    %dma_start3A_141 = tpu.memref_slice %arg5[%add3A_135] : memref<320000xi32, #tpu.memory_space<hbm>> -> memref<2000xi32, #tpu.memory_space<hbm>>
    tpu.enqueue_dma source(%dma_start3A_141 : memref<2000xi32, #tpu.memory_space<hbm>>) target(%dma_start3A_140 : memref<2000xi32, #tpu.memory_space<vmem>>) target_semaphore(%arg27 : memref<!tpu.dma_semaphore, #tpu.memory_space<semaphore_mem>>)
    %dma_wait3A_142 = arith.constant 0 : i32
    %dma_wait3A_143 = tpu.memref_slice %arg11[%dma_wait3A_142] : memref<4000xi32, #tpu.memory_space<vmem>> -> memref<2000xi32, #tpu.memory_space<vmem>>
    %dma_wait3A_144 = tpu.memref_slice %arg4[%add3A_91] : memref<320000xi32, #tpu.memory_space<hbm>> -> memref<2000xi32, #tpu.memory_space<hbm>>
    %dma_wait3A_145 = arith.constant 0 : i32
    %dma_wait3A_146 = tpu.memref_slice %arg11[%dma_wait3A_145] : memref<4000xi32, #tpu.memory_space<vmem>> -> memref<2000xi32, #tpu.memory_space<vmem>>
    %dma_wait3A_147 = tpu.memref_slice %arg4[%add3A_91] : memref<320000xi32, #tpu.memory_space<hbm>> -> memref<2000xi32, #tpu.memory_space<hbm>>
    tpu.wait_dma2 semaphore(%arg26 : memref<!tpu.dma_semaphore, #tpu.memory_space<semaphore_mem>>) src(%dma_wait3A_147 : memref<2000xi32, #tpu.memory_space<hbm>>) dst(%dma_wait3A_146 : memref<2000xi32, #tpu.memory_space<vmem>>)
    %dma_wait3A_148 = arith.constant 0 : i32
    %dma_wait3A_149 = tpu.memref_slice %arg12[%dma_wait3A_148] : memref<4000xi32, #tpu.memory_space<vmem>> -> memref<2000xi32, #tpu.memory_space<vmem>>
    %dma_wait3A_150 = tpu.memref_slice %arg5[%add3A_99] : memref<320000xi32, #tpu.memory_space<hbm>> -> memref<2000xi32, #tpu.memory_space<hbm>>
    %dma_wait3A_151 = arith.constant 0 : i32
    %dma_wait3A_152 = tpu.memref_slice %arg12[%dma_wait3A_151] : memref<4000xi32, #tpu.memory_space<vmem>> -> memref<2000xi32, #tpu.memory_space<vmem>>
    %dma_wait3A_153 = tpu.memref_slice %arg5[%add3A_99] : memref<320000xi32, #tpu.memory_space<hbm>> -> memref<2000xi32, #tpu.memory_space<hbm>>
    tpu.wait_dma2 semaphore(%arg26 : memref<!tpu.dma_semaphore, #tpu.memory_space<semaphore_mem>>) src(%dma_wait3A_153 : memref<2000xi32, #tpu.memory_space<hbm>>) dst(%dma_wait3A_152 : memref<2000xi32, #tpu.memory_space<vmem>>)
    %broadcast_in_dim3A_154 = arith.constant 1.000000e+00 : f32
    %broadcast_in_dim3A_155 = vector.broadcast %broadcast_in_dim3A_154 : f32 to vector<16xf32>
    %scan3A_156 = arith.constant 0 : i32
    %scan3A_157 = arith.constant 125 : i32
    %scan3A_158 = arith.addi %scan3A_156, %scan3A_157 : i32
    %scan3A_159 = arith.constant 1 : i32
    %scan3A_160 = scf.for %scan3A_357 = %scan3A_156 to %scan3A_158 step %scan3A_159 iter_args(%scan3A_358 = %scan3A_124) -> (i32)  : i32 {
      %mul3A_359 = arith.constant 16 : i32
      %mul3A_360 = arith.muli %scan3A_357, %mul3A_359 : i32
      %add3A_361 = arith.constant 0 : i32
      %add3A_362 = arith.addi %add3A_361, %mul3A_360 : i32
      %get3A = arith.index_cast %add3A_362 : i32 to index
      %get3A_363 = tpu.vector_load %arg12[%get3A] {strides = array<i32>} : memref<4000xi32, #tpu.memory_space<vmem>>, vector<16xi32>,
      %mul3A_364 = arith.constant 16 : i32
      %mul3A_365 = arith.muli %scan3A_357, %mul3A_364 : i32
      %add3A_366 = arith.constant 0 : i32
      %add3A_367 = arith.addi %add3A_366, %mul3A_365 : i32
      %get3A_368 = arith.index_cast %add3A_367 : i32 to index
      %get3A_369 = tpu.vector_load %arg11[%get3A_368] {strides = array<i32>} : memref<4000xi32, #tpu.memory_space<vmem>>, vector<16xi32>,
      %gather3A = tpu.vector_load_idx %arg9[%get3A_363] : memref<10000xi32, #tpu.memory_space<vmem>>[vector<16xi32>], vector<16xi32>,
      %ge3A = arith.constant 0 : i32
      %ge3A_370 = vector.broadcast %ge3A : i32 to vector<16xi32>
      %ge3A_371 = arith.cmpi sge, %gather3A, %ge3A_370 : vector<16xi32>
      %gather3A_372 = tpu.vector_load_idx %arg9[%get3A_369] : memref<10000xi32, #tpu.memory_space<vmem>>[vector<16xi32>], vector<16xi32>,
      %ge3A_373 = arith.constant 0 : i32
      %ge3A_374 = vector.broadcast %ge3A_373 : i32 to vector<16xi32>
      %ge3A_375 = arith.cmpi sge, %gather3A_372, %ge3A_374 : vector<16xi32>
      %add3A_376 = arith.constant 10000 : i32
      %add3A_377 = vector.broadcast %add3A_376 : i32 to vector<16xi32>
      %add3A_378 = arith.addi %gather3A_372, %add3A_377 : vector<16xi32>
      %select_n3A_379 = arith.select %ge3A_375, %add3A_378, %get3A_369 : vector<16xi1>, vector<16xi32>
      %swap3A_380 = arith.index_cast %scan3A_358 : i32 to index
      %swap3A_381 = tpu.vector_load %arg13[%swap3A_380] masked %ge3A_371 {strides = array<i32>} : memref<10240xi32, #tpu.memory_space<vmem>>, vector<16xi32>, vector<16xi1>
      tpu.vector_store %arg13[%swap3A_380], %select_n3A_379 masked %ge3A_371 {strides = array<i32>} : memref<10240xi32, #tpu.memory_space<vmem>>, vector<16xi32>, vector<16xi1>
      %swap3A_382 = arith.index_cast %scan3A_358 : i32 to index
      %swap3A_383 = tpu.vector_load %arg14[%swap3A_382] masked %ge3A_371 {strides = array<i32>} : memref<10240xi32, #tpu.memory_space<vmem>>, vector<16xi32>, vector<16xi1>
      tpu.vector_store %arg14[%swap3A_382], %gather3A masked %ge3A_371 {strides = array<i32>} : memref<10240xi32, #tpu.memory_space<vmem>>, vector<16xi32>, vector<16xi1>
      tpu.vector_store_idx %arg21[%iota3A, %gather3A], %broadcast_in_dim3A_155 masked %ge3A_371 {add = true} : memref<16x1024xf32, #tpu.memory_space<vmem>>[vector<16xi32>, vector<16xi32>], vector<16xf32>, vector<16xi1>
      %convert_element_type3A_384 = arith.extui %ge3A_371 : vector<16xi1> to vector<16xi32>
      %reduce_sum3A = arith.constant true
      %reduce_sum3A_385 = vector.broadcast %reduce_sum3A : i1 to vector<16xi1>
      %reduce_sum3A_386 = tpu.scan <sum>, %convert_element_type3A_384 masked %reduce_sum3A_385 : vector<16xi32>, vector<16xi1> -> vector<16xi32>
      %reduce_sum3A_387 = vector.extract %reduce_sum3A_386[15] : i32 from vector<16xi32>
      %add3A_388 = arith.addi %scan3A_358, %reduce_sum3A_387 : i32
      scf.yield %add3A_388 : i32
    }
    %scan3A_161 = arith.constant 125 : i32
    %add3A_162 = arith.constant 8000 : i32
    %add3A_163 = arith.addi %mul3A_38, %add3A_162 : i32
    %dma_start3A_164 = arith.constant 0 : i32
    %dma_start3A_165 = tpu.memref_slice %arg11[%dma_start3A_164] : memref<4000xi32, #tpu.memory_space<vmem>> -> memref<2000xi32, #tpu.memory_space<vmem>>
    %dma_start3A_166 = tpu.memref_slice %arg4[%add3A_163] : memref<320000xi32, #tpu.memory_space<hbm>> -> memref<2000xi32, #tpu.memory_space<hbm>>
    %dma_start3A_167 = arith.constant 0 : i32
    %dma_start3A_168 = tpu.memref_slice %arg11[%dma_start3A_167] : memref<4000xi32, #tpu.memory_space<vmem>> -> memref<2000xi32, #tpu.memory_space<vmem>>
    %dma_start3A_169 = tpu.memref_slice %arg4[%add3A_163] : memref<320000xi32, #tpu.memory_space<hbm>> -> memref<2000xi32, #tpu.memory_space<hbm>>
    tpu.enqueue_dma source(%dma_start3A_169 : memref<2000xi32, #tpu.memory_space<hbm>>) target(%dma_start3A_168 : memref<2000xi32, #tpu.memory_space<vmem>>) target_semaphore(%arg26 : memref<!tpu.dma_semaphore, #tpu.memory_space<semaphore_mem>>)
    %add3A_170 = arith.constant 8000 : i32
    %add3A_171 = arith.addi %mul3A_38, %add3A_170 : i32
    %dma_start3A_172 = arith.constant 0 : i32
    %dma_start3A_173 = tpu.memref_slice %arg12[%dma_start3A_172] : memref<4000xi32, #tpu.memory_space<vmem>> -> memref<2000xi32, #tpu.memory_space<vmem>>
    %dma_start3A_174 = tpu.memref_slice %arg5[%add3A_171] : memref<320000xi32, #tpu.memory_space<hbm>> -> memref<2000xi32, #tpu.memory_space<hbm>>
    %dma_start3A_175 = arith.constant 0 : i32
    %dma_start3A_176 = tpu.memref_slice %arg12[%dma_start3A_175] : memref<4000xi32, #tpu.memory_space<vmem>> -> memref<2000xi32, #tpu.memory_space<vmem>>
    %dma_start3A_177 = tpu.memref_slice %arg5[%add3A_171] : memref<320000xi32, #tpu.memory_space<hbm>> -> memref<2000xi32, #tpu.memory_space<hbm>>
    tpu.enqueue_dma source(%dma_start3A_177 : memref<2000xi32, #tpu.memory_space<hbm>>) target(%dma_start3A_176 : memref<2000xi32, #tpu.memory_space<vmem>>) target_semaphore(%arg26 : memref<!tpu.dma_semaphore, #tpu.memory_space<semaphore_mem>>)
    %dma_wait3A_178 = arith.constant 2000 : i32
    %dma_wait3A_179 = tpu.memref_slice %arg11[%dma_wait3A_178] : memref<4000xi32, #tpu.memory_space<vmem>> -> memref<2000xi32, #tpu.memory_space<vmem>>
    %dma_wait3A_180 = tpu.memref_slice %arg4[%add3A_127] : memref<320000xi32, #tpu.memory_space<hbm>> -> memref<2000xi32, #tpu.memory_space<hbm>>
    %dma_wait3A_181 = arith.constant 2000 : i32
    %dma_wait3A_182 = tpu.memref_slice %arg11[%dma_wait3A_181] : memref<4000xi32, #tpu.memory_space<vmem>> -> memref<2000xi32, #tpu.memory_space<vmem>>
    %dma_wait3A_183 = tpu.memref_slice %arg4[%add3A_127] : memref<320000xi32, #tpu.memory_space<hbm>> -> memref<2000xi32, #tpu.memory_space<hbm>>
    tpu.wait_dma2 semaphore(%arg27 : memref<!tpu.dma_semaphore, #tpu.memory_space<semaphore_mem>>) src(%dma_wait3A_183 : memref<2000xi32, #tpu.memory_space<hbm>>) dst(%dma_wait3A_182 : memref<2000xi32, #tpu.memory_space<vmem>>)
    %dma_wait3A_184 = arith.constant 2000 : i32
    %dma_wait3A_185 = tpu.memref_slice %arg12[%dma_wait3A_184] : memref<4000xi32, #tpu.memory_space<vmem>> -> memref<2000xi32, #tpu.memory_space<vmem>>
    %dma_wait3A_186 = tpu.memref_slice %arg5[%add3A_135] : memref<320000xi32, #tpu.memory_space<hbm>> -> memref<2000xi32, #tpu.memory_space<hbm>>
    %dma_wait3A_187 = arith.constant 2000 : i32
    %dma_wait3A_188 = tpu.memref_slice %arg12[%dma_wait3A_187] : memref<4000xi32, #tpu.memory_space<vmem>> -> memref<2000xi32, #tpu.memory_space<vmem>>
    %dma_wait3A_189 = tpu.memref_slice %arg5[%add3A_135] : memref<320000xi32, #tpu.memory_space<hbm>> -> memref<2000xi32, #tpu.memory_space<hbm>>
    tpu.wait_dma2 semaphore(%arg27 : memref<!tpu.dma_semaphore, #tpu.memory_space<semaphore_mem>>) src(%dma_wait3A_189 : memref<2000xi32, #tpu.memory_space<hbm>>) dst(%dma_wait3A_188 : memref<2000xi32, #tpu.memory_space<vmem>>)
    %broadcast_in_dim3A_190 = arith.constant 1.000000e+00 : f32
    %broadcast_in_dim3A_191 = vector.broadcast %broadcast_in_dim3A_190 : f32 to vector<16xf32>
    %scan3A_192 = arith.constant 0 : i32
    %scan3A_193 = arith.constant 125 : i32
    %scan3A_194 = arith.addi %scan3A_192, %scan3A_193 : i32
    %scan3A_195 = arith.constant 1 : i32
    %scan3A_196 = scf.for %scan3A_357 = %scan3A_192 to %scan3A_194 step %scan3A_195 iter_args(%scan3A_358 = %scan3A_160) -> (i32)  : i32 {
      %mul3A_359 = arith.constant 16 : i32
      %mul3A_360 = arith.muli %scan3A_357, %mul3A_359 : i32
      %add3A_361 = arith.constant 2000 : i32
      %add3A_362 = arith.addi %add3A_361, %mul3A_360 : i32
      %get3A = arith.index_cast %add3A_362 : i32 to index
      %get3A_363 = tpu.vector_load %arg12[%get3A] {strides = array<i32>} : memref<4000xi32, #tpu.memory_space<vmem>>, vector<16xi32>,
      %mul3A_364 = arith.constant 16 : i32
      %mul3A_365 = arith.muli %scan3A_357, %mul3A_364 : i32
      %add3A_366 = arith.constant 2000 : i32
      %add3A_367 = arith.addi %add3A_366, %mul3A_365 : i32
      %get3A_368 = arith.index_cast %add3A_367 : i32 to index
      %get3A_369 = tpu.vector_load %arg11[%get3A_368] {strides = array<i32>} : memref<4000xi32, #tpu.memory_space<vmem>>, vector<16xi32>,
      %gather3A = tpu.vector_load_idx %arg9[%get3A_363] : memref<10000xi32, #tpu.memory_space<vmem>>[vector<16xi32>], vector<16xi32>,
      %ge3A = arith.constant 0 : i32
      %ge3A_370 = vector.broadcast %ge3A : i32 to vector<16xi32>
      %ge3A_371 = arith.cmpi sge, %gather3A, %ge3A_370 : vector<16xi32>
      %gather3A_372 = tpu.vector_load_idx %arg9[%get3A_369] : memref<10000xi32, #tpu.memory_space<vmem>>[vector<16xi32>], vector<16xi32>,
      %ge3A_373 = arith.constant 0 : i32
      %ge3A_374 = vector.broadcast %ge3A_373 : i32 to vector<16xi32>
      %ge3A_375 = arith.cmpi sge, %gather3A_372, %ge3A_374 : vector<16xi32>
      %add3A_376 = arith.constant 10000 : i32
      %add3A_377 = vector.broadcast %add3A_376 : i32 to vector<16xi32>
      %add3A_378 = arith.addi %gather3A_372, %add3A_377 : vector<16xi32>
      %select_n3A_379 = arith.select %ge3A_375, %add3A_378, %get3A_369 : vector<16xi1>, vector<16xi32>
      %swap3A_380 = arith.index_cast %scan3A_358 : i32 to index
      %swap3A_381 = tpu.vector_load %arg13[%swap3A_380] masked %ge3A_371 {strides = array<i32>} : memref<10240xi32, #tpu.memory_space<vmem>>, vector<16xi32>, vector<16xi1>
      tpu.vector_store %arg13[%swap3A_380], %select_n3A_379 masked %ge3A_371 {strides = array<i32>} : memref<10240xi32, #tpu.memory_space<vmem>>, vector<16xi32>, vector<16xi1>
      %swap3A_382 = arith.index_cast %scan3A_358 : i32 to index
      %swap3A_383 = tpu.vector_load %arg14[%swap3A_382] masked %ge3A_371 {strides = array<i32>} : memref<10240xi32, #tpu.memory_space<vmem>>, vector<16xi32>, vector<16xi1>
      tpu.vector_store %arg14[%swap3A_382], %gather3A masked %ge3A_371 {strides = array<i32>} : memref<10240xi32, #tpu.memory_space<vmem>>, vector<16xi32>, vector<16xi1>
      tpu.vector_store_idx %arg21[%iota3A, %gather3A], %broadcast_in_dim3A_191 masked %ge3A_371 {add = true} : memref<16x1024xf32, #tpu.memory_space<vmem>>[vector<16xi32>, vector<16xi32>], vector<16xf32>, vector<16xi1>
      %convert_element_type3A_384 = arith.extui %ge3A_371 : vector<16xi1> to vector<16xi32>
      %reduce_sum3A = arith.constant true
      %reduce_sum3A_385 = vector.broadcast %reduce_sum3A : i1 to vector<16xi1>
      %reduce_sum3A_386 = tpu.scan <sum>, %convert_element_type3A_384 masked %reduce_sum3A_385 : vector<16xi32>, vector<16xi1> -> vector<16xi32>
      %reduce_sum3A_387 = vector.extract %reduce_sum3A_386[15] : i32 from vector<16xi32>
      %add3A_388 = arith.addi %scan3A_358, %reduce_sum3A_387 : i32
      scf.yield %add3A_388 : i32
    }
    %scan3A_197 = arith.constant 125 : i32
    %dma_wait3A_198 = arith.constant 0 : i32
    %dma_wait3A_199 = tpu.memref_slice %arg11[%dma_wait3A_198] : memref<4000xi32, #tpu.memory_space<vmem>> -> memref<2000xi32, #tpu.memory_space<vmem>>
    %dma_wait3A_200 = tpu.memref_slice %arg4[%add3A_163] : memref<320000xi32, #tpu.memory_space<hbm>> -> memref<2000xi32, #tpu.memory_space<hbm>>
    %dma_wait3A_201 = arith.constant 0 : i32
    %dma_wait3A_202 = tpu.memref_slice %arg11[%dma_wait3A_201] : memref<4000xi32, #tpu.memory_space<vmem>> -> memref<2000xi32, #tpu.memory_space<vmem>>
    %dma_wait3A_203 = tpu.memref_slice %arg4[%add3A_163] : memref<320000xi32, #tpu.memory_space<hbm>> -> memref<2000xi32, #tpu.memory_space<hbm>>
    tpu.wait_dma2 semaphore(%arg26 : memref<!tpu.dma_semaphore, #tpu.memory_space<semaphore_mem>>) src(%dma_wait3A_203 : memref<2000xi32, #tpu.memory_space<hbm>>) dst(%dma_wait3A_202 : memref<2000xi32, #tpu.memory_space<vmem>>)
    %dma_wait3A_204 = arith.constant 0 : i32
    %dma_wait3A_205 = tpu.memref_slice %arg12[%dma_wait3A_204] : memref<4000xi32, #tpu.memory_space<vmem>> -> memref<2000xi32, #tpu.memory_space<vmem>>
    %dma_wait3A_206 = tpu.memref_slice %arg5[%add3A_171] : memref<320000xi32, #tpu.memory_space<hbm>> -> memref<2000xi32, #tpu.memory_space<hbm>>
    %dma_wait3A_207 = arith.constant 0 : i32
    %dma_wait3A_208 = tpu.memref_slice %arg12[%dma_wait3A_207] : memref<4000xi32, #tpu.memory_space<vmem>> -> memref<2000xi32, #tpu.memory_space<vmem>>
    %dma_wait3A_209 = tpu.memref_slice %arg5[%add3A_171] : memref<320000xi32, #tpu.memory_space<hbm>> -> memref<2000xi32, #tpu.memory_space<hbm>>
    tpu.wait_dma2 semaphore(%arg26 : memref<!tpu.dma_semaphore, #tpu.memory_space<semaphore_mem>>) src(%dma_wait3A_209 : memref<2000xi32, #tpu.memory_space<hbm>>) dst(%dma_wait3A_208 : memref<2000xi32, #tpu.memory_space<vmem>>)
    %broadcast_in_dim3A_210 = arith.constant 1.000000e+00 : f32
    %broadcast_in_dim3A_211 = vector.broadcast %broadcast_in_dim3A_210 : f32 to vector<16xf32>
    %scan3A_212 = arith.constant 0 : i32
    %scan3A_213 = arith.constant 125 : i32
    %scan3A_214 = arith.addi %scan3A_212, %scan3A_213 : i32
    %scan3A_215 = arith.constant 1 : i32
    %scan3A_216 = scf.for %scan3A_357 = %scan3A_212 to %scan3A_214 step %scan3A_215 iter_args(%scan3A_358 = %scan3A_196) -> (i32)  : i32 {
      %mul3A_359 = arith.constant 16 : i32
      %mul3A_360 = arith.muli %scan3A_357, %mul3A_359 : i32
      %add3A_361 = arith.constant 0 : i32
      %add3A_362 = arith.addi %add3A_361, %mul3A_360 : i32
      %get3A = arith.index_cast %add3A_362 : i32 to index
      %get3A_363 = tpu.vector_load %arg12[%get3A] {strides = array<i32>} : memref<4000xi32, #tpu.memory_space<vmem>>, vector<16xi32>,
      %mul3A_364 = arith.constant 16 : i32
      %mul3A_365 = arith.muli %scan3A_357, %mul3A_364 : i32
      %add3A_366 = arith.constant 0 : i32
      %add3A_367 = arith.addi %add3A_366, %mul3A_365 : i32
      %get3A_368 = arith.index_cast %add3A_367 : i32 to index
      %get3A_369 = tpu.vector_load %arg11[%get3A_368] {strides = array<i32>} : memref<4000xi32, #tpu.memory_space<vmem>>, vector<16xi32>,
      %gather3A = tpu.vector_load_idx %arg9[%get3A_363] : memref<10000xi32, #tpu.memory_space<vmem>>[vector<16xi32>], vector<16xi32>,
      %ge3A = arith.constant 0 : i32
      %ge3A_370 = vector.broadcast %ge3A : i32 to vector<16xi32>
      %ge3A_371 = arith.cmpi sge, %gather3A, %ge3A_370 : vector<16xi32>
      %gather3A_372 = tpu.vector_load_idx %arg9[%get3A_369] : memref<10000xi32, #tpu.memory_space<vmem>>[vector<16xi32>], vector<16xi32>,
      %ge3A_373 = arith.constant 0 : i32
      %ge3A_374 = vector.broadcast %ge3A_373 : i32 to vector<16xi32>
      %ge3A_375 = arith.cmpi sge, %gather3A_372, %ge3A_374 : vector<16xi32>
      %add3A_376 = arith.constant 10000 : i32
      %add3A_377 = vector.broadcast %add3A_376 : i32 to vector<16xi32>
      %add3A_378 = arith.addi %gather3A_372, %add3A_377 : vector<16xi32>
      %select_n3A_379 = arith.select %ge3A_375, %add3A_378, %get3A_369 : vector<16xi1>, vector<16xi32>
      %swap3A_380 = arith.index_cast %scan3A_358 : i32 to index
      %swap3A_381 = tpu.vector_load %arg13[%swap3A_380] masked %ge3A_371 {strides = array<i32>} : memref<10240xi32, #tpu.memory_space<vmem>>, vector<16xi32>, vector<16xi1>
      tpu.vector_store %arg13[%swap3A_380], %select_n3A_379 masked %ge3A_371 {strides = array<i32>} : memref<10240xi32, #tpu.memory_space<vmem>>, vector<16xi32>, vector<16xi1>
      %swap3A_382 = arith.index_cast %scan3A_358 : i32 to index
      %swap3A_383 = tpu.vector_load %arg14[%swap3A_382] masked %ge3A_371 {strides = array<i32>} : memref<10240xi32, #tpu.memory_space<vmem>>, vector<16xi32>, vector<16xi1>
      tpu.vector_store %arg14[%swap3A_382], %gather3A masked %ge3A_371 {strides = array<i32>} : memref<10240xi32, #tpu.memory_space<vmem>>, vector<16xi32>, vector<16xi1>
      tpu.vector_store_idx %arg21[%iota3A, %gather3A], %broadcast_in_dim3A_211 masked %ge3A_371 {add = true} : memref<16x1024xf32, #tpu.memory_space<vmem>>[vector<16xi32>, vector<16xi32>], vector<16xf32>, vector<16xi1>
      %convert_element_type3A_384 = arith.extui %ge3A_371 : vector<16xi1> to vector<16xi32>
      %reduce_sum3A = arith.constant true
      %reduce_sum3A_385 = vector.broadcast %reduce_sum3A : i1 to vector<16xi1>
      %reduce_sum3A_386 = tpu.scan <sum>, %convert_element_type3A_384 masked %reduce_sum3A_385 : vector<16xi32>, vector<16xi1> -> vector<16xi32>
      %reduce_sum3A_387 = vector.extract %reduce_sum3A_386[15] : i32 from vector<16xi32>
      %add3A_388 = arith.addi %scan3A_358, %reduce_sum3A_387 : i32
      scf.yield %add3A_388 : i32
    }
    %scan3A_217 = arith.constant 125 : i32
    %broadcast_in_dim3A_218 = arith.constant 1024 : i32
    %broadcast_in_dim3A_219 = vector.broadcast %broadcast_in_dim3A_218 : i32 to vector<16xi32>
    %broadcast_in_dim3A_220 = arith.constant 0 : i32
    %broadcast_in_dim3A_221 = vector.broadcast %broadcast_in_dim3A_220 : i32 to vector<16xi32>
    %add3A_222 = arith.constant 0 : i32
    %add3A_223 = arith.addi %scan3A_216, %add3A_222 : i32
    %swap3A = arith.index_cast %add3A_223 : i32 to index
    %swap3A_224 = tpu.vector_load %arg14[%swap3A] {strides = array<i32>} : memref<10240xi32, #tpu.memory_space<vmem>>, vector<16xi32>,
    tpu.vector_store %arg14[%swap3A], %broadcast_in_dim3A_219 {strides = array<i32>} : memref<10240xi32, #tpu.memory_space<vmem>>, vector<16xi32>,
    %add3A_225 = arith.constant 0 : i32
    %add3A_226 = arith.addi %scan3A_216, %add3A_225 : i32
    %swap3A_227 = arith.index_cast %add3A_226 : i32 to index
    %swap3A_228 = tpu.vector_load %arg13[%swap3A_227] {strides = array<i32>} : memref<10240xi32, #tpu.memory_space<vmem>>, vector<16xi32>,
    tpu.vector_store %arg13[%swap3A_227], %broadcast_in_dim3A_221 {strides = array<i32>} : memref<10240xi32, #tpu.memory_space<vmem>>, vector<16xi32>,
    %add3A_229 = arith.constant 16 : i32
    %add3A_230 = arith.addi %scan3A_216, %add3A_229 : i32
    %swap3A_231 = arith.index_cast %add3A_230 : i32 to index
    %swap3A_232 = tpu.vector_load %arg14[%swap3A_231] {strides = array<i32>} : memref<10240xi32, #tpu.memory_space<vmem>>, vector<16xi32>,
    tpu.vector_store %arg14[%swap3A_231], %broadcast_in_dim3A_219 {strides = array<i32>} : memref<10240xi32, #tpu.memory_space<vmem>>, vector<16xi32>,
    %add3A_233 = arith.constant 16 : i32
    %add3A_234 = arith.addi %scan3A_216, %add3A_233 : i32
    %swap3A_235 = arith.index_cast %add3A_234 : i32 to index
    %swap3A_236 = tpu.vector_load %arg13[%swap3A_235] {strides = array<i32>} : memref<10240xi32, #tpu.memory_space<vmem>>, vector<16xi32>,
    tpu.vector_store %arg13[%swap3A_235], %broadcast_in_dim3A_221 {strides = array<i32>} : memref<10240xi32, #tpu.memory_space<vmem>>, vector<16xi32>,
    %add3A_237 = arith.constant 32 : i32
    %add3A_238 = arith.addi %scan3A_216, %add3A_237 : i32
    %swap3A_239 = arith.index_cast %add3A_238 : i32 to index
    %swap3A_240 = tpu.vector_load %arg14[%swap3A_239] {strides = array<i32>} : memref<10240xi32, #tpu.memory_space<vmem>>, vector<16xi32>,
    tpu.vector_store %arg14[%swap3A_239], %broadcast_in_dim3A_219 {strides = array<i32>} : memref<10240xi32, #tpu.memory_space<vmem>>, vector<16xi32>,
    %add3A_241 = arith.constant 32 : i32
    %add3A_242 = arith.addi %scan3A_216, %add3A_241 : i32
    %swap3A_243 = arith.index_cast %add3A_242 : i32 to index
    %swap3A_244 = tpu.vector_load %arg13[%swap3A_243] {strides = array<i32>} : memref<10240xi32, #tpu.memory_space<vmem>>, vector<16xi32>,
    tpu.vector_store %arg13[%swap3A_243], %broadcast_in_dim3A_221 {strides = array<i32>} : memref<10240xi32, #tpu.memory_space<vmem>>, vector<16xi32>,
    %add3A_245 = arith.constant 48 : i32
    %add3A_246 = arith.addi %scan3A_216, %add3A_245 : i32
    %swap3A_247 = arith.index_cast %add3A_246 : i32 to index
    %swap3A_248 = tpu.vector_load %arg14[%swap3A_247] {strides = array<i32>} : memref<10240xi32, #tpu.memory_space<vmem>>, vector<16xi32>,
    tpu.vector_store %arg14[%swap3A_247], %broadcast_in_dim3A_219 {strides = array<i32>} : memref<10240xi32, #tpu.memory_space<vmem>>, vector<16xi32>,
    %add3A_249 = arith.constant 48 : i32
    %add3A_250 = arith.addi %scan3A_216, %add3A_249 : i32
    %swap3A_251 = arith.index_cast %add3A_250 : i32 to index
    %swap3A_252 = tpu.vector_load %arg13[%swap3A_251] {strides = array<i32>} : memref<10240xi32, #tpu.memory_space<vmem>>, vector<16xi32>,
    tpu.vector_store %arg13[%swap3A_251], %broadcast_in_dim3A_221 {strides = array<i32>} : memref<10240xi32, #tpu.memory_space<vmem>>, vector<16xi32>,
    %add3A_253 = arith.constant 64 : i32
    %add3A_254 = arith.addi %scan3A_216, %add3A_253 : i32
    %swap3A_255 = arith.index_cast %add3A_254 : i32 to index
    %swap3A_256 = tpu.vector_load %arg14[%swap3A_255] {strides = array<i32>} : memref<10240xi32, #tpu.memory_space<vmem>>, vector<16xi32>,
    tpu.vector_store %arg14[%swap3A_255], %broadcast_in_dim3A_219 {strides = array<i32>} : memref<10240xi32, #tpu.memory_space<vmem>>, vector<16xi32>,
    %add3A_257 = arith.constant 64 : i32
    %add3A_258 = arith.addi %scan3A_216, %add3A_257 : i32
    %swap3A_259 = arith.index_cast %add3A_258 : i32 to index
    %swap3A_260 = tpu.vector_load %arg13[%swap3A_259] {strides = array<i32>} : memref<10240xi32, #tpu.memory_space<vmem>>, vector<16xi32>,
    tpu.vector_store %arg13[%swap3A_259], %broadcast_in_dim3A_221 {strides = array<i32>} : memref<10240xi32, #tpu.memory_space<vmem>>, vector<16xi32>,
    %add3A_261 = arith.constant 80 : i32
    %add3A_262 = arith.addi %scan3A_216, %add3A_261 : i32
    %swap3A_263 = arith.index_cast %add3A_262 : i32 to index
    %swap3A_264 = tpu.vector_load %arg14[%swap3A_263] {strides = array<i32>} : memref<10240xi32, #tpu.memory_space<vmem>>, vector<16xi32>,
    tpu.vector_store %arg14[%swap3A_263], %broadcast_in_dim3A_219 {strides = array<i32>} : memref<10240xi32, #tpu.memory_space<vmem>>, vector<16xi32>,
    %add3A_265 = arith.constant 80 : i32
    %add3A_266 = arith.addi %scan3A_216, %add3A_265 : i32
    %swap3A_267 = arith.index_cast %add3A_266 : i32 to index
    %swap3A_268 = tpu.vector_load %arg13[%swap3A_267] {strides = array<i32>} : memref<10240xi32, #tpu.memory_space<vmem>>, vector<16xi32>,
    tpu.vector_store %arg13[%swap3A_267], %broadcast_in_dim3A_221 {strides = array<i32>} : memref<10240xi32, #tpu.memory_space<vmem>>, vector<16xi32>,
    %add3A_269 = arith.constant 96 : i32
    %add3A_270 = arith.addi %scan3A_216, %add3A_269 : i32
    %swap3A_271 = arith.index_cast %add3A_270 : i32 to index
    %swap3A_272 = tpu.vector_load %arg14[%swap3A_271] {strides = array<i32>} : memref<10240xi32, #tpu.memory_space<vmem>>, vector<16xi32>,
    tpu.vector_store %arg14[%swap3A_271], %broadcast_in_dim3A_219 {strides = array<i32>} : memref<10240xi32, #tpu.memory_space<vmem>>, vector<16xi32>,
    %add3A_273 = arith.constant 96 : i32
    %add3A_274 = arith.addi %scan3A_216, %add3A_273 : i32
    %swap3A_275 = arith.index_cast %add3A_274 : i32 to index
    %swap3A_276 = tpu.vector_load %arg13[%swap3A_275] {strides = array<i32>} : memref<10240xi32, #tpu.memory_space<vmem>>, vector<16xi32>,
    tpu.vector_store %arg13[%swap3A_275], %broadcast_in_dim3A_221 {strides = array<i32>} : memref<10240xi32, #tpu.memory_space<vmem>>, vector<16xi32>,
    %add3A_277 = arith.constant 112 : i32
    %add3A_278 = arith.addi %scan3A_216, %add3A_277 : i32
    %swap3A_279 = arith.index_cast %add3A_278 : i32 to index
    %swap3A_280 = tpu.vector_load %arg14[%swap3A_279] {strides = array<i32>} : memref<10240xi32, #tpu.memory_space<vmem>>, vector<16xi32>,
    tpu.vector_store %arg14[%swap3A_279], %broadcast_in_dim3A_219 {strides = array<i32>} : memref<10240xi32, #tpu.memory_space<vmem>>, vector<16xi32>,
    %add3A_281 = arith.constant 112 : i32
    %add3A_282 = arith.addi %scan3A_216, %add3A_281 : i32
    %swap3A_283 = arith.index_cast %add3A_282 : i32 to index
    %swap3A_284 = tpu.vector_load %arg13[%swap3A_283] {strides = array<i32>} : memref<10240xi32, #tpu.memory_space<vmem>>, vector<16xi32>,
    tpu.vector_store %arg13[%swap3A_283], %broadcast_in_dim3A_221 {strides = array<i32>} : memref<10240xi32, #tpu.memory_space<vmem>>, vector<16xi32>,
    %add3A_285 = arith.constant 127 : i32
    %add3A_286 = arith.addi %scan3A_216, %add3A_285 : i32
    %jit3A = arith.constant 128 : i32
    %div3A = arith.divsi %add3A_286, %jit3A : i32
    %sign3A = arith.constant 0 : i32
    %sign3A_287 = arith.cmpi sgt, %add3A_286, %sign3A : i32
    %sign3A_288 = arith.extui %sign3A_287 : i1 to i32
    %sign3A_289 = arith.constant 0 : i32
    %sign3A_290 = arith.cmpi slt, %add3A_286, %sign3A_289 : i32
    %sign3A_291 = arith.extui %sign3A_290 : i1 to i32
    %sign3A_292 = arith.subi %sign3A_288, %sign3A_291 : i32
    %sign3A_293 = arith.constant 0 : i32
    %sign3A_294 = arith.cmpi sgt, %jit3A, %sign3A_293 : i32
    %sign3A_295 = arith.extui %sign3A_294 : i1 to i32
    %sign3A_296 = arith.constant 0 : i32
    %sign3A_297 = arith.cmpi slt, %jit3A, %sign3A_296 : i32
    %sign3A_298 = arith.extui %sign3A_297 : i1 to i32
    %sign3A_299 = arith.subi %sign3A_295, %sign3A_298 : i32
    %ne3A = arith.cmpi ne, %sign3A_292, %sign3A_299 : i32
    %rem3A = arith.remsi %add3A_286, %jit3A : i32
    %ne3A_300 = arith.constant 0 : i32
    %ne3A_301 = arith.cmpi ne, %rem3A, %ne3A_300 : i32
    %and3A_302 = arith.andi %ne3A, %ne3A_301 : i1
    %sub3A = arith.constant 1 : i32
    %sub3A_303 = arith.subi %div3A, %sub3A : i32
    %select_n3A = arith.select %and3A_302, %sub3A_303, %div3A : i32
    %gt3A = arith.constant 0 : i32
    %gt3A_304 = arith.cmpi sgt, %select_n3A, %gt3A : i32
    %convert_element_type3A_305 = arith.extui %gt3A_304 : i1 to i32
    %cond3A_306 = arith.constant 0 : i32
    %cond3A_307 = arith.cmpi ne, %convert_element_type3A_305, %cond3A_306 : i32
    scf.if %cond3A_307 {
      %get3A = arith.constant 0 : index
      %get3A_357 = tpu.vector_load %arg13[%get3A] {strides = array<i32>} : memref<10240xi32, #tpu.memory_space<vmem>>, vector<16xi32>,
      %swap3A_358 = arith.constant 0 : index
      %swap3A_359 = tpu.vector_load %arg15[%swap3A_358] {strides = array<i32>} : memref<128xi32, #tpu.memory_space<vmem>>, vector<16xi32>,
      tpu.vector_store %arg15[%swap3A_358], %get3A_357 {strides = array<i32>} : memref<128xi32, #tpu.memory_space<vmem>>, vector<16xi32>,
      %get3A_360 = arith.constant 0 : index
      %get3A_361 = tpu.vector_load %arg14[%get3A_360] {strides = array<i32>} : memref<10240xi32, #tpu.memory_space<vmem>>, vector<16xi32>,
      %swap3A_362 = arith.constant 0 : index
      %swap3A_363 = tpu.vector_load %arg16[%swap3A_362] {strides = array<i32>} : memref<128xi32, #tpu.memory_space<vmem>>, vector<16xi32>,
      tpu.vector_store %arg16[%swap3A_362], %get3A_361 {strides = array<i32>} : memref<128xi32, #tpu.memory_space<vmem>>, vector<16xi32>,
      %get3A_364 = arith.constant 16 : index
      %get3A_365 = tpu.vector_load %arg13[%get3A_364] {strides = array<i32>} : memref<10240xi32, #tpu.memory_space<vmem>>, vector<16xi32>,
      %swap3A_366 = arith.constant 16 : index
      %swap3A_367 = tpu.vector_load %arg15[%swap3A_366] {strides = array<i32>} : memref<128xi32, #tpu.memory_space<vmem>>, vector<16xi32>,
      tpu.vector_store %arg15[%swap3A_366], %get3A_365 {strides = array<i32>} : memref<128xi32, #tpu.memory_space<vmem>>, vector<16xi32>,
      %get3A_368 = arith.constant 16 : index
      %get3A_369 = tpu.vector_load %arg14[%get3A_368] {strides = array<i32>} : memref<10240xi32, #tpu.memory_space<vmem>>, vector<16xi32>,
      %swap3A_370 = arith.constant 16 : index
      %swap3A_371 = tpu.vector_load %arg16[%swap3A_370] {strides = array<i32>} : memref<128xi32, #tpu.memory_space<vmem>>, vector<16xi32>,
      tpu.vector_store %arg16[%swap3A_370], %get3A_369 {strides = array<i32>} : memref<128xi32, #tpu.memory_space<vmem>>, vector<16xi32>,
      %get3A_372 = arith.constant 32 : index
      %get3A_373 = tpu.vector_load %arg13[%get3A_372] {strides = array<i32>} : memref<10240xi32, #tpu.memory_space<vmem>>, vector<16xi32>,
      %swap3A_374 = arith.constant 32 : index
      %swap3A_375 = tpu.vector_load %arg15[%swap3A_374] {strides = array<i32>} : memref<128xi32, #tpu.memory_space<vmem>>, vector<16xi32>,
      tpu.vector_store %arg15[%swap3A_374], %get3A_373 {strides = array<i32>} : memref<128xi32, #tpu.memory_space<vmem>>, vector<16xi32>,
      %get3A_376 = arith.constant 32 : index
      %get3A_377 = tpu.vector_load %arg14[%get3A_376] {strides = array<i32>} : memref<10240xi32, #tpu.memory_space<vmem>>, vector<16xi32>,
      %swap3A_378 = arith.constant 32 : index
      %swap3A_379 = tpu.vector_load %arg16[%swap3A_378] {strides = array<i32>} : memref<128xi32, #tpu.memory_space<vmem>>, vector<16xi32>,
      tpu.vector_store %arg16[%swap3A_378], %get3A_377 {strides = array<i32>} : memref<128xi32, #tpu.memory_space<vmem>>, vector<16xi32>,
      %get3A_380 = arith.constant 48 : index
      %get3A_381 = tpu.vector_load %arg13[%get3A_380] {strides = array<i32>} : memref<10240xi32, #tpu.memory_space<vmem>>, vector<16xi32>,
      %swap3A_382 = arith.constant 48 : index
      %swap3A_383 = tpu.vector_load %arg15[%swap3A_382] {strides = array<i32>} : memref<128xi32, #tpu.memory_space<vmem>>, vector<16xi32>,
      tpu.vector_store %arg15[%swap3A_382], %get3A_381 {strides = array<i32>} : memref<128xi32, #tpu.memory_space<vmem>>, vector<16xi32>,
      %get3A_384 = arith.constant 48 : index
      %get3A_385 = tpu.vector_load %arg14[%get3A_384] {strides = array<i32>} : memref<10240xi32, #tpu.memory_space<vmem>>, vector<16xi32>,
      %swap3A_386 = arith.constant 48 : index
      %swap3A_387 = tpu.vector_load %arg16[%swap3A_386] {strides = array<i32>} : memref<128xi32, #tpu.memory_space<vmem>>, vector<16xi32>,
      tpu.vector_store %arg16[%swap3A_386], %get3A_385 {strides = array<i32>} : memref<128xi32, #tpu.memory_space<vmem>>, vector<16xi32>,
      %get3A_388 = arith.constant 64 : index
      %get3A_389 = tpu.vector_load %arg13[%get3A_388] {strides = array<i32>} : memref<10240xi32, #tpu.memory_space<vmem>>, vector<16xi32>,
      %swap3A_390 = arith.constant 64 : index
      %swap3A_391 = tpu.vector_load %arg15[%swap3A_390] {strides = array<i32>} : memref<128xi32, #tpu.memory_space<vmem>>, vector<16xi32>,
      tpu.vector_store %arg15[%swap3A_390], %get3A_389 {strides = array<i32>} : memref<128xi32, #tpu.memory_space<vmem>>, vector<16xi32>,
      %get3A_392 = arith.constant 64 : index
      %get3A_393 = tpu.vector_load %arg14[%get3A_392] {strides = array<i32>} : memref<10240xi32, #tpu.memory_space<vmem>>, vector<16xi32>,
      %swap3A_394 = arith.constant 64 : index
      %swap3A_395 = tpu.vector_load %arg16[%swap3A_394] {strides = array<i32>} : memref<128xi32, #tpu.memory_space<vmem>>, vector<16xi32>,
      tpu.vector_store %arg16[%swap3A_394], %get3A_393 {strides = array<i32>} : memref<128xi32, #tpu.memory_space<vmem>>, vector<16xi32>,
      %get3A_396 = arith.constant 80 : index
      %get3A_397 = tpu.vector_load %arg13[%get3A_396] {strides = array<i32>} : memref<10240xi32, #tpu.memory_space<vmem>>, vector<16xi32>,
      %swap3A_398 = arith.constant 80 : index
      %swap3A_399 = tpu.vector_load %arg15[%swap3A_398] {strides = array<i32>} : memref<128xi32, #tpu.memory_space<vmem>>, vector<16xi32>,
      tpu.vector_store %arg15[%swap3A_398], %get3A_397 {strides = array<i32>} : memref<128xi32, #tpu.memory_space<vmem>>, vector<16xi32>,
      %get3A_400 = arith.constant 80 : index
      %get3A_401 = tpu.vector_load %arg14[%get3A_400] {strides = array<i32>} : memref<10240xi32, #tpu.memory_space<vmem>>, vector<16xi32>,
      %swap3A_402 = arith.constant 80 : index
      %swap3A_403 = tpu.vector_load %arg16[%swap3A_402] {strides = array<i32>} : memref<128xi32, #tpu.memory_space<vmem>>, vector<16xi32>,
      tpu.vector_store %arg16[%swap3A_402], %get3A_401 {strides = array<i32>} : memref<128xi32, #tpu.memory_space<vmem>>, vector<16xi32>,
      %get3A_404 = arith.constant 96 : index
      %get3A_405 = tpu.vector_load %arg13[%get3A_404] {strides = array<i32>} : memref<10240xi32, #tpu.memory_space<vmem>>, vector<16xi32>,
      %swap3A_406 = arith.constant 96 : index
      %swap3A_407 = tpu.vector_load %arg15[%swap3A_406] {strides = array<i32>} : memref<128xi32, #tpu.memory_space<vmem>>, vector<16xi32>,
      tpu.vector_store %arg15[%swap3A_406], %get3A_405 {strides = array<i32>} : memref<128xi32, #tpu.memory_space<vmem>>, vector<16xi32>,
      %get3A_408 = arith.constant 96 : index
      %get3A_409 = tpu.vector_load %arg14[%get3A_408] {strides = array<i32>} : memref<10240xi32, #tpu.memory_space<vmem>>, vector<16xi32>,
      %swap3A_410 = arith.constant 96 : index
      %swap3A_411 = tpu.vector_load %arg16[%swap3A_410] {strides = array<i32>} : memref<128xi32, #tpu.memory_space<vmem>>, vector<16xi32>,
      tpu.vector_store %arg16[%swap3A_410], %get3A_409 {strides = array<i32>} : memref<128xi32, #tpu.memory_space<vmem>>, vector<16xi32>,
      %get3A_412 = arith.constant 112 : index
      %get3A_413 = tpu.vector_load %arg13[%get3A_412] {strides = array<i32>} : memref<10240xi32, #tpu.memory_space<vmem>>, vector<16xi32>,
      %swap3A_414 = arith.constant 112 : index
      %swap3A_415 = tpu.vector_load %arg15[%swap3A_414] {strides = array<i32>} : memref<128xi32, #tpu.memory_space<vmem>>, vector<16xi32>,
      tpu.vector_store %arg15[%swap3A_414], %get3A_413 {strides = array<i32>} : memref<128xi32, #tpu.memory_space<vmem>>, vector<16xi32>,
      %get3A_416 = arith.constant 112 : index
      %get3A_417 = tpu.vector_load %arg14[%get3A_416] {strides = array<i32>} : memref<10240xi32, #tpu.memory_space<vmem>>, vector<16xi32>,
      %swap3A_418 = arith.constant 112 : index
      %swap3A_419 = tpu.vector_load %arg16[%swap3A_418] {strides = array<i32>} : memref<128xi32, #tpu.memory_space<vmem>>, vector<16xi32>,
      tpu.vector_store %arg16[%swap3A_418], %get3A_417 {strides = array<i32>} : memref<128xi32, #tpu.memory_space<vmem>>, vector<16xi32>,
      %dma_start3A_420 = arith.constant 0 : i32
      %dma_start3A_421 = arith.constant 0 : i32
      %dma_start3A_422 = tpu.memref_slice %arg2[%dma_start3A_420, %dma_start3A_421] : memref<11024x128xf32, #tpu.memory_space<hbm>> -> memref<11024x128xf32, #tpu.memory_space<hbm>>
      tpu.enqueue_indirect_dma source(%dma_start3A_422 : memref<11024x128xf32, #tpu.memory_space<hbm>>) target(%arg17 : memref<128x128xf32, #tpu.memory_space<vmem>>) offsets(%arg15 : memref<128xi32, #tpu.memory_space<vmem>>) semaphore(%arg24 : memref<!tpu.dma_semaphore, #tpu.memory_space<semaphore_mem>>)
    } else {
    }
    %add3A_308 = arith.constant 1 : i32
    %add3A_309 = arith.addi %select_n3A, %add3A_308 : i32
    %jit3A_310 = arith.constant 2 : i32
    %div3A_311 = arith.divsi %add3A_309, %jit3A_310 : i32
    %sign3A_312 = arith.constant 0 : i32
    %sign3A_313 = arith.cmpi sgt, %add3A_309, %sign3A_312 : i32
    %sign3A_314 = arith.extui %sign3A_313 : i1 to i32
    %sign3A_315 = arith.constant 0 : i32
    %sign3A_316 = arith.cmpi slt, %add3A_309, %sign3A_315 : i32
    %sign3A_317 = arith.extui %sign3A_316 : i1 to i32
    %sign3A_318 = arith.subi %sign3A_314, %sign3A_317 : i32
    %sign3A_319 = arith.constant 0 : i32
    %sign3A_320 = arith.cmpi sgt, %jit3A_310, %sign3A_319 : i32
    %sign3A_321 = arith.extui %sign3A_320 : i1 to i32
    %sign3A_322 = arith.constant 0 : i32
    %sign3A_323 = arith.cmpi slt, %jit3A_310, %sign3A_322 : i32
    %sign3A_324 = arith.extui %sign3A_323 : i1 to i32
    %sign3A_325 = arith.subi %sign3A_321, %sign3A_324 : i32
    %ne3A_326 = arith.cmpi ne, %sign3A_318, %sign3A_325 : i32
    %rem3A_327 = arith.remsi %add3A_309, %jit3A_310 : i32
    %ne3A_328 = arith.constant 0 : i32
    %ne3A_329 = arith.cmpi ne, %rem3A_327, %ne3A_328 : i32
    %and3A_330 = arith.andi %ne3A_326, %ne3A_329 : i1
    %sub3A_331 = arith.constant 1 : i32
    %sub3A_332 = arith.subi %div3A_311, %sub3A_331 : i32
    %select_n3A_333 = arith.select %and3A_330, %sub3A_332, %div3A_311 : i32
    %while3A = arith.constant 0 : i32
    %while3A_334 = arith.constant 0 : i32
    %while3A_335 = arith.subi %select_n3A_333, %while3A : i32
    %while3A_336 = arith.addi %while3A, %while3A_335 : i32
    %while3A_337 = arith.constant 1 : i32
    %while3A_338 = arith.divsi %while3A_335, %while3A_337 : i32
    %while3A_339 = arith.muli %while3A_338, %while3A_337 : i32
    %while3A_340 = arith.addi %while3A, %while3A_339 : i32
    %while3A_341 = arith.constant 1 : i32
    %while3A_342 = scf.for %while3A_357 = %while3A to %while3A_340 step %while3A_341 iter_args(%while3A_358 = %while3A_334) -> (i32)  : i32 {
      %mul3A_359 = arith.constant 2 : i32
      %mul3A_360 = arith.muli %while3A_357, %mul3A_359 : i32
      %add3A_361 = arith.constant 0 : i32
      %add3A_362 = arith.addi %mul3A_360, %add3A_361 : i32
      %lt3A = arith.cmpi slt, %add3A_362, %select_n3A : i32
      %convert_element_type3A_363 = arith.extui %lt3A : i1 to i32
      %cond3A_364 = arith.constant 0 : i32
      %cond3A_365 = arith.cmpi ne, %convert_element_type3A_363, %cond3A_364 : i32
      scf.if %cond3A_365 {
        %add3A_375 = arith.constant 1 : i32
        %add3A_376 = arith.addi %add3A_362, %add3A_375 : i32
        %lt3A_377 = arith.cmpi slt, %add3A_376, %select_n3A : i32
        %convert_element_type3A_378 = arith.extui %lt3A_377 : i1 to i32
        %cond3A_379 = arith.constant 0 : i32
        %cond3A_380 = arith.cmpi ne, %convert_element_type3A_378, %cond3A_379 : i32
        scf.if %cond3A_380 {
          %add3A_387 = arith.constant 1 : i32
          %add3A_388 = arith.addi %add3A_362, %add3A_387 : i32
          %mul3A_389 = arith.constant 128 : i32
          %mul3A_390 = arith.muli %add3A_388, %mul3A_389 : i32
          %add3A_391 = arith.constant 0 : i32
          %add3A_392 = arith.addi %mul3A_390, %add3A_391 : i32
          %get3A = arith.index_cast %add3A_392 : i32 to index
          %get3A_393 = tpu.vector_load %arg13[%get3A] {strides = array<i32>} : memref<10240xi32, #tpu.memory_space<vmem>>, vector<16xi32>,
          %swap3A_394 = arith.constant 0 : index
          %swap3A_395 = tpu.vector_load %arg18[%swap3A_394] {strides = array<i32>} : memref<128xi32, #tpu.memory_space<vmem>>, vector<16xi32>,
          tpu.vector_store %arg18[%swap3A_394], %get3A_393 {strides = array<i32>} : memref<128xi32, #tpu.memory_space<vmem>>, vector<16xi32>,
          %add3A_396 = arith.constant 0 : i32
          %add3A_397 = arith.addi %mul3A_390, %add3A_396 : i32
          %get3A_398 = arith.index_cast %add3A_397 : i32 to index
          %get3A_399 = tpu.vector_load %arg14[%get3A_398] {strides = array<i32>} : memref<10240xi32, #tpu.memory_space<vmem>>, vector<16xi32>,
          %swap3A_400 = arith.constant 0 : index
          %swap3A_401 = tpu.vector_load %arg19[%swap3A_400] {strides = array<i32>} : memref<128xi32, #tpu.memory_space<vmem>>, vector<16xi32>,
          tpu.vector_store %arg19[%swap3A_400], %get3A_399 {strides = array<i32>} : memref<128xi32, #tpu.memory_space<vmem>>, vector<16xi32>,
          %add3A_402 = arith.constant 16 : i32
          %add3A_403 = arith.addi %mul3A_390, %add3A_402 : i32
          %get3A_404 = arith.index_cast %add3A_403 : i32 to index
          %get3A_405 = tpu.vector_load %arg13[%get3A_404] {strides = array<i32>} : memref<10240xi32, #tpu.memory_space<vmem>>, vector<16xi32>,
          %swap3A_406 = arith.constant 16 : index
          %swap3A_407 = tpu.vector_load %arg18[%swap3A_406] {strides = array<i32>} : memref<128xi32, #tpu.memory_space<vmem>>, vector<16xi32>,
          tpu.vector_store %arg18[%swap3A_406], %get3A_405 {strides = array<i32>} : memref<128xi32, #tpu.memory_space<vmem>>, vector<16xi32>,
          %add3A_408 = arith.constant 16 : i32
          %add3A_409 = arith.addi %mul3A_390, %add3A_408 : i32
          %get3A_410 = arith.index_cast %add3A_409 : i32 to index
          %get3A_411 = tpu.vector_load %arg14[%get3A_410] {strides = array<i32>} : memref<10240xi32, #tpu.memory_space<vmem>>, vector<16xi32>,
          %swap3A_412 = arith.constant 16 : index
          %swap3A_413 = tpu.vector_load %arg19[%swap3A_412] {strides = array<i32>} : memref<128xi32, #tpu.memory_space<vmem>>, vector<16xi32>,
          tpu.vector_store %arg19[%swap3A_412], %get3A_411 {strides = array<i32>} : memref<128xi32, #tpu.memory_space<vmem>>, vector<16xi32>,
          %add3A_414 = arith.constant 32 : i32
          %add3A_415 = arith.addi %mul3A_390, %add3A_414 : i32
          %get3A_416 = arith.index_cast %add3A_415 : i32 to index
          %get3A_417 = tpu.vector_load %arg13[%get3A_416] {strides = array<i32>} : memref<10240xi32, #tpu.memory_space<vmem>>, vector<16xi32>,
          %swap3A_418 = arith.constant 32 : index
          %swap3A_419 = tpu.vector_load %arg18[%swap3A_418] {strides = array<i32>} : memref<128xi32, #tpu.memory_space<vmem>>, vector<16xi32>,
          tpu.vector_store %arg18[%swap3A_418], %get3A_417 {strides = array<i32>} : memref<128xi32, #tpu.memory_space<vmem>>, vector<16xi32>,
          %add3A_420 = arith.constant 32 : i32
          %add3A_421 = arith.addi %mul3A_390, %add3A_420 : i32
          %get3A_422 = arith.index_cast %add3A_421 : i32 to index
          %get3A_423 = tpu.vector_load %arg14[%get3A_422] {strides = array<i32>} : memref<10240xi32, #tpu.memory_space<vmem>>, vector<16xi32>,
          %swap3A_424 = arith.constant 32 : index
          %swap3A_425 = tpu.vector_load %arg19[%swap3A_424] {strides = array<i32>} : memref<128xi32, #tpu.memory_space<vmem>>, vector<16xi32>,
          tpu.vector_store %arg19[%swap3A_424], %get3A_423 {strides = array<i32>} : memref<128xi32, #tpu.memory_space<vmem>>, vector<16xi32>,
          %add3A_426 = arith.constant 48 : i32
          %add3A_427 = arith.addi %mul3A_390, %add3A_426 : i32
          %get3A_428 = arith.index_cast %add3A_427 : i32 to index
          %get3A_429 = tpu.vector_load %arg13[%get3A_428] {strides = array<i32>} : memref<10240xi32, #tpu.memory_space<vmem>>, vector<16xi32>,
          %swap3A_430 = arith.constant 48 : index
          %swap3A_431 = tpu.vector_load %arg18[%swap3A_430] {strides = array<i32>} : memref<128xi32, #tpu.memory_space<vmem>>, vector<16xi32>,
          tpu.vector_store %arg18[%swap3A_430], %get3A_429 {strides = array<i32>} : memref<128xi32, #tpu.memory_space<vmem>>, vector<16xi32>,
          %add3A_432 = arith.constant 48 : i32
          %add3A_433 = arith.addi %mul3A_390, %add3A_432 : i32
          %get3A_434 = arith.index_cast %add3A_433 : i32 to index
          %get3A_435 = tpu.vector_load %arg14[%get3A_434] {strides = array<i32>} : memref<10240xi32, #tpu.memory_space<vmem>>, vector<16xi32>,
          %swap3A_436 = arith.constant 48 : index
          %swap3A_437 = tpu.vector_load %arg19[%swap3A_436] {strides = array<i32>} : memref<128xi32, #tpu.memory_space<vmem>>, vector<16xi32>,
          tpu.vector_store %arg19[%swap3A_436], %get3A_435 {strides = array<i32>} : memref<128xi32, #tpu.memory_space<vmem>>, vector<16xi32>,
          %add3A_438 = arith.constant 64 : i32
          %add3A_439 = arith.addi %mul3A_390, %add3A_438 : i32
          %get3A_440 = arith.index_cast %add3A_439 : i32 to index
          %get3A_441 = tpu.vector_load %arg13[%get3A_440] {strides = array<i32>} : memref<10240xi32, #tpu.memory_space<vmem>>, vector<16xi32>,
          %swap3A_442 = arith.constant 64 : index
          %swap3A_443 = tpu.vector_load %arg18[%swap3A_442] {strides = array<i32>} : memref<128xi32, #tpu.memory_space<vmem>>, vector<16xi32>,
          tpu.vector_store %arg18[%swap3A_442], %get3A_441 {strides = array<i32>} : memref<128xi32, #tpu.memory_space<vmem>>, vector<16xi32>,
          %add3A_444 = arith.constant 64 : i32
          %add3A_445 = arith.addi %mul3A_390, %add3A_444 : i32
          %get3A_446 = arith.index_cast %add3A_445 : i32 to index
          %get3A_447 = tpu.vector_load %arg14[%get3A_446] {strides = array<i32>} : memref<10240xi32, #tpu.memory_space<vmem>>, vector<16xi32>,
          %swap3A_448 = arith.constant 64 : index
          %swap3A_449 = tpu.vector_load %arg19[%swap3A_448] {strides = array<i32>} : memref<128xi32, #tpu.memory_space<vmem>>, vector<16xi32>,
          tpu.vector_store %arg19[%swap3A_448], %get3A_447 {strides = array<i32>} : memref<128xi32, #tpu.memory_space<vmem>>, vector<16xi32>,
          %add3A_450 = arith.constant 80 : i32
          %add3A_451 = arith.addi %mul3A_390, %add3A_450 : i32
          %get3A_452 = arith.index_cast %add3A_451 : i32 to index
          %get3A_453 = tpu.vector_load %arg13[%get3A_452] {strides = array<i32>} : memref<10240xi32, #tpu.memory_space<vmem>>, vector<16xi32>,
          %swap3A_454 = arith.constant 80 : index
          %swap3A_455 = tpu.vector_load %arg18[%swap3A_454] {strides = array<i32>} : memref<128xi32, #tpu.memory_space<vmem>>, vector<16xi32>,
          tpu.vector_store %arg18[%swap3A_454], %get3A_453 {strides = array<i32>} : memref<128xi32, #tpu.memory_space<vmem>>, vector<16xi32>,
          %add3A_456 = arith.constant 80 : i32
          %add3A_457 = arith.addi %mul3A_390, %add3A_456 : i32
          %get3A_458 = arith.index_cast %add3A_457 : i32 to index
          %get3A_459 = tpu.vector_load %arg14[%get3A_458] {strides = array<i32>} : memref<10240xi32, #tpu.memory_space<vmem>>, vector<16xi32>,
          %swap3A_460 = arith.constant 80 : index
          %swap3A_461 = tpu.vector_load %arg19[%swap3A_460] {strides = array<i32>} : memref<128xi32, #tpu.memory_space<vmem>>, vector<16xi32>,
          tpu.vector_store %arg19[%swap3A_460], %get3A_459 {strides = array<i32>} : memref<128xi32, #tpu.memory_space<vmem>>, vector<16xi32>,
          %add3A_462 = arith.constant 96 : i32
          %add3A_463 = arith.addi %mul3A_390, %add3A_462 : i32
          %get3A_464 = arith.index_cast %add3A_463 : i32 to index
          %get3A_465 = tpu.vector_load %arg13[%get3A_464] {strides = array<i32>} : memref<10240xi32, #tpu.memory_space<vmem>>, vector<16xi32>,
          %swap3A_466 = arith.constant 96 : index
          %swap3A_467 = tpu.vector_load %arg18[%swap3A_466] {strides = array<i32>} : memref<128xi32, #tpu.memory_space<vmem>>, vector<16xi32>,
          tpu.vector_store %arg18[%swap3A_466], %get3A_465 {strides = array<i32>} : memref<128xi32, #tpu.memory_space<vmem>>, vector<16xi32>,
          %add3A_468 = arith.constant 96 : i32
          %add3A_469 = arith.addi %mul3A_390, %add3A_468 : i32
          %get3A_470 = arith.index_cast %add3A_469 : i32 to index
          %get3A_471 = tpu.vector_load %arg14[%get3A_470] {strides = array<i32>} : memref<10240xi32, #tpu.memory_space<vmem>>, vector<16xi32>,
          %swap3A_472 = arith.constant 96 : index
          %swap3A_473 = tpu.vector_load %arg19[%swap3A_472] {strides = array<i32>} : memref<128xi32, #tpu.memory_space<vmem>>, vector<16xi32>,
          tpu.vector_store %arg19[%swap3A_472], %get3A_471 {strides = array<i32>} : memref<128xi32, #tpu.memory_space<vmem>>, vector<16xi32>,
          %add3A_474 = arith.constant 112 : i32
          %add3A_475 = arith.addi %mul3A_390, %add3A_474 : i32
          %get3A_476 = arith.index_cast %add3A_475 : i32 to index
          %get3A_477 = tpu.vector_load %arg13[%get3A_476] {strides = array<i32>} : memref<10240xi32, #tpu.memory_space<vmem>>, vector<16xi32>,
          %swap3A_478 = arith.constant 112 : index
          %swap3A_479 = tpu.vector_load %arg18[%swap3A_478] {strides = array<i32>} : memref<128xi32, #tpu.memory_space<vmem>>, vector<16xi32>,
          tpu.vector_store %arg18[%swap3A_478], %get3A_477 {strides = array<i32>} : memref<128xi32, #tpu.memory_space<vmem>>, vector<16xi32>,
          %add3A_480 = arith.constant 112 : i32
          %add3A_481 = arith.addi %mul3A_390, %add3A_480 : i32
          %get3A_482 = arith.index_cast %add3A_481 : i32 to index
          %get3A_483 = tpu.vector_load %arg14[%get3A_482] {strides = array<i32>} : memref<10240xi32, #tpu.memory_space<vmem>>, vector<16xi32>,
          %swap3A_484 = arith.constant 112 : index
          %swap3A_485 = tpu.vector_load %arg19[%swap3A_484] {strides = array<i32>} : memref<128xi32, #tpu.memory_space<vmem>>, vector<16xi32>,
          tpu.vector_store %arg19[%swap3A_484], %get3A_483 {strides = array<i32>} : memref<128xi32, #tpu.memory_space<vmem>>, vector<16xi32>,
          %dma_start3A_486 = arith.constant 0 : i32
          %dma_start3A_487 = arith.constant 0 : i32
          %dma_start3A_488 = tpu.memref_slice %arg2[%dma_start3A_486, %dma_start3A_487] : memref<11024x128xf32, #tpu.memory_space<hbm>> -> memref<11024x128xf32, #tpu.memory_space<hbm>>
          tpu.enqueue_indirect_dma source(%dma_start3A_488 : memref<11024x128xf32, #tpu.memory_space<hbm>>) target(%arg20 : memref<128x128xf32, #tpu.memory_space<vmem>>) offsets(%arg18 : memref<128xi32, #tpu.memory_space<vmem>>) semaphore(%arg25 : memref<!tpu.dma_semaphore, #tpu.memory_space<semaphore_mem>>)
        } else {
        }
        %dma_wait3A_381 = arith.constant 0 : i32
        %dma_wait3A_382 = arith.constant 0 : i32
        %dma_wait3A_383 = tpu.memref_slice %arg2[%dma_wait3A_381, %dma_wait3A_382] : memref<11024x128xf32, #tpu.memory_space<hbm>> -> memref<128x128xf32, #tpu.memory_space<hbm>>
        %dma_wait3A_384 = arith.constant 0 : i32
        %dma_wait3A_385 = arith.constant 0 : i32
        %dma_wait3A_386 = tpu.memref_slice %arg2[%dma_wait3A_384, %dma_wait3A_385] : memref<11024x128xf32, #tpu.memory_space<hbm>> -> memref<128x128xf32, #tpu.memory_space<hbm>>
        tpu.wait_dma2 semaphore(%arg24 : memref<!tpu.dma_semaphore, #tpu.memory_space<semaphore_mem>>) src(%dma_wait3A_386 : memref<128x128xf32, #tpu.memory_space<hbm>>) dst(%arg17 : memref<128x128xf32, #tpu.memory_space<vmem>>)
        "tpu.region"() ({
          %run_scoped3A = tpu.sem_alloc : memref<!tpu.dma_semaphore, #tpu.memory_space<semaphore_mem>>
          %dma_start3A_387 = arith.constant 0 : i32
          %dma_start3A_388 = arith.constant 0 : i32
          %dma_start3A_389 = tpu.memref_slice %arg23[%dma_start3A_387, %dma_start3A_388] : memref<1152x128xf32, #tpu.memory_space<vmem_shared>> -> memref<1152x128xf32, #tpu.memory_space<vmem_shared>>
          tpu.enqueue_indirect_dma source(%arg17 : memref<128x128xf32, #tpu.memory_space<vmem>>) target(%dma_start3A_389 : memref<1152x128xf32, #tpu.memory_space<vmem_shared>>) offsets(%arg16 : memref<128xi32, #tpu.memory_space<vmem>>) semaphore(%run_scoped3A : memref<!tpu.dma_semaphore, #tpu.memory_space<semaphore_mem>>) {add = true}
          %dma_wait3A_390 = arith.constant 0 : i32
          %dma_wait3A_391 = arith.constant 0 : i32
          %dma_wait3A_392 = tpu.memref_slice %arg23[%dma_wait3A_390, %dma_wait3A_391] : memref<1152x128xf32, #tpu.memory_space<vmem_shared>> -> memref<1152x128xf32, #tpu.memory_space<vmem_shared>>
          tpu.wait_indirect_dma semaphore(%run_scoped3A : memref<!tpu.dma_semaphore, #tpu.memory_space<semaphore_mem>>) src(%arg17 : memref<128x128xf32, #tpu.memory_space<vmem>>) dst(%dma_wait3A_392 : memref<1152x128xf32, #tpu.memory_space<vmem_shared>>)
          tpu.yield
        }) : () -> ()
      } else {
      }
      %mul3A_366 = arith.constant 2 : i32
      %mul3A_367 = arith.muli %while3A_357, %mul3A_366 : i32
      %add3A_368 = arith.constant 1 : i32
      %add3A_369 = arith.addi %mul3A_367, %add3A_368 : i32
      %lt3A_370 = arith.cmpi slt, %add3A_369, %select_n3A : i32
      %convert_element_type3A_371 = arith.extui %lt3A_370 : i1 to i32
      %cond3A_372 = arith.constant 0 : i32
      %cond3A_373 = arith.cmpi ne, %convert_element_type3A_371, %cond3A_372 : i32
      scf.if %cond3A_373 {
        %add3A_375 = arith.constant 1 : i32
        %add3A_376 = arith.addi %add3A_369, %add3A_375 : i32
        %lt3A_377 = arith.cmpi slt, %add3A_376, %select_n3A : i32
        %convert_element_type3A_378 = arith.extui %lt3A_377 : i1 to i32
        %cond3A_379 = arith.constant 0 : i32
        %cond3A_380 = arith.cmpi ne, %convert_element_type3A_378, %cond3A_379 : i32
        scf.if %cond3A_380 {
          %add3A_387 = arith.constant 1 : i32
          %add3A_388 = arith.addi %add3A_369, %add3A_387 : i32
          %mul3A_389 = arith.constant 128 : i32
          %mul3A_390 = arith.muli %add3A_388, %mul3A_389 : i32
          %add3A_391 = arith.constant 0 : i32
          %add3A_392 = arith.addi %mul3A_390, %add3A_391 : i32
          %get3A = arith.index_cast %add3A_392 : i32 to index
          %get3A_393 = tpu.vector_load %arg13[%get3A] {strides = array<i32>} : memref<10240xi32, #tpu.memory_space<vmem>>, vector<16xi32>,
          %swap3A_394 = arith.constant 0 : index
          %swap3A_395 = tpu.vector_load %arg15[%swap3A_394] {strides = array<i32>} : memref<128xi32, #tpu.memory_space<vmem>>, vector<16xi32>,
          tpu.vector_store %arg15[%swap3A_394], %get3A_393 {strides = array<i32>} : memref<128xi32, #tpu.memory_space<vmem>>, vector<16xi32>,
          %add3A_396 = arith.constant 0 : i32
          %add3A_397 = arith.addi %mul3A_390, %add3A_396 : i32
          %get3A_398 = arith.index_cast %add3A_397 : i32 to index
          %get3A_399 = tpu.vector_load %arg14[%get3A_398] {strides = array<i32>} : memref<10240xi32, #tpu.memory_space<vmem>>, vector<16xi32>,
          %swap3A_400 = arith.constant 0 : index
          %swap3A_401 = tpu.vector_load %arg16[%swap3A_400] {strides = array<i32>} : memref<128xi32, #tpu.memory_space<vmem>>, vector<16xi32>,
          tpu.vector_store %arg16[%swap3A_400], %get3A_399 {strides = array<i32>} : memref<128xi32, #tpu.memory_space<vmem>>, vector<16xi32>,
          %add3A_402 = arith.constant 16 : i32
          %add3A_403 = arith.addi %mul3A_390, %add3A_402 : i32
          %get3A_404 = arith.index_cast %add3A_403 : i32 to index
          %get3A_405 = tpu.vector_load %arg13[%get3A_404] {strides = array<i32>} : memref<10240xi32, #tpu.memory_space<vmem>>, vector<16xi32>,
          %swap3A_406 = arith.constant 16 : index
          %swap3A_407 = tpu.vector_load %arg15[%swap3A_406] {strides = array<i32>} : memref<128xi32, #tpu.memory_space<vmem>>, vector<16xi32>,
          tpu.vector_store %arg15[%swap3A_406], %get3A_405 {strides = array<i32>} : memref<128xi32, #tpu.memory_space<vmem>>, vector<16xi32>,
          %add3A_408 = arith.constant 16 : i32
          %add3A_409 = arith.addi %mul3A_390, %add3A_408 : i32
          %get3A_410 = arith.index_cast %add3A_409 : i32 to index
          %get3A_411 = tpu.vector_load %arg14[%get3A_410] {strides = array<i32>} : memref<10240xi32, #tpu.memory_space<vmem>>, vector<16xi32>,
          %swap3A_412 = arith.constant 16 : index
          %swap3A_413 = tpu.vector_load %arg16[%swap3A_412] {strides = array<i32>} : memref<128xi32, #tpu.memory_space<vmem>>, vector<16xi32>,
          tpu.vector_store %arg16[%swap3A_412], %get3A_411 {strides = array<i32>} : memref<128xi32, #tpu.memory_space<vmem>>, vector<16xi32>,
          %add3A_414 = arith.constant 32 : i32
          %add3A_415 = arith.addi %mul3A_390, %add3A_414 : i32
          %get3A_416 = arith.index_cast %add3A_415 : i32 to index
          %get3A_417 = tpu.vector_load %arg13[%get3A_416] {strides = array<i32>} : memref<10240xi32, #tpu.memory_space<vmem>>, vector<16xi32>,
          %swap3A_418 = arith.constant 32 : index
          %swap3A_419 = tpu.vector_load %arg15[%swap3A_418] {strides = array<i32>} : memref<128xi32, #tpu.memory_space<vmem>>, vector<16xi32>,
          tpu.vector_store %arg15[%swap3A_418], %get3A_417 {strides = array<i32>} : memref<128xi32, #tpu.memory_space<vmem>>, vector<16xi32>,
          %add3A_420 = arith.constant 32 : i32
          %add3A_421 = arith.addi %mul3A_390, %add3A_420 : i32
          %get3A_422 = arith.index_cast %add3A_421 : i32 to index
          %get3A_423 = tpu.vector_load %arg14[%get3A_422] {strides = array<i32>} : memref<10240xi32, #tpu.memory_space<vmem>>, vector<16xi32>,
          %swap3A_424 = arith.constant 32 : index
          %swap3A_425 = tpu.vector_load %arg16[%swap3A_424] {strides = array<i32>} : memref<128xi32, #tpu.memory_space<vmem>>, vector<16xi32>,
          tpu.vector_store %arg16[%swap3A_424], %get3A_423 {strides = array<i32>} : memref<128xi32, #tpu.memory_space<vmem>>, vector<16xi32>,
          %add3A_426 = arith.constant 48 : i32
          %add3A_427 = arith.addi %mul3A_390, %add3A_426 : i32
          %get3A_428 = arith.index_cast %add3A_427 : i32 to index
          %get3A_429 = tpu.vector_load %arg13[%get3A_428] {strides = array<i32>} : memref<10240xi32, #tpu.memory_space<vmem>>, vector<16xi32>,
          %swap3A_430 = arith.constant 48 : index
          %swap3A_431 = tpu.vector_load %arg15[%swap3A_430] {strides = array<i32>} : memref<128xi32, #tpu.memory_space<vmem>>, vector<16xi32>,
          tpu.vector_store %arg15[%swap3A_430], %get3A_429 {strides = array<i32>} : memref<128xi32, #tpu.memory_space<vmem>>, vector<16xi32>,
          %add3A_432 = arith.constant 48 : i32
          %add3A_433 = arith.addi %mul3A_390, %add3A_432 : i32
          %get3A_434 = arith.index_cast %add3A_433 : i32 to index
          %get3A_435 = tpu.vector_load %arg14[%get3A_434] {strides = array<i32>} : memref<10240xi32, #tpu.memory_space<vmem>>, vector<16xi32>,
          %swap3A_436 = arith.constant 48 : index
          %swap3A_437 = tpu.vector_load %arg16[%swap3A_436] {strides = array<i32>} : memref<128xi32, #tpu.memory_space<vmem>>, vector<16xi32>,
          tpu.vector_store %arg16[%swap3A_436], %get3A_435 {strides = array<i32>} : memref<128xi32, #tpu.memory_space<vmem>>, vector<16xi32>,
          %add3A_438 = arith.constant 64 : i32
          %add3A_439 = arith.addi %mul3A_390, %add3A_438 : i32
          %get3A_440 = arith.index_cast %add3A_439 : i32 to index
          %get3A_441 = tpu.vector_load %arg13[%get3A_440] {strides = array<i32>} : memref<10240xi32, #tpu.memory_space<vmem>>, vector<16xi32>,
          %swap3A_442 = arith.constant 64 : index
          %swap3A_443 = tpu.vector_load %arg15[%swap3A_442] {strides = array<i32>} : memref<128xi32, #tpu.memory_space<vmem>>, vector<16xi32>,
          tpu.vector_store %arg15[%swap3A_442], %get3A_441 {strides = array<i32>} : memref<128xi32, #tpu.memory_space<vmem>>, vector<16xi32>,
          %add3A_444 = arith.constant 64 : i32
          %add3A_445 = arith.addi %mul3A_390, %add3A_444 : i32
          %get3A_446 = arith.index_cast %add3A_445 : i32 to index
          %get3A_447 = tpu.vector_load %arg14[%get3A_446] {strides = array<i32>} : memref<10240xi32, #tpu.memory_space<vmem>>, vector<16xi32>,
          %swap3A_448 = arith.constant 64 : index
          %swap3A_449 = tpu.vector_load %arg16[%swap3A_448] {strides = array<i32>} : memref<128xi32, #tpu.memory_space<vmem>>, vector<16xi32>,
          tpu.vector_store %arg16[%swap3A_448], %get3A_447 {strides = array<i32>} : memref<128xi32, #tpu.memory_space<vmem>>, vector<16xi32>,
          %add3A_450 = arith.constant 80 : i32
          %add3A_451 = arith.addi %mul3A_390, %add3A_450 : i32
          %get3A_452 = arith.index_cast %add3A_451 : i32 to index
          %get3A_453 = tpu.vector_load %arg13[%get3A_452] {strides = array<i32>} : memref<10240xi32, #tpu.memory_space<vmem>>, vector<16xi32>,
          %swap3A_454 = arith.constant 80 : index
          %swap3A_455 = tpu.vector_load %arg15[%swap3A_454] {strides = array<i32>} : memref<128xi32, #tpu.memory_space<vmem>>, vector<16xi32>,
          tpu.vector_store %arg15[%swap3A_454], %get3A_453 {strides = array<i32>} : memref<128xi32, #tpu.memory_space<vmem>>, vector<16xi32>,
          %add3A_456 = arith.constant 80 : i32
          %add3A_457 = arith.addi %mul3A_390, %add3A_456 : i32
          %get3A_458 = arith.index_cast %add3A_457 : i32 to index
          %get3A_459 = tpu.vector_load %arg14[%get3A_458] {strides = array<i32>} : memref<10240xi32, #tpu.memory_space<vmem>>, vector<16xi32>,
          %swap3A_460 = arith.constant 80 : index
          %swap3A_461 = tpu.vector_load %arg16[%swap3A_460] {strides = array<i32>} : memref<128xi32, #tpu.memory_space<vmem>>, vector<16xi32>,
          tpu.vector_store %arg16[%swap3A_460], %get3A_459 {strides = array<i32>} : memref<128xi32, #tpu.memory_space<vmem>>, vector<16xi32>,
          %add3A_462 = arith.constant 96 : i32
          %add3A_463 = arith.addi %mul3A_390, %add3A_462 : i32
          %get3A_464 = arith.index_cast %add3A_463 : i32 to index
          %get3A_465 = tpu.vector_load %arg13[%get3A_464] {strides = array<i32>} : memref<10240xi32, #tpu.memory_space<vmem>>, vector<16xi32>,
          %swap3A_466 = arith.constant 96 : index
          %swap3A_467 = tpu.vector_load %arg15[%swap3A_466] {strides = array<i32>} : memref<128xi32, #tpu.memory_space<vmem>>, vector<16xi32>,
          tpu.vector_store %arg15[%swap3A_466], %get3A_465 {strides = array<i32>} : memref<128xi32, #tpu.memory_space<vmem>>, vector<16xi32>,
          %add3A_468 = arith.constant 96 : i32
          %add3A_469 = arith.addi %mul3A_390, %add3A_468 : i32
          %get3A_470 = arith.index_cast %add3A_469 : i32 to index
          %get3A_471 = tpu.vector_load %arg14[%get3A_470] {strides = array<i32>} : memref<10240xi32, #tpu.memory_space<vmem>>, vector<16xi32>,
          %swap3A_472 = arith.constant 96 : index
          %swap3A_473 = tpu.vector_load %arg16[%swap3A_472] {strides = array<i32>} : memref<128xi32, #tpu.memory_space<vmem>>, vector<16xi32>,
          tpu.vector_store %arg16[%swap3A_472], %get3A_471 {strides = array<i32>} : memref<128xi32, #tpu.memory_space<vmem>>, vector<16xi32>,
          %add3A_474 = arith.constant 112 : i32
          %add3A_475 = arith.addi %mul3A_390, %add3A_474 : i32
          %get3A_476 = arith.index_cast %add3A_475 : i32 to index
          %get3A_477 = tpu.vector_load %arg13[%get3A_476] {strides = array<i32>} : memref<10240xi32, #tpu.memory_space<vmem>>, vector<16xi32>,
          %swap3A_478 = arith.constant 112 : index
          %swap3A_479 = tpu.vector_load %arg15[%swap3A_478] {strides = array<i32>} : memref<128xi32, #tpu.memory_space<vmem>>, vector<16xi32>,
          tpu.vector_store %arg15[%swap3A_478], %get3A_477 {strides = array<i32>} : memref<128xi32, #tpu.memory_space<vmem>>, vector<16xi32>,
          %add3A_480 = arith.constant 112 : i32
          %add3A_481 = arith.addi %mul3A_390, %add3A_480 : i32
          %get3A_482 = arith.index_cast %add3A_481 : i32 to index
          %get3A_483 = tpu.vector_load %arg14[%get3A_482] {strides = array<i32>} : memref<10240xi32, #tpu.memory_space<vmem>>, vector<16xi32>,
          %swap3A_484 = arith.constant 112 : index
          %swap3A_485 = tpu.vector_load %arg16[%swap3A_484] {strides = array<i32>} : memref<128xi32, #tpu.memory_space<vmem>>, vector<16xi32>,
          tpu.vector_store %arg16[%swap3A_484], %get3A_483 {strides = array<i32>} : memref<128xi32, #tpu.memory_space<vmem>>, vector<16xi32>,
          %dma_start3A_486 = arith.constant 0 : i32
          %dma_start3A_487 = arith.constant 0 : i32
          %dma_start3A_488 = tpu.memref_slice %arg2[%dma_start3A_486, %dma_start3A_487] : memref<11024x128xf32, #tpu.memory_space<hbm>> -> memref<11024x128xf32, #tpu.memory_space<hbm>>
          tpu.enqueue_indirect_dma source(%dma_start3A_488 : memref<11024x128xf32, #tpu.memory_space<hbm>>) target(%arg17 : memref<128x128xf32, #tpu.memory_space<vmem>>) offsets(%arg15 : memref<128xi32, #tpu.memory_space<vmem>>) semaphore(%arg24 : memref<!tpu.dma_semaphore, #tpu.memory_space<semaphore_mem>>)
        } else {
        }
        %dma_wait3A_381 = arith.constant 0 : i32
        %dma_wait3A_382 = arith.constant 0 : i32
        %dma_wait3A_383 = tpu.memref_slice %arg2[%dma_wait3A_381, %dma_wait3A_382] : memref<11024x128xf32, #tpu.memory_space<hbm>> -> memref<128x128xf32, #tpu.memory_space<hbm>>
        %dma_wait3A_384 = arith.constant 0 : i32
        %dma_wait3A_385 = arith.constant 0 : i32
        %dma_wait3A_386 = tpu.memref_slice %arg2[%dma_wait3A_384, %dma_wait3A_385] : memref<11024x128xf32, #tpu.memory_space<hbm>> -> memref<128x128xf32, #tpu.memory_space<hbm>>
        tpu.wait_dma2 semaphore(%arg25 : memref<!tpu.dma_semaphore, #tpu.memory_space<semaphore_mem>>) src(%dma_wait3A_386 : memref<128x128xf32, #tpu.memory_space<hbm>>) dst(%arg20 : memref<128x128xf32, #tpu.memory_space<vmem>>)
        "tpu.region"() ({
          %run_scoped3A = tpu.sem_alloc : memref<!tpu.dma_semaphore, #tpu.memory_space<semaphore_mem>>
          %dma_start3A_387 = arith.constant 0 : i32
          %dma_start3A_388 = arith.constant 0 : i32
          %dma_start3A_389 = tpu.memref_slice %arg23[%dma_start3A_387, %dma_start3A_388] : memref<1152x128xf32, #tpu.memory_space<vmem_shared>> -> memref<1152x128xf32, #tpu.memory_space<vmem_shared>>
          tpu.enqueue_indirect_dma source(%arg20 : memref<128x128xf32, #tpu.memory_space<vmem>>) target(%dma_start3A_389 : memref<1152x128xf32, #tpu.memory_space<vmem_shared>>) offsets(%arg19 : memref<128xi32, #tpu.memory_space<vmem>>) semaphore(%run_scoped3A : memref<!tpu.dma_semaphore, #tpu.memory_space<semaphore_mem>>) {add = true}
          %dma_wait3A_390 = arith.constant 0 : i32
          %dma_wait3A_391 = arith.constant 0 : i32
          %dma_wait3A_392 = tpu.memref_slice %arg23[%dma_wait3A_390, %dma_wait3A_391] : memref<1152x128xf32, #tpu.memory_space<vmem_shared>> -> memref<1152x128xf32, #tpu.memory_space<vmem_shared>>
          tpu.wait_indirect_dma semaphore(%run_scoped3A : memref<!tpu.dma_semaphore, #tpu.memory_space<semaphore_mem>>) src(%arg20 : memref<128x128xf32, #tpu.memory_space<vmem>>) dst(%dma_wait3A_392 : memref<1152x128xf32, #tpu.memory_space<vmem_shared>>)
          tpu.yield
        }) : () -> ()
      } else {
      }
      %while3A_374 = arith.constant 0 : i32
      scf.yield %while3A_374 : i32
    }
    %while3A_343 = arith.constant 1 : i32
    %while3A_344 = scf.for %while3A_357 = %while3A_340 to %while3A_336 step %while3A_343 iter_args(%while3A_358 = %while3A_342) -> (i32)  : i32 {
      %mul3A_359 = arith.constant 2 : i32
      %mul3A_360 = arith.muli %while3A_357, %mul3A_359 : i32
      %add3A_361 = arith.constant 0 : i32
      %add3A_362 = arith.addi %mul3A_360, %add3A_361 : i32
      %lt3A = arith.cmpi slt, %add3A_362, %select_n3A : i32
      %convert_element_type3A_363 = arith.extui %lt3A : i1 to i32
      %cond3A_364 = arith.constant 0 : i32
      %cond3A_365 = arith.cmpi ne, %convert_element_type3A_363, %cond3A_364 : i32
      scf.if %cond3A_365 {
        %add3A_375 = arith.constant 1 : i32
        %add3A_376 = arith.addi %add3A_362, %add3A_375 : i32
        %lt3A_377 = arith.cmpi slt, %add3A_376, %select_n3A : i32
        %convert_element_type3A_378 = arith.extui %lt3A_377 : i1 to i32
        %cond3A_379 = arith.constant 0 : i32
        %cond3A_380 = arith.cmpi ne, %convert_element_type3A_378, %cond3A_379 : i32
        scf.if %cond3A_380 {
          %add3A_387 = arith.constant 1 : i32
          %add3A_388 = arith.addi %add3A_362, %add3A_387 : i32
          %mul3A_389 = arith.constant 128 : i32
          %mul3A_390 = arith.muli %add3A_388, %mul3A_389 : i32
          %add3A_391 = arith.constant 0 : i32
          %add3A_392 = arith.addi %mul3A_390, %add3A_391 : i32
          %get3A = arith.index_cast %add3A_392 : i32 to index
          %get3A_393 = tpu.vector_load %arg13[%get3A] {strides = array<i32>} : memref<10240xi32, #tpu.memory_space<vmem>>, vector<16xi32>,
          %swap3A_394 = arith.constant 0 : index
          %swap3A_395 = tpu.vector_load %arg18[%swap3A_394] {strides = array<i32>} : memref<128xi32, #tpu.memory_space<vmem>>, vector<16xi32>,
          tpu.vector_store %arg18[%swap3A_394], %get3A_393 {strides = array<i32>} : memref<128xi32, #tpu.memory_space<vmem>>, vector<16xi32>,
          %add3A_396 = arith.constant 0 : i32
          %add3A_397 = arith.addi %mul3A_390, %add3A_396 : i32
          %get3A_398 = arith.index_cast %add3A_397 : i32 to index
          %get3A_399 = tpu.vector_load %arg14[%get3A_398] {strides = array<i32>} : memref<10240xi32, #tpu.memory_space<vmem>>, vector<16xi32>,
          %swap3A_400 = arith.constant 0 : index
          %swap3A_401 = tpu.vector_load %arg19[%swap3A_400] {strides = array<i32>} : memref<128xi32, #tpu.memory_space<vmem>>, vector<16xi32>,
          tpu.vector_store %arg19[%swap3A_400], %get3A_399 {strides = array<i32>} : memref<128xi32, #tpu.memory_space<vmem>>, vector<16xi32>,
          %add3A_402 = arith.constant 16 : i32
          %add3A_403 = arith.addi %mul3A_390, %add3A_402 : i32
          %get3A_404 = arith.index_cast %add3A_403 : i32 to index
          %get3A_405 = tpu.vector_load %arg13[%get3A_404] {strides = array<i32>} : memref<10240xi32, #tpu.memory_space<vmem>>, vector<16xi32>,
          %swap3A_406 = arith.constant 16 : index
          %swap3A_407 = tpu.vector_load %arg18[%swap3A_406] {strides = array<i32>} : memref<128xi32, #tpu.memory_space<vmem>>, vector<16xi32>,
          tpu.vector_store %arg18[%swap3A_406], %get3A_405 {strides = array<i32>} : memref<128xi32, #tpu.memory_space<vmem>>, vector<16xi32>,
          %add3A_408 = arith.constant 16 : i32
          %add3A_409 = arith.addi %mul3A_390, %add3A_408 : i32
          %get3A_410 = arith.index_cast %add3A_409 : i32 to index
          %get3A_411 = tpu.vector_load %arg14[%get3A_410] {strides = array<i32>} : memref<10240xi32, #tpu.memory_space<vmem>>, vector<16xi32>,
          %swap3A_412 = arith.constant 16 : index
          %swap3A_413 = tpu.vector_load %arg19[%swap3A_412] {strides = array<i32>} : memref<128xi32, #tpu.memory_space<vmem>>, vector<16xi32>,
          tpu.vector_store %arg19[%swap3A_412], %get3A_411 {strides = array<i32>} : memref<128xi32, #tpu.memory_space<vmem>>, vector<16xi32>,
          %add3A_414 = arith.constant 32 : i32
          %add3A_415 = arith.addi %mul3A_390, %add3A_414 : i32
          %get3A_416 = arith.index_cast %add3A_415 : i32 to index
          %get3A_417 = tpu.vector_load %arg13[%get3A_416] {strides = array<i32>} : memref<10240xi32, #tpu.memory_space<vmem>>, vector<16xi32>,
          %swap3A_418 = arith.constant 32 : index
          %swap3A_419 = tpu.vector_load %arg18[%swap3A_418] {strides = array<i32>} : memref<128xi32, #tpu.memory_space<vmem>>, vector<16xi32>,
          tpu.vector_store %arg18[%swap3A_418], %get3A_417 {strides = array<i32>} : memref<128xi32, #tpu.memory_space<vmem>>, vector<16xi32>,
          %add3A_420 = arith.constant 32 : i32
          %add3A_421 = arith.addi %mul3A_390, %add3A_420 : i32
          %get3A_422 = arith.index_cast %add3A_421 : i32 to index
          %get3A_423 = tpu.vector_load %arg14[%get3A_422] {strides = array<i32>} : memref<10240xi32, #tpu.memory_space<vmem>>, vector<16xi32>,
          %swap3A_424 = arith.constant 32 : index
          %swap3A_425 = tpu.vector_load %arg19[%swap3A_424] {strides = array<i32>} : memref<128xi32, #tpu.memory_space<vmem>>, vector<16xi32>,
          tpu.vector_store %arg19[%swap3A_424], %get3A_423 {strides = array<i32>} : memref<128xi32, #tpu.memory_space<vmem>>, vector<16xi32>,
          %add3A_426 = arith.constant 48 : i32
          %add3A_427 = arith.addi %mul3A_390, %add3A_426 : i32
          %get3A_428 = arith.index_cast %add3A_427 : i32 to index
          %get3A_429 = tpu.vector_load %arg13[%get3A_428] {strides = array<i32>} : memref<10240xi32, #tpu.memory_space<vmem>>, vector<16xi32>,
          %swap3A_430 = arith.constant 48 : index
          %swap3A_431 = tpu.vector_load %arg18[%swap3A_430] {strides = array<i32>} : memref<128xi32, #tpu.memory_space<vmem>>, vector<16xi32>,
          tpu.vector_store %arg18[%swap3A_430], %get3A_429 {strides = array<i32>} : memref<128xi32, #tpu.memory_space<vmem>>, vector<16xi32>,
          %add3A_432 = arith.constant 48 : i32
          %add3A_433 = arith.addi %mul3A_390, %add3A_432 : i32
          %get3A_434 = arith.index_cast %add3A_433 : i32 to index
          %get3A_435 = tpu.vector_load %arg14[%get3A_434] {strides = array<i32>} : memref<10240xi32, #tpu.memory_space<vmem>>, vector<16xi32>,
          %swap3A_436 = arith.constant 48 : index
          %swap3A_437 = tpu.vector_load %arg19[%swap3A_436] {strides = array<i32>} : memref<128xi32, #tpu.memory_space<vmem>>, vector<16xi32>,
          tpu.vector_store %arg19[%swap3A_436], %get3A_435 {strides = array<i32>} : memref<128xi32, #tpu.memory_space<vmem>>, vector<16xi32>,
          %add3A_438 = arith.constant 64 : i32
          %add3A_439 = arith.addi %mul3A_390, %add3A_438 : i32
          %get3A_440 = arith.index_cast %add3A_439 : i32 to index
          %get3A_441 = tpu.vector_load %arg13[%get3A_440] {strides = array<i32>} : memref<10240xi32, #tpu.memory_space<vmem>>, vector<16xi32>,
          %swap3A_442 = arith.constant 64 : index
          %swap3A_443 = tpu.vector_load %arg18[%swap3A_442] {strides = array<i32>} : memref<128xi32, #tpu.memory_space<vmem>>, vector<16xi32>,
          tpu.vector_store %arg18[%swap3A_442], %get3A_441 {strides = array<i32>} : memref<128xi32, #tpu.memory_space<vmem>>, vector<16xi32>,
          %add3A_444 = arith.constant 64 : i32
          %add3A_445 = arith.addi %mul3A_390, %add3A_444 : i32
          %get3A_446 = arith.index_cast %add3A_445 : i32 to index
          %get3A_447 = tpu.vector_load %arg14[%get3A_446] {strides = array<i32>} : memref<10240xi32, #tpu.memory_space<vmem>>, vector<16xi32>,
          %swap3A_448 = arith.constant 64 : index
          %swap3A_449 = tpu.vector_load %arg19[%swap3A_448] {strides = array<i32>} : memref<128xi32, #tpu.memory_space<vmem>>, vector<16xi32>,
          tpu.vector_store %arg19[%swap3A_448], %get3A_447 {strides = array<i32>} : memref<128xi32, #tpu.memory_space<vmem>>, vector<16xi32>,
          %add3A_450 = arith.constant 80 : i32
          %add3A_451 = arith.addi %mul3A_390, %add3A_450 : i32
          %get3A_452 = arith.index_cast %add3A_451 : i32 to index
          %get3A_453 = tpu.vector_load %arg13[%get3A_452] {strides = array<i32>} : memref<10240xi32, #tpu.memory_space<vmem>>, vector<16xi32>,
          %swap3A_454 = arith.constant 80 : index
          %swap3A_455 = tpu.vector_load %arg18[%swap3A_454] {strides = array<i32>} : memref<128xi32, #tpu.memory_space<vmem>>, vector<16xi32>,
          tpu.vector_store %arg18[%swap3A_454], %get3A_453 {strides = array<i32>} : memref<128xi32, #tpu.memory_space<vmem>>, vector<16xi32>,
          %add3A_456 = arith.constant 80 : i32
          %add3A_457 = arith.addi %mul3A_390, %add3A_456 : i32
          %get3A_458 = arith.index_cast %add3A_457 : i32 to index
          %get3A_459 = tpu.vector_load %arg14[%get3A_458] {strides = array<i32>} : memref<10240xi32, #tpu.memory_space<vmem>>, vector<16xi32>,
          %swap3A_460 = arith.constant 80 : index
          %swap3A_461 = tpu.vector_load %arg19[%swap3A_460] {strides = array<i32>} : memref<128xi32, #tpu.memory_space<vmem>>, vector<16xi32>,
          tpu.vector_store %arg19[%swap3A_460], %get3A_459 {strides = array<i32>} : memref<128xi32, #tpu.memory_space<vmem>>, vector<16xi32>,
          %add3A_462 = arith.constant 96 : i32
          %add3A_463 = arith.addi %mul3A_390, %add3A_462 : i32
          %get3A_464 = arith.index_cast %add3A_463 : i32 to index
          %get3A_465 = tpu.vector_load %arg13[%get3A_464] {strides = array<i32>} : memref<10240xi32, #tpu.memory_space<vmem>>, vector<16xi32>,
          %swap3A_466 = arith.constant 96 : index
          %swap3A_467 = tpu.vector_load %arg18[%swap3A_466] {strides = array<i32>} : memref<128xi32, #tpu.memory_space<vmem>>, vector<16xi32>,
          tpu.vector_store %arg18[%swap3A_466], %get3A_465 {strides = array<i32>} : memref<128xi32, #tpu.memory_space<vmem>>, vector<16xi32>,
          %add3A_468 = arith.constant 96 : i32
          %add3A_469 = arith.addi %mul3A_390, %add3A_468 : i32
          %get3A_470 = arith.index_cast %add3A_469 : i32 to index
          %get3A_471 = tpu.vector_load %arg14[%get3A_470] {strides = array<i32>} : memref<10240xi32, #tpu.memory_space<vmem>>, vector<16xi32>,
          %swap3A_472 = arith.constant 96 : index
          %swap3A_473 = tpu.vector_load %arg19[%swap3A_472] {strides = array<i32>} : memref<128xi32, #tpu.memory_space<vmem>>, vector<16xi32>,
          tpu.vector_store %arg19[%swap3A_472], %get3A_471 {strides = array<i32>} : memref<128xi32, #tpu.memory_space<vmem>>, vector<16xi32>,
          %add3A_474 = arith.constant 112 : i32
          %add3A_475 = arith.addi %mul3A_390, %add3A_474 : i32
          %get3A_476 = arith.index_cast %add3A_475 : i32 to index
          %get3A_477 = tpu.vector_load %arg13[%get3A_476] {strides = array<i32>} : memref<10240xi32, #tpu.memory_space<vmem>>, vector<16xi32>,
          %swap3A_478 = arith.constant 112 : index
          %swap3A_479 = tpu.vector_load %arg18[%swap3A_478] {strides = array<i32>} : memref<128xi32, #tpu.memory_space<vmem>>, vector<16xi32>,
          tpu.vector_store %arg18[%swap3A_478], %get3A_477 {strides = array<i32>} : memref<128xi32, #tpu.memory_space<vmem>>, vector<16xi32>,
          %add3A_480 = arith.constant 112 : i32
          %add3A_481 = arith.addi %mul3A_390, %add3A_480 : i32
          %get3A_482 = arith.index_cast %add3A_481 : i32 to index
          %get3A_483 = tpu.vector_load %arg14[%get3A_482] {strides = array<i32>} : memref<10240xi32, #tpu.memory_space<vmem>>, vector<16xi32>,
          %swap3A_484 = arith.constant 112 : index
          %swap3A_485 = tpu.vector_load %arg19[%swap3A_484] {strides = array<i32>} : memref<128xi32, #tpu.memory_space<vmem>>, vector<16xi32>,
          tpu.vector_store %arg19[%swap3A_484], %get3A_483 {strides = array<i32>} : memref<128xi32, #tpu.memory_space<vmem>>, vector<16xi32>,
          %dma_start3A_486 = arith.constant 0 : i32
          %dma_start3A_487 = arith.constant 0 : i32
          %dma_start3A_488 = tpu.memref_slice %arg2[%dma_start3A_486, %dma_start3A_487] : memref<11024x128xf32, #tpu.memory_space<hbm>> -> memref<11024x128xf32, #tpu.memory_space<hbm>>
          tpu.enqueue_indirect_dma source(%dma_start3A_488 : memref<11024x128xf32, #tpu.memory_space<hbm>>) target(%arg20 : memref<128x128xf32, #tpu.memory_space<vmem>>) offsets(%arg18 : memref<128xi32, #tpu.memory_space<vmem>>) semaphore(%arg25 : memref<!tpu.dma_semaphore, #tpu.memory_space<semaphore_mem>>)
        } else {
        }
        %dma_wait3A_381 = arith.constant 0 : i32
        %dma_wait3A_382 = arith.constant 0 : i32
        %dma_wait3A_383 = tpu.memref_slice %arg2[%dma_wait3A_381, %dma_wait3A_382] : memref<11024x128xf32, #tpu.memory_space<hbm>> -> memref<128x128xf32, #tpu.memory_space<hbm>>
        %dma_wait3A_384 = arith.constant 0 : i32
        %dma_wait3A_385 = arith.constant 0 : i32
        %dma_wait3A_386 = tpu.memref_slice %arg2[%dma_wait3A_384, %dma_wait3A_385] : memref<11024x128xf32, #tpu.memory_space<hbm>> -> memref<128x128xf32, #tpu.memory_space<hbm>>
        tpu.wait_dma2 semaphore(%arg24 : memref<!tpu.dma_semaphore, #tpu.memory_space<semaphore_mem>>) src(%dma_wait3A_386 : memref<128x128xf32, #tpu.memory_space<hbm>>) dst(%arg17 : memref<128x128xf32, #tpu.memory_space<vmem>>)
        "tpu.region"() ({
          %run_scoped3A = tpu.sem_alloc : memref<!tpu.dma_semaphore, #tpu.memory_space<semaphore_mem>>
          %dma_start3A_387 = arith.constant 0 : i32
          %dma_start3A_388 = arith.constant 0 : i32
          %dma_start3A_389 = tpu.memref_slice %arg23[%dma_start3A_387, %dma_start3A_388] : memref<1152x128xf32, #tpu.memory_space<vmem_shared>> -> memref<1152x128xf32, #tpu.memory_space<vmem_shared>>
          tpu.enqueue_indirect_dma source(%arg17 : memref<128x128xf32, #tpu.memory_space<vmem>>) target(%dma_start3A_389 : memref<1152x128xf32, #tpu.memory_space<vmem_shared>>) offsets(%arg16 : memref<128xi32, #tpu.memory_space<vmem>>) semaphore(%run_scoped3A : memref<!tpu.dma_semaphore, #tpu.memory_space<semaphore_mem>>) {add = true}
          %dma_wait3A_390 = arith.constant 0 : i32
          %dma_wait3A_391 = arith.constant 0 : i32
          %dma_wait3A_392 = tpu.memref_slice %arg23[%dma_wait3A_390, %dma_wait3A_391] : memref<1152x128xf32, #tpu.memory_space<vmem_shared>> -> memref<1152x128xf32, #tpu.memory_space<vmem_shared>>
          tpu.wait_indirect_dma semaphore(%run_scoped3A : memref<!tpu.dma_semaphore, #tpu.memory_space<semaphore_mem>>) src(%arg17 : memref<128x128xf32, #tpu.memory_space<vmem>>) dst(%dma_wait3A_392 : memref<1152x128xf32, #tpu.memory_space<vmem_shared>>)
          tpu.yield
        }) : () -> ()
      } else {
      }
      %mul3A_366 = arith.constant 2 : i32
      %mul3A_367 = arith.muli %while3A_357, %mul3A_366 : i32
      %add3A_368 = arith.constant 1 : i32
      %add3A_369 = arith.addi %mul3A_367, %add3A_368 : i32
      %lt3A_370 = arith.cmpi slt, %add3A_369, %select_n3A : i32
      %convert_element_type3A_371 = arith.extui %lt3A_370 : i1 to i32
      %cond3A_372 = arith.constant 0 : i32
      %cond3A_373 = arith.cmpi ne, %convert_element_type3A_371, %cond3A_372 : i32
      scf.if %cond3A_373 {
        %add3A_375 = arith.constant 1 : i32
        %add3A_376 = arith.addi %add3A_369, %add3A_375 : i32
        %lt3A_377 = arith.cmpi slt, %add3A_376, %select_n3A : i32
        %convert_element_type3A_378 = arith.extui %lt3A_377 : i1 to i32
        %cond3A_379 = arith.constant 0 : i32
        %cond3A_380 = arith.cmpi ne, %convert_element_type3A_378, %cond3A_379 : i32
        scf.if %cond3A_380 {
          %add3A_387 = arith.constant 1 : i32
          %add3A_388 = arith.addi %add3A_369, %add3A_387 : i32
          %mul3A_389 = arith.constant 128 : i32
          %mul3A_390 = arith.muli %add3A_388, %mul3A_389 : i32
          %add3A_391 = arith.constant 0 : i32
          %add3A_392 = arith.addi %mul3A_390, %add3A_391 : i32
          %get3A = arith.index_cast %add3A_392 : i32 to index
          %get3A_393 = tpu.vector_load %arg13[%get3A] {strides = array<i32>} : memref<10240xi32, #tpu.memory_space<vmem>>, vector<16xi32>,
          %swap3A_394 = arith.constant 0 : index
          %swap3A_395 = tpu.vector_load %arg15[%swap3A_394] {strides = array<i32>} : memref<128xi32, #tpu.memory_space<vmem>>, vector<16xi32>,
          tpu.vector_store %arg15[%swap3A_394], %get3A_393 {strides = array<i32>} : memref<128xi32, #tpu.memory_space<vmem>>, vector<16xi32>,
          %add3A_396 = arith.constant 0 : i32
          %add3A_397 = arith.addi %mul3A_390, %add3A_396 : i32
          %get3A_398 = arith.index_cast %add3A_397 : i32 to index
          %get3A_399 = tpu.vector_load %arg14[%get3A_398] {strides = array<i32>} : memref<10240xi32, #tpu.memory_space<vmem>>, vector<16xi32>,
          %swap3A_400 = arith.constant 0 : index
          %swap3A_401 = tpu.vector_load %arg16[%swap3A_400] {strides = array<i32>} : memref<128xi32, #tpu.memory_space<vmem>>, vector<16xi32>,
          tpu.vector_store %arg16[%swap3A_400], %get3A_399 {strides = array<i32>} : memref<128xi32, #tpu.memory_space<vmem>>, vector<16xi32>,
          %add3A_402 = arith.constant 16 : i32
          %add3A_403 = arith.addi %mul3A_390, %add3A_402 : i32
          %get3A_404 = arith.index_cast %add3A_403 : i32 to index
          %get3A_405 = tpu.vector_load %arg13[%get3A_404] {strides = array<i32>} : memref<10240xi32, #tpu.memory_space<vmem>>, vector<16xi32>,
          %swap3A_406 = arith.constant 16 : index
          %swap3A_407 = tpu.vector_load %arg15[%swap3A_406] {strides = array<i32>} : memref<128xi32, #tpu.memory_space<vmem>>, vector<16xi32>,
          tpu.vector_store %arg15[%swap3A_406], %get3A_405 {strides = array<i32>} : memref<128xi32, #tpu.memory_space<vmem>>, vector<16xi32>,
          %add3A_408 = arith.constant 16 : i32
          %add3A_409 = arith.addi %mul3A_390, %add3A_408 : i32
          %get3A_410 = arith.index_cast %add3A_409 : i32 to index
          %get3A_411 = tpu.vector_load %arg14[%get3A_410] {strides = array<i32>} : memref<10240xi32, #tpu.memory_space<vmem>>, vector<16xi32>,
          %swap3A_412 = arith.constant 16 : index
          %swap3A_413 = tpu.vector_load %arg16[%swap3A_412] {strides = array<i32>} : memref<128xi32, #tpu.memory_space<vmem>>, vector<16xi32>,
          tpu.vector_store %arg16[%swap3A_412], %get3A_411 {strides = array<i32>} : memref<128xi32, #tpu.memory_space<vmem>>, vector<16xi32>,
          %add3A_414 = arith.constant 32 : i32
          %add3A_415 = arith.addi %mul3A_390, %add3A_414 : i32
          %get3A_416 = arith.index_cast %add3A_415 : i32 to index
          %get3A_417 = tpu.vector_load %arg13[%get3A_416] {strides = array<i32>} : memref<10240xi32, #tpu.memory_space<vmem>>, vector<16xi32>,
          %swap3A_418 = arith.constant 32 : index
          %swap3A_419 = tpu.vector_load %arg15[%swap3A_418] {strides = array<i32>} : memref<128xi32, #tpu.memory_space<vmem>>, vector<16xi32>,
          tpu.vector_store %arg15[%swap3A_418], %get3A_417 {strides = array<i32>} : memref<128xi32, #tpu.memory_space<vmem>>, vector<16xi32>,
          %add3A_420 = arith.constant 32 : i32
          %add3A_421 = arith.addi %mul3A_390, %add3A_420 : i32
          %get3A_422 = arith.index_cast %add3A_421 : i32 to index
          %get3A_423 = tpu.vector_load %arg14[%get3A_422] {strides = array<i32>} : memref<10240xi32, #tpu.memory_space<vmem>>, vector<16xi32>,
          %swap3A_424 = arith.constant 32 : index
          %swap3A_425 = tpu.vector_load %arg16[%swap3A_424] {strides = array<i32>} : memref<128xi32, #tpu.memory_space<vmem>>, vector<16xi32>,
          tpu.vector_store %arg16[%swap3A_424], %get3A_423 {strides = array<i32>} : memref<128xi32, #tpu.memory_space<vmem>>, vector<16xi32>,
          %add3A_426 = arith.constant 48 : i32
          %add3A_427 = arith.addi %mul3A_390, %add3A_426 : i32
          %get3A_428 = arith.index_cast %add3A_427 : i32 to index
          %get3A_429 = tpu.vector_load %arg13[%get3A_428] {strides = array<i32>} : memref<10240xi32, #tpu.memory_space<vmem>>, vector<16xi32>,
          %swap3A_430 = arith.constant 48 : index
          %swap3A_431 = tpu.vector_load %arg15[%swap3A_430] {strides = array<i32>} : memref<128xi32, #tpu.memory_space<vmem>>, vector<16xi32>,
          tpu.vector_store %arg15[%swap3A_430], %get3A_429 {strides = array<i32>} : memref<128xi32, #tpu.memory_space<vmem>>, vector<16xi32>,
          %add3A_432 = arith.constant 48 : i32
          %add3A_433 = arith.addi %mul3A_390, %add3A_432 : i32
          %get3A_434 = arith.index_cast %add3A_433 : i32 to index
          %get3A_435 = tpu.vector_load %arg14[%get3A_434] {strides = array<i32>} : memref<10240xi32, #tpu.memory_space<vmem>>, vector<16xi32>,
          %swap3A_436 = arith.constant 48 : index
          %swap3A_437 = tpu.vector_load %arg16[%swap3A_436] {strides = array<i32>} : memref<128xi32, #tpu.memory_space<vmem>>, vector<16xi32>,
          tpu.vector_store %arg16[%swap3A_436], %get3A_435 {strides = array<i32>} : memref<128xi32, #tpu.memory_space<vmem>>, vector<16xi32>,
          %add3A_438 = arith.constant 64 : i32
          %add3A_439 = arith.addi %mul3A_390, %add3A_438 : i32
          %get3A_440 = arith.index_cast %add3A_439 : i32 to index
          %get3A_441 = tpu.vector_load %arg13[%get3A_440] {strides = array<i32>} : memref<10240xi32, #tpu.memory_space<vmem>>, vector<16xi32>,
          %swap3A_442 = arith.constant 64 : index
          %swap3A_443 = tpu.vector_load %arg15[%swap3A_442] {strides = array<i32>} : memref<128xi32, #tpu.memory_space<vmem>>, vector<16xi32>,
          tpu.vector_store %arg15[%swap3A_442], %get3A_441 {strides = array<i32>} : memref<128xi32, #tpu.memory_space<vmem>>, vector<16xi32>,
          %add3A_444 = arith.constant 64 : i32
          %add3A_445 = arith.addi %mul3A_390, %add3A_444 : i32
          %get3A_446 = arith.index_cast %add3A_445 : i32 to index
          %get3A_447 = tpu.vector_load %arg14[%get3A_446] {strides = array<i32>} : memref<10240xi32, #tpu.memory_space<vmem>>, vector<16xi32>,
          %swap3A_448 = arith.constant 64 : index
          %swap3A_449 = tpu.vector_load %arg16[%swap3A_448] {strides = array<i32>} : memref<128xi32, #tpu.memory_space<vmem>>, vector<16xi32>,
          tpu.vector_store %arg16[%swap3A_448], %get3A_447 {strides = array<i32>} : memref<128xi32, #tpu.memory_space<vmem>>, vector<16xi32>,
          %add3A_450 = arith.constant 80 : i32
          %add3A_451 = arith.addi %mul3A_390, %add3A_450 : i32
          %get3A_452 = arith.index_cast %add3A_451 : i32 to index
          %get3A_453 = tpu.vector_load %arg13[%get3A_452] {strides = array<i32>} : memref<10240xi32, #tpu.memory_space<vmem>>, vector<16xi32>,
          %swap3A_454 = arith.constant 80 : index
          %swap3A_455 = tpu.vector_load %arg15[%swap3A_454] {strides = array<i32>} : memref<128xi32, #tpu.memory_space<vmem>>, vector<16xi32>,
          tpu.vector_store %arg15[%swap3A_454], %get3A_453 {strides = array<i32>} : memref<128xi32, #tpu.memory_space<vmem>>, vector<16xi32>,
          %add3A_456 = arith.constant 80 : i32
          %add3A_457 = arith.addi %mul3A_390, %add3A_456 : i32
          %get3A_458 = arith.index_cast %add3A_457 : i32 to index
          %get3A_459 = tpu.vector_load %arg14[%get3A_458] {strides = array<i32>} : memref<10240xi32, #tpu.memory_space<vmem>>, vector<16xi32>,
          %swap3A_460 = arith.constant 80 : index
          %swap3A_461 = tpu.vector_load %arg16[%swap3A_460] {strides = array<i32>} : memref<128xi32, #tpu.memory_space<vmem>>, vector<16xi32>,
          tpu.vector_store %arg16[%swap3A_460], %get3A_459 {strides = array<i32>} : memref<128xi32, #tpu.memory_space<vmem>>, vector<16xi32>,
          %add3A_462 = arith.constant 96 : i32
          %add3A_463 = arith.addi %mul3A_390, %add3A_462 : i32
          %get3A_464 = arith.index_cast %add3A_463 : i32 to index
          %get3A_465 = tpu.vector_load %arg13[%get3A_464] {strides = array<i32>} : memref<10240xi32, #tpu.memory_space<vmem>>, vector<16xi32>,
          %swap3A_466 = arith.constant 96 : index
          %swap3A_467 = tpu.vector_load %arg15[%swap3A_466] {strides = array<i32>} : memref<128xi32, #tpu.memory_space<vmem>>, vector<16xi32>,
          tpu.vector_store %arg15[%swap3A_466], %get3A_465 {strides = array<i32>} : memref<128xi32, #tpu.memory_space<vmem>>, vector<16xi32>,
          %add3A_468 = arith.constant 96 : i32
          %add3A_469 = arith.addi %mul3A_390, %add3A_468 : i32
          %get3A_470 = arith.index_cast %add3A_469 : i32 to index
          %get3A_471 = tpu.vector_load %arg14[%get3A_470] {strides = array<i32>} : memref<10240xi32, #tpu.memory_space<vmem>>, vector<16xi32>,
          %swap3A_472 = arith.constant 96 : index
          %swap3A_473 = tpu.vector_load %arg16[%swap3A_472] {strides = array<i32>} : memref<128xi32, #tpu.memory_space<vmem>>, vector<16xi32>,
          tpu.vector_store %arg16[%swap3A_472], %get3A_471 {strides = array<i32>} : memref<128xi32, #tpu.memory_space<vmem>>, vector<16xi32>,
          %add3A_474 = arith.constant 112 : i32
          %add3A_475 = arith.addi %mul3A_390, %add3A_474 : i32
          %get3A_476 = arith.index_cast %add3A_475 : i32 to index
          %get3A_477 = tpu.vector_load %arg13[%get3A_476] {strides = array<i32>} : memref<10240xi32, #tpu.memory_space<vmem>>, vector<16xi32>,
          %swap3A_478 = arith.constant 112 : index
          %swap3A_479 = tpu.vector_load %arg15[%swap3A_478] {strides = array<i32>} : memref<128xi32, #tpu.memory_space<vmem>>, vector<16xi32>,
          tpu.vector_store %arg15[%swap3A_478], %get3A_477 {strides = array<i32>} : memref<128xi32, #tpu.memory_space<vmem>>, vector<16xi32>,
          %add3A_480 = arith.constant 112 : i32
          %add3A_481 = arith.addi %mul3A_390, %add3A_480 : i32
          %get3A_482 = arith.index_cast %add3A_481 : i32 to index
          %get3A_483 = tpu.vector_load %arg14[%get3A_482] {strides = array<i32>} : memref<10240xi32, #tpu.memory_space<vmem>>, vector<16xi32>,
          %swap3A_484 = arith.constant 112 : index
          %swap3A_485 = tpu.vector_load %arg16[%swap3A_484] {strides = array<i32>} : memref<128xi32, #tpu.memory_space<vmem>>, vector<16xi32>,
          tpu.vector_store %arg16[%swap3A_484], %get3A_483 {strides = array<i32>} : memref<128xi32, #tpu.memory_space<vmem>>, vector<16xi32>,
          %dma_start3A_486 = arith.constant 0 : i32
          %dma_start3A_487 = arith.constant 0 : i32
          %dma_start3A_488 = tpu.memref_slice %arg2[%dma_start3A_486, %dma_start3A_487] : memref<11024x128xf32, #tpu.memory_space<hbm>> -> memref<11024x128xf32, #tpu.memory_space<hbm>>
          tpu.enqueue_indirect_dma source(%dma_start3A_488 : memref<11024x128xf32, #tpu.memory_space<hbm>>) target(%arg17 : memref<128x128xf32, #tpu.memory_space<vmem>>) offsets(%arg15 : memref<128xi32, #tpu.memory_space<vmem>>) semaphore(%arg24 : memref<!tpu.dma_semaphore, #tpu.memory_space<semaphore_mem>>)
        } else {
        }
        %dma_wait3A_381 = arith.constant 0 : i32
        %dma_wait3A_382 = arith.constant 0 : i32
        %dma_wait3A_383 = tpu.memref_slice %arg2[%dma_wait3A_381, %dma_wait3A_382] : memref<11024x128xf32, #tpu.memory_space<hbm>> -> memref<128x128xf32, #tpu.memory_space<hbm>>
        %dma_wait3A_384 = arith.constant 0 : i32
        %dma_wait3A_385 = arith.constant 0 : i32
        %dma_wait3A_386 = tpu.memref_slice %arg2[%dma_wait3A_384, %dma_wait3A_385] : memref<11024x128xf32, #tpu.memory_space<hbm>> -> memref<128x128xf32, #tpu.memory_space<hbm>>
        tpu.wait_dma2 semaphore(%arg25 : memref<!tpu.dma_semaphore, #tpu.memory_space<semaphore_mem>>) src(%dma_wait3A_386 : memref<128x128xf32, #tpu.memory_space<hbm>>) dst(%arg20 : memref<128x128xf32, #tpu.memory_space<vmem>>)
        "tpu.region"() ({
          %run_scoped3A = tpu.sem_alloc : memref<!tpu.dma_semaphore, #tpu.memory_space<semaphore_mem>>
          %dma_start3A_387 = arith.constant 0 : i32
          %dma_start3A_388 = arith.constant 0 : i32
          %dma_start3A_389 = tpu.memref_slice %arg23[%dma_start3A_387, %dma_start3A_388] : memref<1152x128xf32, #tpu.memory_space<vmem_shared>> -> memref<1152x128xf32, #tpu.memory_space<vmem_shared>>
          tpu.enqueue_indirect_dma source(%arg20 : memref<128x128xf32, #tpu.memory_space<vmem>>) target(%dma_start3A_389 : memref<1152x128xf32, #tpu.memory_space<vmem_shared>>) offsets(%arg19 : memref<128xi32, #tpu.memory_space<vmem>>) semaphore(%run_scoped3A : memref<!tpu.dma_semaphore, #tpu.memory_space<semaphore_mem>>) {add = true}
          %dma_wait3A_390 = arith.constant 0 : i32
          %dma_wait3A_391 = arith.constant 0 : i32
          %dma_wait3A_392 = tpu.memref_slice %arg23[%dma_wait3A_390, %dma_wait3A_391] : memref<1152x128xf32, #tpu.memory_space<vmem_shared>> -> memref<1152x128xf32, #tpu.memory_space<vmem_shared>>
          tpu.wait_indirect_dma semaphore(%run_scoped3A : memref<!tpu.dma_semaphore, #tpu.memory_space<semaphore_mem>>) src(%arg20 : memref<128x128xf32, #tpu.memory_space<vmem>>) dst(%dma_wait3A_392 : memref<1152x128xf32, #tpu.memory_space<vmem_shared>>)
          tpu.yield
        }) : () -> ()
      } else {
      }
      %while3A_374 = arith.constant 0 : i32
      scf.yield %while3A_374 : i32
    }
    %scan3A_345 = arith.constant 0 : i32
    %scan3A_346 = arith.constant 0 : i32
    %scan3A_347 = arith.constant 64 : i32
    %scan3A_348 = arith.addi %scan3A_346, %scan3A_347 : i32
    %scan3A_349 = arith.constant 1 : i32
    %scan3A_350 = scf.for %scan3A_357 = %scan3A_346 to %scan3A_348 step %scan3A_349 iter_args(%scan3A_358 = %scan3A_345) -> (i32)  : i32 {
      %mul3A_359 = arith.constant 16 : i32
      %mul3A_360 = arith.muli %scan3A_357, %mul3A_359 : i32
      %get3A = arith.constant 0 : i32
      %get3A_361 = arith.index_cast %get3A : i32 to index
      %get3A_362 = arith.index_cast %mul3A_360 : i32 to index
      %get3A_363 = tpu.vector_load %arg21[%get3A_361, %get3A_362] {strides = array<i32>} : memref<16x1024xf32, #tpu.memory_space<vmem>>, vector<16xf32>,
      %mul3A_364 = arith.constant 16 : i32
      %mul3A_365 = arith.muli %scan3A_357, %mul3A_364 : i32
      %get3A_366 = arith.constant 1 : i32
      %get3A_367 = arith.index_cast %get3A_366 : i32 to index
      %get3A_368 = arith.index_cast %mul3A_365 : i32 to index
      %get3A_369 = tpu.vector_load %arg21[%get3A_367, %get3A_368] {strides = array<i32>} : memref<16x1024xf32, #tpu.memory_space<vmem>>, vector<16xf32>,
      %add3A_370 = arith.addf %get3A_363, %get3A_369 : vector<16xf32>
      %mul3A_371 = arith.constant 16 : i32
      %mul3A_372 = arith.muli %scan3A_357, %mul3A_371 : i32
      %get3A_373 = arith.constant 2 : i32
      %get3A_374 = arith.index_cast %get3A_373 : i32 to index
      %get3A_375 = arith.index_cast %mul3A_372 : i32 to index
      %get3A_376 = tpu.vector_load %arg21[%get3A_374, %get3A_375] {strides = array<i32>} : memref<16x1024xf32, #tpu.memory_space<vmem>>, vector<16xf32>,
      %add3A_377 = arith.addf %add3A_370, %get3A_376 : vector<16xf32>
      %mul3A_378 = arith.constant 16 : i32
      %mul3A_379 = arith.muli %scan3A_357, %mul3A_378 : i32
      %get3A_380 = arith.constant 3 : i32
      %get3A_381 = arith.index_cast %get3A_380 : i32 to index
      %get3A_382 = arith.index_cast %mul3A_379 : i32 to index
      %get3A_383 = tpu.vector_load %arg21[%get3A_381, %get3A_382] {strides = array<i32>} : memref<16x1024xf32, #tpu.memory_space<vmem>>, vector<16xf32>,
      %add3A_384 = arith.addf %add3A_377, %get3A_383 : vector<16xf32>
      %mul3A_385 = arith.constant 16 : i32
      %mul3A_386 = arith.muli %scan3A_357, %mul3A_385 : i32
      %get3A_387 = arith.constant 4 : i32
      %get3A_388 = arith.index_cast %get3A_387 : i32 to index
      %get3A_389 = arith.index_cast %mul3A_386 : i32 to index
      %get3A_390 = tpu.vector_load %arg21[%get3A_388, %get3A_389] {strides = array<i32>} : memref<16x1024xf32, #tpu.memory_space<vmem>>, vector<16xf32>,
      %add3A_391 = arith.addf %add3A_384, %get3A_390 : vector<16xf32>
      %mul3A_392 = arith.constant 16 : i32
      %mul3A_393 = arith.muli %scan3A_357, %mul3A_392 : i32
      %get3A_394 = arith.constant 5 : i32
      %get3A_395 = arith.index_cast %get3A_394 : i32 to index
      %get3A_396 = arith.index_cast %mul3A_393 : i32 to index
      %get3A_397 = tpu.vector_load %arg21[%get3A_395, %get3A_396] {strides = array<i32>} : memref<16x1024xf32, #tpu.memory_space<vmem>>, vector<16xf32>,
      %add3A_398 = arith.addf %add3A_391, %get3A_397 : vector<16xf32>
      %mul3A_399 = arith.constant 16 : i32
      %mul3A_400 = arith.muli %scan3A_357, %mul3A_399 : i32
      %get3A_401 = arith.constant 6 : i32
      %get3A_402 = arith.index_cast %get3A_401 : i32 to index
      %get3A_403 = arith.index_cast %mul3A_400 : i32 to index
      %get3A_404 = tpu.vector_load %arg21[%get3A_402, %get3A_403] {strides = array<i32>} : memref<16x1024xf32, #tpu.memory_space<vmem>>, vector<16xf32>,
      %add3A_405 = arith.addf %add3A_398, %get3A_404 : vector<16xf32>
      %mul3A_406 = arith.constant 16 : i32
      %mul3A_407 = arith.muli %scan3A_357, %mul3A_406 : i32
      %get3A_408 = arith.constant 7 : i32
      %get3A_409 = arith.index_cast %get3A_408 : i32 to index
      %get3A_410 = arith.index_cast %mul3A_407 : i32 to index
      %get3A_411 = tpu.vector_load %arg21[%get3A_409, %get3A_410] {strides = array<i32>} : memref<16x1024xf32, #tpu.memory_space<vmem>>, vector<16xf32>,
      %add3A_412 = arith.addf %add3A_405, %get3A_411 : vector<16xf32>
      %mul3A_413 = arith.constant 16 : i32
      %mul3A_414 = arith.muli %scan3A_357, %mul3A_413 : i32
      %get3A_415 = arith.constant 8 : i32
      %get3A_416 = arith.index_cast %get3A_415 : i32 to index
      %get3A_417 = arith.index_cast %mul3A_414 : i32 to index
      %get3A_418 = tpu.vector_load %arg21[%get3A_416, %get3A_417] {strides = array<i32>} : memref<16x1024xf32, #tpu.memory_space<vmem>>, vector<16xf32>,
      %add3A_419 = arith.addf %add3A_412, %get3A_418 : vector<16xf32>
      %mul3A_420 = arith.constant 16 : i32
      %mul3A_421 = arith.muli %scan3A_357, %mul3A_420 : i32
      %get3A_422 = arith.constant 9 : i32
      %get3A_423 = arith.index_cast %get3A_422 : i32 to index
      %get3A_424 = arith.index_cast %mul3A_421 : i32 to index
      %get3A_425 = tpu.vector_load %arg21[%get3A_423, %get3A_424] {strides = array<i32>} : memref<16x1024xf32, #tpu.memory_space<vmem>>, vector<16xf32>,
      %add3A_426 = arith.addf %add3A_419, %get3A_425 : vector<16xf32>
      %mul3A_427 = arith.constant 16 : i32
      %mul3A_428 = arith.muli %scan3A_357, %mul3A_427 : i32
      %get3A_429 = arith.constant 10 : i32
      %get3A_430 = arith.index_cast %get3A_429 : i32 to index
      %get3A_431 = arith.index_cast %mul3A_428 : i32 to index
      %get3A_432 = tpu.vector_load %arg21[%get3A_430, %get3A_431] {strides = array<i32>} : memref<16x1024xf32, #tpu.memory_space<vmem>>, vector<16xf32>,
      %add3A_433 = arith.addf %add3A_426, %get3A_432 : vector<16xf32>
      %mul3A_434 = arith.constant 16 : i32
      %mul3A_435 = arith.muli %scan3A_357, %mul3A_434 : i32
      %get3A_436 = arith.constant 11 : i32
      %get3A_437 = arith.index_cast %get3A_436 : i32 to index
      %get3A_438 = arith.index_cast %mul3A_435 : i32 to index
      %get3A_439 = tpu.vector_load %arg21[%get3A_437, %get3A_438] {strides = array<i32>} : memref<16x1024xf32, #tpu.memory_space<vmem>>, vector<16xf32>,
      %add3A_440 = arith.addf %add3A_433, %get3A_439 : vector<16xf32>
      %mul3A_441 = arith.constant 16 : i32
      %mul3A_442 = arith.muli %scan3A_357, %mul3A_441 : i32
      %get3A_443 = arith.constant 12 : i32
      %get3A_444 = arith.index_cast %get3A_443 : i32 to index
      %get3A_445 = arith.index_cast %mul3A_442 : i32 to index
      %get3A_446 = tpu.vector_load %arg21[%get3A_444, %get3A_445] {strides = array<i32>} : memref<16x1024xf32, #tpu.memory_space<vmem>>, vector<16xf32>,
      %add3A_447 = arith.addf %add3A_440, %get3A_446 : vector<16xf32>
      %mul3A_448 = arith.constant 16 : i32
      %mul3A_449 = arith.muli %scan3A_357, %mul3A_448 : i32
      %get3A_450 = arith.constant 13 : i32
      %get3A_451 = arith.index_cast %get3A_450 : i32 to index
      %get3A_452 = arith.index_cast %mul3A_449 : i32 to index
      %get3A_453 = tpu.vector_load %arg21[%get3A_451, %get3A_452] {strides = array<i32>} : memref<16x1024xf32, #tpu.memory_space<vmem>>, vector<16xf32>,
      %add3A_454 = arith.addf %add3A_447, %get3A_453 : vector<16xf32>
      %mul3A_455 = arith.constant 16 : i32
      %mul3A_456 = arith.muli %scan3A_357, %mul3A_455 : i32
      %get3A_457 = arith.constant 14 : i32
      %get3A_458 = arith.index_cast %get3A_457 : i32 to index
      %get3A_459 = arith.index_cast %mul3A_456 : i32 to index
      %get3A_460 = tpu.vector_load %arg21[%get3A_458, %get3A_459] {strides = array<i32>} : memref<16x1024xf32, #tpu.memory_space<vmem>>, vector<16xf32>,
      %add3A_461 = arith.addf %add3A_454, %get3A_460 : vector<16xf32>
      %mul3A_462 = arith.constant 16 : i32
      %mul3A_463 = arith.muli %scan3A_357, %mul3A_462 : i32
      %get3A_464 = arith.constant 15 : i32
      %get3A_465 = arith.index_cast %get3A_464 : i32 to index
      %get3A_466 = arith.index_cast %mul3A_463 : i32 to index
      %get3A_467 = tpu.vector_load %arg21[%get3A_465, %get3A_466] {strides = array<i32>} : memref<16x1024xf32, #tpu.memory_space<vmem>>, vector<16xf32>,
      %add3A_468 = arith.addf %add3A_461, %get3A_467 : vector<16xf32>
      %mul3A_469 = arith.constant 16 : i32
      %mul3A_470 = arith.muli %scan3A_357, %mul3A_469 : i32
      %swap3A_471 = arith.constant 0 : i32
      %swap3A_472 = arith.index_cast %swap3A_471 : i32 to index
      %swap3A_473 = arith.index_cast %mul3A_470 : i32 to index
      %swap3A_474 = tpu.vector_load %arg21[%swap3A_472, %swap3A_473] {strides = array<i32>} : memref<16x1024xf32, #tpu.memory_space<vmem>>, vector<16xf32>,
      tpu.vector_store %arg21[%swap3A_472, %swap3A_473], %add3A_468 {strides = array<i32>} : memref<16x1024xf32, #tpu.memory_space<vmem>>, vector<16xf32>,
      %scan3A_475 = arith.constant 0 : i32
      scf.yield %scan3A_475 : i32
    }
    %scan3A_351 = arith.constant 64 : i32
    "tpu.region"() ({
      %run_scoped3A = tpu.sem_alloc : memref<!tpu.dma_semaphore, #tpu.memory_space<semaphore_mem>>
      %dma_start3A_357 = arith.constant 0 : i32
      %dma_start3A_358 = arith.constant 0 : i32
      %dma_start3A_359 = tpu.memref_slice %arg21[%dma_start3A_357, %dma_start3A_358] : memref<16x1024xf32, #tpu.memory_space<vmem>> -> memref<1x1024xf32, #tpu.memory_space<vmem>>
      %dma_start3A_360 = arith.constant 0 : i32
      %dma_start3A_361 = arith.constant 0 : i32
      %dma_start3A_362 = tpu.memref_slice %arg7[%add3A, %dma_start3A_360, %dma_start3A_361] : memref<32x1x1024xf32, #tpu.memory_space<hbm>> -> memref<1x1x1024xf32, #tpu.memory_space<hbm>>
      %dma_start3A_363 = tpu.memref_squeeze %dma_start3A_362 : memref<1x1x1024xf32, #tpu.memory_space<hbm>> -> memref<1x1024xf32, #tpu.memory_space<hbm>>
      %dma_start3A_364 = arith.constant 0 : i32
      %dma_start3A_365 = arith.constant 0 : i32
      %dma_start3A_366 = tpu.memref_slice %arg7[%add3A, %dma_start3A_364, %dma_start3A_365] : memref<32x1x1024xf32, #tpu.memory_space<hbm>> -> memref<1x1x1024xf32, #tpu.memory_space<hbm>>
      %dma_start3A_367 = tpu.memref_squeeze %dma_start3A_366 : memref<1x1x1024xf32, #tpu.memory_space<hbm>> -> memref<1x1024xf32, #tpu.memory_space<hbm>>
      %dma_start3A_368 = arith.constant 0 : i32
      %dma_start3A_369 = arith.constant 0 : i32
      %dma_start3A_370 = tpu.memref_slice %arg21[%dma_start3A_368, %dma_start3A_369] : memref<16x1024xf32, #tpu.memory_space<vmem>> -> memref<1x1024xf32, #tpu.memory_space<vmem>>
      tpu.enqueue_dma source(%dma_start3A_370 : memref<1x1024xf32, #tpu.memory_space<vmem>>) target(%dma_start3A_367 : memref<1x1024xf32, #tpu.memory_space<hbm>>) target_semaphore(%run_scoped3A : memref<!tpu.dma_semaphore, #tpu.memory_space<semaphore_mem>>)
      %dma_wait3A_371 = arith.constant 0 : i32
      %dma_wait3A_372 = arith.constant 0 : i32
      %dma_wait3A_373 = tpu.memref_slice %arg21[%dma_wait3A_371, %dma_wait3A_372] : memref<16x1024xf32, #tpu.memory_space<vmem>> -> memref<1x1024xf32, #tpu.memory_space<vmem>>
      %dma_wait3A_374 = arith.constant 0 : i32
      %dma_wait3A_375 = arith.constant 0 : i32
      %dma_wait3A_376 = tpu.memref_slice %arg7[%add3A, %dma_wait3A_374, %dma_wait3A_375] : memref<32x1x1024xf32, #tpu.memory_space<hbm>> -> memref<1x1x1024xf32, #tpu.memory_space<hbm>>
      %dma_wait3A_377 = tpu.memref_squeeze %dma_wait3A_376 : memref<1x1x1024xf32, #tpu.memory_space<hbm>> -> memref<1x1024xf32, #tpu.memory_space<hbm>>
      %dma_wait3A_378 = arith.constant 0 : i32
      %dma_wait3A_379 = arith.constant 0 : i32
      %dma_wait3A_380 = tpu.memref_slice %arg7[%add3A, %dma_wait3A_378, %dma_wait3A_379] : memref<32x1x1024xf32, #tpu.memory_space<hbm>> -> memref<1x1x1024xf32, #tpu.memory_space<hbm>>
      %dma_wait3A_381 = tpu.memref_squeeze %dma_wait3A_380 : memref<1x1x1024xf32, #tpu.memory_space<hbm>> -> memref<1x1024xf32, #tpu.memory_space<hbm>>
      %dma_wait3A_382 = arith.constant 0 : i32
      %dma_wait3A_383 = arith.constant 0 : i32
      %dma_wait3A_384 = tpu.memref_slice %arg21[%dma_wait3A_382, %dma_wait3A_383] : memref<16x1024xf32, #tpu.memory_space<vmem>> -> memref<1x1024xf32, #tpu.memory_space<vmem>>
      tpu.wait_dma2 semaphore(%run_scoped3A : memref<!tpu.dma_semaphore, #tpu.memory_space<semaphore_mem>>) src(%dma_wait3A_384 : memref<1x1024xf32, #tpu.memory_space<vmem>>) dst(%dma_wait3A_381 : memref<1x1024xf32, #tpu.memory_space<hbm>>)
      tpu.yield
    }) : () -> ()
    %barrier3A_352 = arith.constant 0 : index
    tpu.barrier barrier_id(%barrier3A_352)
    %mul3A_353 = arith.constant 72 : i32
    %mul3A_354 = arith.muli %arg1, %mul3A_353 : i32
    %mul3A_355 = arith.constant 72 : i32
    %mul3A_356 = arith.muli %arg1, %mul3A_355 : i32
    "tpu.region"() ({
      %run_scoped3A = tpu.sem_alloc : memref<!tpu.dma_semaphore, #tpu.memory_space<semaphore_mem>>
      %dma_start3A_357 = arith.constant 0 : i32
      %dma_start3A_358 = tpu.memref_slice %arg6[%arg0, %mul3A_356, %dma_start3A_357] : memref<2x1152x128xf32, #tpu.memory_space<hbm>> -> memref<1x72x128xf32, #tpu.memory_space<hbm>>
      %dma_start3A_359 = tpu.memref_squeeze %dma_start3A_358 : memref<1x72x128xf32, #tpu.memory_space<hbm>> -> memref<72x128xf32, #tpu.memory_space<hbm>>
      %dma_start3A_360 = arith.constant 0 : i32
      %dma_start3A_361 = tpu.memref_slice %arg23[%mul3A_354, %dma_start3A_360] : memref<1152x128xf32, #tpu.memory_space<vmem_shared>> -> memref<72x128xf32, #tpu.memory_space<vmem_shared>>
      tpu.enqueue_dma source(%dma_start3A_361 : memref<72x128xf32, #tpu.memory_space<vmem_shared>>) target(%dma_start3A_359 : memref<72x128xf32, #tpu.memory_space<hbm>>) target_semaphore(%run_scoped3A : memref<!tpu.dma_semaphore, #tpu.memory_space<semaphore_mem>>)
      %dma_wait3A_362 = arith.constant 0 : i32
      %dma_wait3A_363 = tpu.memref_slice %arg6[%arg0, %mul3A_356, %dma_wait3A_362] : memref<2x1152x128xf32, #tpu.memory_space<hbm>> -> memref<1x72x128xf32, #tpu.memory_space<hbm>>
      %dma_wait3A_364 = tpu.memref_squeeze %dma_wait3A_363 : memref<1x72x128xf32, #tpu.memory_space<hbm>> -> memref<72x128xf32, #tpu.memory_space<hbm>>
      %dma_wait3A_365 = arith.constant 0 : i32
      %dma_wait3A_366 = tpu.memref_slice %arg23[%mul3A_354, %dma_wait3A_365] : memref<1152x128xf32, #tpu.memory_space<vmem_shared>> -> memref<72x128xf32, #tpu.memory_space<vmem_shared>>
      tpu.wait_dma2 semaphore(%run_scoped3A : memref<!tpu.dma_semaphore, #tpu.memory_space<semaphore_mem>>) src(%dma_wait3A_366 : memref<72x128xf32, #tpu.memory_space<vmem_shared>>) dst(%dma_wait3A_364 : memref<72x128xf32, #tpu.memory_space<hbm>>)
      tpu.yield
    }) : () -> ()
    return
  }
}

module attributes {stable_mosaic.version = 14 : i64} {
  func.func @_head_body(%arg0: memref<2x1152x128xf32, #tpu.memory_space<vmem>>, %arg1: memref<32x1024xf32, #tpu.memory_space<vmem>>, %arg2: memref<1024x1xi32, #tpu.memory_space<vmem>>, %arg3: memref<1024x128xf32, #tpu.memory_space<vmem>>, %arg4: memref<128x128xf32, #tpu.memory_space<vmem>>, %arg5: memref<128x128xf32, #tpu.memory_space<vmem>>, %arg6: memref<1x128xf32, #tpu.memory_space<vmem>>, %arg7: memref<128x16xf32, #tpu.memory_space<vmem>>, %arg8: memref<1x16xf32, #tpu.memory_space<vmem>>, %arg9: memref<1024x16xf32, #tpu.memory_space<vmem>>) attributes {dimension_semantics = [], scalar_prefetch = 0 : i64, scratch_operands = 0 : i64, tpu.core_type = #tpu.core_type<tc>} {
    %get3A = arith.constant 0 : index
    %get3A_0 = arith.constant 0 : index
    %get3A_1 = arith.constant 0 : index
    %get3A_2 = vector.load %arg0[%get3A, %get3A_0, %get3A_1] : memref<2x1152x128xf32, #tpu.memory_space<vmem>>, vector<2x1152x128xf32>
    %slice3A = vector.extract_strided_slice %get3A_2 {offsets = [0, 0, 0], sizes = [1, 1152, 128], strides = [1, 1, 1]} : vector<2x1152x128xf32> to vector<1x1152x128xf32>
    %squeeze3A = vector.shape_cast %slice3A : vector<1x1152x128xf32> to vector<1152x128xf32>
    %slice3A_3 = vector.extract_strided_slice %get3A_2 {offsets = [1, 0, 0], sizes = [1, 1152, 128], strides = [1, 1, 1]} : vector<2x1152x128xf32> to vector<1x1152x128xf32>
    %squeeze3A_4 = vector.shape_cast %slice3A_3 : vector<1x1152x128xf32> to vector<1152x128xf32>
    %add3A = arith.addf %squeeze3A, %squeeze3A_4 : vector<1152x128xf32>
    %slice3A_5 = vector.extract_strided_slice %add3A {offsets = [0, 0], sizes = [1024, 128], strides = [1, 1]} : vector<1152x128xf32> to vector<1024x128xf32>
    %get3A_6 = arith.constant 0 : index
    %get3A_7 = arith.constant 0 : index
    %get3A_8 = vector.load %arg1[%get3A_6, %get3A_7] : memref<32x1024xf32, #tpu.memory_space<vmem>>, vector<32x1024xf32>
    %reduce_sum3A = arith.constant dense<0.000000e+00> : vector<1024xf32>
    %reduce_sum3A_9 = vector.multi_reduction <add>, %get3A_8, %reduce_sum3A [0] : vector<32x1024xf32> to vector<1024xf32>
    %broadcast_in_dim3A = vector.shape_cast %reduce_sum3A_9 : vector<1024xf32> to vector<1x1024xf32>
    %get3A_10 = arith.constant 0 : index
    %get3A_11 = arith.constant 0 : index
    %get3A_12 = vector.load %arg2[%get3A_10, %get3A_11] : memref<1024x1xi32, #tpu.memory_space<vmem>>, vector<1024x1xi32>
    %iota3A = tpu.iota {dimensions = array<i32: 1>} : vector<1024x1024xi32>
    %eq3A = vector.broadcast %get3A_12 : vector<1024x1xi32> to vector<1024x1024xi32>
    %eq3A_13 = arith.cmpi eq, %eq3A, %iota3A : vector<1024x1024xi32>
    %convert_element_type3A = arith.extui %eq3A_13 : vector<1024x1024xi1> to vector<1024x1024xi32>
    %convert_element_type3A_14 = arith.sitofp %convert_element_type3A : vector<1024x1024xi32> to vector<1024x1024xf32>
    %dot_general3A = arith.constant dense<0.000000e+00> : vector<1024x128xf32>
    %dot_general3A_15 = tpu.matmul %convert_element_type3A_14, %slice3A_5, %dot_general3A {dimension_numbers = #tpu.dot_dimension_numbers<[1], [0], [0], [1], [0, 0, 1, 1], [], []>, transpose_lhs_hint = false} : vector<1024x1024xf32>, vector<1024x128xf32>, vector<1024x128xf32> -> vector<1024x128xf32>
    %mul3A = vector.broadcast %broadcast_in_dim3A : vector<1x1024xf32> to vector<1024x1024xf32>
    %mul3A_16 = arith.mulf %convert_element_type3A_14, %mul3A : vector<1024x1024xf32>
    %reduce_sum3A_17 = arith.constant dense<0.000000e+00> : vector<1024xf32>
    %reduce_sum3A_18 = vector.multi_reduction <add>, %mul3A_16, %reduce_sum3A_17 [1] : vector<1024x1024xf32> to vector<1024xf32>
    %broadcast_in_dim3A_19 = vector.shape_cast %reduce_sum3A_18 : vector<1024xf32> to vector<1024x1xf32>
    %get3A_20 = arith.constant 0 : index
    %get3A_21 = arith.constant 0 : index
    %get3A_22 = vector.load %arg3[%get3A_20, %get3A_21] : memref<1024x128xf32, #tpu.memory_space<vmem>>, vector<1024x128xf32>
    %dot_general3A_23 = arith.constant dense<0.000000e+00> : vector<1024x128xf32>
    %dot_general3A_24 = tpu.matmul %convert_element_type3A_14, %get3A_22, %dot_general3A_23 {dimension_numbers = #tpu.dot_dimension_numbers<[1], [0], [0], [1], [0, 0, 1, 1], [], []>, transpose_lhs_hint = false} : vector<1024x1024xf32>, vector<1024x128xf32>, vector<1024x128xf32> -> vector<1024x128xf32>
    %max3A = arith.constant 1.000000e+00 : f32
    %max3A_25 = vector.broadcast %max3A : f32 to vector<1024x1xf32>
    %max3A_26 = arith.maximumf %broadcast_in_dim3A_19, %max3A_25 : vector<1024x1xf32>
    %div3A = vector.broadcast %max3A_26 : vector<1024x1xf32> to vector<1024x128xf32>
    %div3A_27 = arith.divf %dot_general3A_15, %div3A : vector<1024x128xf32>
    %get3A_28 = arith.constant 0 : index
    %get3A_29 = arith.constant 0 : index
    %get3A_30 = vector.load %arg4[%get3A_28, %get3A_29] : memref<128x128xf32, #tpu.memory_space<vmem>>, vector<128x128xf32>
    %dot_general3A_31 = arith.constant dense<0.000000e+00> : vector<1024x128xf32>
    %dot_general3A_32 = tpu.matmul %div3A_27, %get3A_30, %dot_general3A_31 {dimension_numbers = #tpu.dot_dimension_numbers<[1], [0], [0], [1], [0, 0, 1, 1], [], []>, transpose_lhs_hint = false} : vector<1024x128xf32>, vector<128x128xf32>, vector<1024x128xf32> -> vector<1024x128xf32>
    %get3A_33 = arith.constant 0 : index
    %get3A_34 = arith.constant 0 : index
    %get3A_35 = vector.load %arg5[%get3A_33, %get3A_34] : memref<128x128xf32, #tpu.memory_space<vmem>>, vector<128x128xf32>
    %dot_general3A_36 = arith.constant dense<0.000000e+00> : vector<1024x128xf32>
    %dot_general3A_37 = tpu.matmul %dot_general3A_24, %get3A_35, %dot_general3A_36 {dimension_numbers = #tpu.dot_dimension_numbers<[1], [0], [0], [1], [0, 0, 1, 1], [], []>, transpose_lhs_hint = false} : vector<1024x128xf32>, vector<128x128xf32>, vector<1024x128xf32> -> vector<1024x128xf32>
    %add3A_38 = arith.addf %dot_general3A_32, %dot_general3A_37 : vector<1024x128xf32>
    %get3A_39 = arith.constant 0 : index
    %get3A_40 = arith.constant 0 : index
    %get3A_41 = vector.load %arg6[%get3A_39, %get3A_40] : memref<1x128xf32, #tpu.memory_space<vmem>>, vector<1x128xf32>
    %add3A_42 = vector.broadcast %get3A_41 : vector<1x128xf32> to vector<1024x128xf32>
    %add3A_43 = arith.addf %add3A_38, %add3A_42 : vector<1024x128xf32>
    %max3A_44 = arith.constant 0.000000e+00 : f32
    %max3A_45 = vector.broadcast %max3A_44 : f32 to vector<1024x128xf32>
    %max3A_46 = arith.maximumf %add3A_43, %max3A_45 : vector<1024x128xf32>
    %get3A_47 = arith.constant 0 : index
    %get3A_48 = arith.constant 0 : index
    %get3A_49 = vector.load %arg7[%get3A_47, %get3A_48] : memref<128x16xf32, #tpu.memory_space<vmem>>, vector<128x16xf32>
    %dot_general3A_50 = arith.constant dense<0.000000e+00> : vector<1024x16xf32>
    %dot_general3A_51 = tpu.matmul %max3A_46, %get3A_49, %dot_general3A_50 {dimension_numbers = #tpu.dot_dimension_numbers<[1], [0], [0], [1], [0, 0, 1, 1], [], []>, transpose_lhs_hint = false} : vector<1024x128xf32>, vector<128x16xf32>, vector<1024x16xf32> -> vector<1024x16xf32>
    %get3A_52 = arith.constant 0 : index
    %get3A_53 = arith.constant 0 : index
    %get3A_54 = vector.load %arg8[%get3A_52, %get3A_53] : memref<1x16xf32, #tpu.memory_space<vmem>>, vector<1x16xf32>
    %add3A_55 = vector.broadcast %get3A_54 : vector<1x16xf32> to vector<1024x16xf32>
    %add3A_56 = arith.addf %dot_general3A_51, %add3A_55 : vector<1024x16xf32>
    %reduce_max3A = arith.constant dense<0xFF800000> : vector<1024xf32>
    %reduce_max3A_57 = vector.multi_reduction <maximumf>, %add3A_56, %reduce_max3A [1] : vector<1024x16xf32> to vector<1024xf32>
    %broadcast_in_dim3A_58 = vector.shape_cast %reduce_max3A_57 : vector<1024xf32> to vector<1024x1xf32>
    %sub3A = vector.broadcast %broadcast_in_dim3A_58 : vector<1024x1xf32> to vector<1024x16xf32>
    %sub3A_59 = arith.subf %add3A_56, %sub3A : vector<1024x16xf32>
    %exp3A = math.exp %sub3A_59 : vector<1024x16xf32>
    %reduce_sum3A_60 = arith.constant dense<0.000000e+00> : vector<1024xf32>
    %reduce_sum3A_61 = vector.multi_reduction <add>, %exp3A, %reduce_sum3A_60 [1] : vector<1024x16xf32> to vector<1024xf32>
    %broadcast_in_dim3A_62 = vector.shape_cast %reduce_sum3A_61 : vector<1024xf32> to vector<1024x1xf32>
    %div3A_63 = vector.broadcast %broadcast_in_dim3A_62 : vector<1024x1xf32> to vector<1024x16xf32>
    %div3A_64 = arith.divf %exp3A, %div3A_63 : vector<1024x16xf32>
    %swap3A = arith.constant 0 : index
    %swap3A_65 = arith.constant 0 : index
    %swap3A_66 = vector.load %arg9[%swap3A, %swap3A_65] : memref<1024x16xf32, #tpu.memory_space<vmem>>, vector<1024x16xf32>
    tpu.vector_store %arg9[%swap3A, %swap3A_65], %div3A_64 {strides = array<i32>} : memref<1024x16xf32, #tpu.memory_space<vmem>>, vector<1024x16xf32>,
    return
  }
}

</mosaic_0001>

<sc_bundles>
// kernel: kernel.4.cloned.1.call-start
scs
__scs_entry_jumppad:
0x0: {  	(pc) =	sbr.rel $0x88, $3  }
0x1: {  	(tag) =	ssettag $0x0;
	lr =	simm.s32 $0x1  }
0x2: {  	[smem:$0x3F98] =	sst lr;
	_ =	strace $0xD0000000  }
0x3: {  	_ = 	snop  }
0x4: {  	_ = 	snop  }
0x5: {  	_ = 	snop  }
0x6: {  	_ = 	snop  }
0x7: {  	_ = 	snop  }
__scs_overlays_trampoline_lowered:
0x8: {  	[smem:$0x3FA7] =	sst s0  }
0x9: {  	[smem:$0x3FA8] =	sst s1  }
0xa: {  	[smem:$0x3FA9] =	sst s2  }
0xb: {  	[smem:$0x3FAA] =	sst s3  }
0xc: {  	[smem:$0x3FAB] =	sst s4  }
0xd: {  	[smem:$0x3FAC] =	sst s5  }
0xe: {  	[smem:$0x3FAD] =	sst s6  }
0xf: {  	[smem:$0x3FAE] =	sst s7  }
0x10: {  	[smem:$0x3FAF] =	sst s8  }
0x11: {  	[smem:$0x3FB0] =	sst s9;
	s0 =	simm.s32 @!p0 $0x0  }
0x12: {  	s1 =	sld [smem:$0x3F96];
	s0 =	simm.s32 @p0 $0x1  }
0x13: {  	[smem:$0x3FB1] =	sst s0;
	s0 =	simm.s32 @!p1 $0x0  }
0x14: {  	s2 =	sld [smem:$0x3F95];
	s0 =	simm.s32 @p1 $0x1  }
0x15: {  	[smem:$0x3FB2] =	sst s0;
	s0 =	simm.s32 @!p2 $0x0  }
0x16: {  	s3 =	sld [smem:$0x3FDB];
	s0 =	simm.s32 @p2 $0x1  }
0x17: {  	s4 =	simm.s32 $0x1BF5;
	[smem:$0x3FB4] =	sst s0  }
0x18: {  	s0 =	sld [smem:$0x3F97];
	_ =	swait.ge [sflag:s4], $0x0  }
0x19: {  	s7 =	sld [smem:$0x3F98]  }
0x1a: {  	s8 =	sadd.s32 $0xFFFFE003, lr  }
0x1b: {  	s9 =	sadd.s32 $0xFFFFFEF7, lr;
	s5 =	simm.s32 $0xFFFFFFFF;
	p2 =	slt.u32 s8, $0xFFFFF086  }
0x1c: {  	p1 =	slt.u32 s9, $0xF7A;
	s5 =	simm.s32 @!p2 $0x0  }
0x1d: {  	s5 =	simm.s32 @p1 $0x1;
	p0 =	seq.s32 s7, s2  }
0x1e: {  	s7 =	smul.u32 @!p0 $0xF7A, s2;
	p2 =	seq.s32 @!p0 s5, $0x0  }
0x1f: {  	s9 =	smul.u32 $0xF7A, s1;
	s8 =	simm.s32 @!p0 $0x1BF5;
	p2 =	por !p2, p0  }
0x20: {  	[sflag:s8] =	ssyncset.s32 @!p0 $0xFFFFF086;
	s6 =	sadd.s32 @!p0 s3, s7;
	s7 =	simm.s32 @!p0 $0x108  }
0x21: {  	s3 =	sadd.s32 s3, s9;
	s6 =	sadd.s32 @!p0 $0x88, s6;
	s7 =	simm.s32 @p2 $0x1082  }
0x22: {  	[simem:s7], [sflag:s8] =	dma.local @!p0 [hbm:s6], $0xF7A  }
0x23: {  	s9 =	sor.u32 $0xD0000000, s2;
	s6 =	simm.s32 $0x108;
	_ =	swait.ge @!p0 [sflag:s8], $0x0  }
0x24: {  	s3 =	sadd.s32 $0x88, s3;
	s6 =	simm.s32 @!p1 $0x1082;
	[sflag:s4] =	ssyncset.s32 $0xFFFFF086  }
0x25: {  	[simem:s6], [sflag:s4] =	dma.local [hbm:s3], $0xF7A  }
0x26: {  	[smem:$0x3F98] =	sst s1;
	(tag) =	ssettag s2;
	_ =	strace s9  }
0x27: {  	s1 =	sld [smem:$0x3FA8]  }
0x28: {  	s2 =	sld [smem:$0x3FA9]  }
0x29: {  	s4 =	sld [smem:$0x3FAB]  }
0x2a: {  	p0 =	seq.s32 s5, $0x0;
	s5 =	sld [smem:$0x3FAC]  }
0x2b: {  	s6 =	sld [smem:$0x3FAD]  }
0x2c: {  	s7 =	sld [smem:$0x3FAE]  }
0x2d: {  	s3 =	simm.s32 $0x108;
	s8 =	sld [smem:$0x3FAF]  }
0x2e: {  	s3 =	simm.s32 @!p0 $0x1082;
	s9 =	sld [smem:$0x3FB0]  }
0x2f: {  	lr =	sadd.s32 s0, s3;
	s0 =	sld [smem:$0x3FA7]  }
0x30: {  	s3 =	sld [smem:$0x3FAA]  }
0x31: {  	[smem:$0x3FB3] =	sst s10  }
0x32: {  	s10 =	sld [smem:$0x3FB1];
	_ =	sdelay $0x3  }
0x33: {  	p0 =	seq.s32 s10, $0x1;
	s10 =	sld [smem:$0x3FB3];
	_ =	sdelay $0x3  }
0x34: {  	[smem:$0x3FB3] =	sst s10  }
0x35: {  	s10 =	sld [smem:$0x3FB2];
	_ =	sdelay $0x3  }
0x36: {  	p1 =	seq.s32 s10, $0x1;
	s10 =	sld [smem:$0x3FB3];
	_ =	sdelay $0x3  }
0x37: {  	[smem:$0x3FB3] =	sst s10  }
0x38: {  	s10 =	sld [smem:$0x3FB4]  }
0x39: {  	_ = 	snop;
	(pc) =	sbr.ind lr, $3  }
0x3a: {  	_ = 	snop  }
0x3b: {  	_ = 	snop  }
0x3c: {  	p2 =	seq.s32 s10, $0x1;
	s10 =	sld [smem:$0x3FB3]  }
0x3d: {  	_ =	shalt  }
0x3e: {  	_ =	shalt  }
0x3f: {  	_ =	shalt  }
0x40: {  	_ =	shalt  }
0x41: {  	_ =	shalt  }
0x42: {  	_ =	shalt  }
0x43: {  	_ =	shalt  }
0x44: {  	_ =	shalt  }
0x45: {  	_ =	shalt  }
0x46: {  	_ =	shalt  }
0x47: {  	_ =	shalt  }
0x48: {  	_ =	shalt  }
0x49: {  	_ =	shalt  }
0x4a: {  	_ =	shalt  }
0x4b: {  	_ =	shalt  }
0x4c: {  	_ =	shalt  }
0x4d: {  	_ =	shalt  }
0x4e: {  	_ =	shalt  }
0x4f: {  	_ =	shalt  }
0x50: {  	_ =	shalt  }
0x51: {  	_ =	shalt  }
0x52: {  	_ =	shalt  }
0x53: {  	_ =	shalt  }
0x54: {  	_ =	shalt  }
0x55: {  	_ =	shalt  }
0x56: {  	_ =	shalt  }
0x57: {  	_ =	shalt  }
0x58: {  	_ =	shalt  }
0x59: {  	_ =	shalt  }
0x5a: {  	_ =	shalt  }
0x5b: {  	_ =	shalt  }
0x5c: {  	_ =	shalt  }
0x5d: {  	_ =	shalt  }
0x5e: {  	_ =	shalt  }
0x5f: {  	_ =	shalt  }
0x60: {  	_ =	shalt  }
0x61: {  	_ =	shalt  }
0x62: {  	_ =	shalt  }
0x63: {  	_ =	shalt  }
0x64: {  	_ =	shalt  }
0x65: {  	_ =	shalt  }
0x66: {  	_ =	shalt  }
0x67: {  	_ =	shalt  }
0x68: {  	_ =	shalt  }
0x69: {  	_ =	shalt  }
0x6a: {  	_ =	shalt  }
0x6b: {  	_ =	shalt  }
0x6c: {  	_ =	shalt  }
0x6d: {  	_ =	shalt  }
0x6e: {  	_ =	shalt  }
0x6f: {  	_ =	shalt  }
0x70: {  	_ =	shalt  }
0x71: {  	_ =	shalt  }
0x72: {  	_ =	shalt  }
0x73: {  	_ =	shalt  }
0x74: {  	_ =	shalt  }
0x75: {  	_ =	shalt  }
0x76: {  	_ =	shalt  }
0x77: {  	_ =	shalt  }
0x78: {  	_ =	shalt  }
0x79: {  	_ =	shalt  }
0x7a: {  	_ =	shalt  }
0x7b: {  	_ =	shalt  }
0x7c: {  	_ =	shalt  }
0x7d: {  	_ =	shalt  }
0x7e: {  	_ =	shalt  }
0x7f: {  	_ =	shalt  }
0x80: {  	_ =	shalt  }
0x81: {  	_ =	shalt  }
0x82: {  	_ =	shalt  }
0x83: {  	_ =	shalt  }
0x84: {  	_ =	shalt  }
0x85: {  	_ =	shalt  }
0x86: {  	_ =	shalt  }
0x87: {  	_ =	shalt  }
.Lfunc_end0:
.L_simem_size_0:
called_computation_lowered:
.L_overlay_start_0:
0x88: {  	s2 =	sld [smem:$0x3FD9]  }
0x89: {  	s3 =	sld [smem:$0x3FFE];
	_ =	sdelay $0x1  }
0x8a: {  	s1 =	srdreg.scid  }
0x8b: {  	s0 =	sand.u32 $0x1, s1  }
0x8c: {  	s17 =	sshll.u32 s0, $0xA;
	s2 =	sadd.s32 s3, s2  }
0x8d: {  	s2 =	sadd.s32 s2, s17  }
0x8e: {  	[smem:$0x3FBF] =	sst s2  }
0x8f: {  	_ = 	snop  }
0x90: {  	s2 =	sld [smem:$0x3FC8]  }
0x91: {  	s18 =	sld [smem:$0x3FD0];
	(tm) =	ssettm $0x1  }
0x92: {  	s4 =	sld [smem:$0x3FFB];
	_ =	sdelay $0x3  }
0x93: {  	_ =	strace s4  }
0x94: {  	s4 =	sld [smem:$0x3FFC];
	_ =	sdelay $0x3  }
0x95: {  	_ =	strace s4  }
0x96: {  	s4 =	sld [smem:$0x3FFD];
	_ =	sdelay $0x3  }
0x97: {  	_ =	strace s4  }
0x98: {  	_ =	strace $0x8FFFFFFF  }
0x99: {  	s19 =	sld [smem:$0x3FDB];
	_ =	sdelay $0x1  }
0x9a: {  	s5 =	simm.s32 $_scs_section_size  }
0x9b: {  	s6 =	simm.s32 $_size__tile_overlayer_lowered;
	s7 =	simm.s32 $_tile_overlayer_lowered  }
0x9c: {  	s22 =	simm.s32 $0x1BFF;
	s21 =	sshll.u32 s7, $0x1;
	s4 =	sadd.s32 s5, s19  }
0x9d: {  	s8 =	simm.s32 $0x0;
	s20 =	sshll.u32 s6, $0x1;
	s6 =	sadd.s32 s21, s4  }
0x9e: {  	[timem:s8], [sflag:s22] =	dma.local [hbm:s6], s20  }
0x9f: {  	_ =	swait.ge [sflag:s22], s20  }
0xa0: {  	s5 =	ssub.s32 $0x0, s20;
	[sflag:s22] =	ssyncset.done $0x0  }
0xa1: {  	[sflag:s22] =	ssyncadd.s32 s5;
	_ =	sdelay $0x1  }
0xa2: {  	s23 =	simm.s32 $0x1B8B  }
0xa3: {  	_ =	swait.ge [sflag:s23], $0x1  }
0xa4: {  	[sflag:s23] =	ssyncset.done $0x0  }
0xa5: {  	s25 =	simm.s32 $0x1B8E;
	s24 =	sld [smem:$0x3FFE];
	[sflag:s23] =	ssyncadd.s32 $0xFFFFFFFF  }
0xa6: {  	s26 =	simm.s32 $execute0_lowered;
	[smem:$0x3FD2] =	sst s25  }
0xa7: {  	s6 =	sshll.u32 s26, $0x1;
	_ =	strace $0x80000046;
	[dreg:$0x1] =	wrdreg $0xFFFFFFFF  }
0xa8: {  	s28 =	simm.s32 $_size_execute0_lowered;
	s4 =	sadd.s32 s4, s6;
	[dreg:$0x0] =	wrdreg $0x0  }
0xa9: {  	s6 =	sshll.u32 s28, $0x1;
	[dreg:$0x2] =	wrdreg s4  }
0xaa: {  	[dreg:$0x3] =	wrdreg s6  }
0xab: {  	[dreg:$0x4] =	wrdreg $0xC0  }
0xac: {  	_ =	task [dreg:s8], $0x5FFFF  }
0xad: {  	[dreg:$0x1] =	wrdreg $0xFFFFFFFF  }
0xae: {  	[dreg:$0x0] =	wrdreg $0x60  }
0xaf: {  	[dreg:$0x2] =	wrdreg s24  }
0xb0: {  	[dreg:$0x3] =	wrdreg s2  }
0xb1: {  	[dreg:$0x4] =	wrdreg s18  }
0xb2: {  	[dreg:$0x5] =	wrdreg $0x161800  }
0xb3: {  	[dreg:$0x6] =	wrdreg $0x9  }
0xb4: {  	_ =	task.clear_ibuf [dreg:s8], $0x7FFFF;
	_ =	strace $0x90000046  }
0xb5: {  	s29 =	simm.s32 $0x9;
	_ =	strace $0x80000048  }
0xb6: {  	_ =	swait.ge [sflag:s29], $0x1  }
0xb7: {  	[sflag:s29] =	ssyncadd.s32 $0xFFFFFFFF  }
0xb8: {  	_ =	strace $0x90000048  }
0xb9: {  	_ =	sfence  }
0xba: {  	s30 =	sld [smem:$0x0];
	_ =	sdelay $0x2  }
0xbb: {  	s31 =	sshll.u32 s1, $0xD;
	s1 =	sshrl.u32 s1, $0x2  }
0xbc: {  	s3 =	sand.u32 $0x4000, s31;
	s1 =	sadd.s32 s1, s30  }
0xbd: {  	s0 =	sor.u32 s3, s0;
	s1 =	sshll.u32 s1, $0x11  }
0xbe: {  	s0 =	sor.u32 s1, s0  }
0xbf: {  	s0 =	sadd.s32 $0x8F2B, s0  }
0xc0: {  	[sflag:s0] =	ssyncadd.remote.s32 $0x1  }
0xc1: {  	_ =	sfence.sel $0xFFFF  }
0xc2: {  	[dreg:$0x0] =	wrdreg $0xFFFFFFFF;
	(pc) =	sbr.abs _section_cstart, $3  }
0xc3: {  	[dreg:$0x1] =	wrdreg $0xFFFFFFFF  }
0xc4: {  	_ =	task.clear_ibuf [dreg:s8], $0x2FFFF;
	_ =	strace $0x9FFFFFFF  }
0xc5: {  	(tm) =	ssettm $0x7FFFFFFF  }
tec
execute0_lowered:
.L_overlay_start_1:
0x0: {  	(tag) =	ssettag $0x1  }
0x1: {  	s0 =	rddreg [dreg:$0x0]  }
0x2: {  	s3 =	rddreg [dreg:$0x3];
	s1 =	srdreg.scid;
	s5 =	simm.s32 $0x0  }
0x3: {  	s12 =	stileid.u32;
	s28 =	simm.s32 $0x3350;
	s29 =	simm.s32 $0x4350  }
0x4: {  	s30 =	simm.s32 $0x3;
	s31 =	simm.s32 $0x11D80;
	s1 =	sand.u32 $0x1, s1  }
0x5: {  	[smem:$0x7FF] =	sst s5;
	s4 =	smul.u32 $0x2400, s12;
	s6 =	sadd.s32 $0x14A00, s0  }
0x6: {  	v0 =	vimm.s32 $0x2380;
	vm0 =	vcmask $0x300;
	s8 =	sadd.s32 $0xAC00, s0;
	s9 =	sadd.s32 $0xE00, s0;
	s7 =	smul.u32 $0x9000, s12  }
0x7: {  	vm14 =	vcmask $0x704;
	s19 =	sshll.u32 s12, $0x1;
	v0 =	vsel vm0, $0x0, v0;
	s2 =	smul.u32 $0x24000, s1;
	s11 =	ssub.s32 $0x2, s1  }
0x8: {  	vm15 =	vcmask $0xB08;
	_ =	strace $0x80000047;
	v0 =	vsel vm14, $0x80, v0;
	s20 =	sshrl.u32 s11, $0x1;
	s7 =	sshrl.u32 s7, $0x2  }
0x9: {  	vm4 =	vcmask $0xF0C;
	v0 =	vsel vm15, $0x100, v0;
	s2 =	sadd.s32 s4, s2;
	s4 =	sor.u32 s1, s19;
	s20 =	ssub.s32 s11, s20  }
0xa: {  	vm5 =	vcmask $0x1310;
	s7 =	sadd.s32 s7, s3;
	s1 =	sor.u32 s12, s1;
	v0 =	vsel vm4, $0x180, v0;
	s2 =	sshrl.u32 s2, $0x3  }
0xb: {  	vm6 =	vcmask $0x1714;
	s10 =	sshll.u32 s4, $0x7;
	s4 =	smul.u32 $0x2710, s4;
	v0 =	vsel vm5, $0x200, v0;
	s20 =	smax.u32 s20, $0x1  }
0xc: {  	vm7 =	vcmask $0x1B18;
	p0 =	sne.s32 s1, $0x0;
	s2 =	sadd.s32 s2, s0;
	s0 =	sadd.s32 s10, s0;
	v0 =	vsel vm6, $0x280, v0  }
0xd: {  	vm8 =	vcmask $0x1F1C;
	s1 =	simm.s32 $0x0;
	s4 =	sshrl.u32 s4, $0x3;
	v0 =	vsel vm7, $0x300, v0;
	s18 =	sadd.s32 $0x3FC00, s0  }
0xe: {  	vm9 =	vcmask $0x2320;
	s19 =	sadd.s32 $0x40C00, s2;
	s0 =	simm.s32 $0x4;
	s21 =	sadd.s32 s8, s4;
	v0 =	vsel vm8, $0x380, v0  }
0xf: {  	vm10 =	vcmask $0x2724;
	s22 =	sadd.s32 s9, s4;
	s23 =	sadd.s32 $0xFA, s4;
	s13 =	sadd.s32 $0x1F4, s4;
	v0 =	vsel vm9, $0x2000, v0  }
0x10: {  	vm11 =	vcmask $0x2B28;
	s15 =	sadd.s32 $0x2EE, s4;
	s4 =	sadd.s32 $0x3E8, s4;
	[dreg:$0x5] =	wrdreg s21;
	v1 =	vsel vm10, $0x2080, v0  }
0x11: {  	vm12 =	vcmask $0x2F2C;
	vm13 =	vcmask $0x3330;
	[dreg:$0x6] =	wrdreg s22;
	s24 =	sadd.s32 s8, s23;
	s25 =	sadd.s32 s9, s23;
	v2 =	vsel vm11, $0x2100, v1  }
0x12: {  	v5 =	vimm.f32 $1.000000000e+00;
	v6 =	vimm.s32 $0x400;
	s26 =	sadd.s32 s8, s13;
	s13 =	sadd.s32 s9, s13;
	s14 =	sadd.s32 s8, s15;
	v3 =	vsel vm12, $0x2180, v2  }
0x13: {  	vm14 =	vcmask $0x3734;
	vm15 =	vcmask $0x3B38;
	s15 =	sadd.s32 s9, s15;
	s16 =	sadd.s32 s8, s4;
	[dreg:$0x7] =	wrdreg s24;
	v4 =	vsel vm13, $0x2200, v3  }
0x14: {  	s17 =	sadd.s32 s9, s4;
	s22 =	simm.s32 $0x5;
	[dreg:$0x8] =	wrdreg s25;
	v0 =	vimm.f32 $0.0e+00;
	v1 =	vimm.s32 $0xFFFFFFFF;
	v4 =	vsel vm14, $0x2280, v4  }
0x15: {  	[dreg:$0x9] =	wrdreg s26;
	s25 =	simm.s32 $0x2B80;
	s26 =	simm.s32 $0x3B80;
	v2 =	vlaneseq.u32;
	v3 =	vimm.s32 $0x0;
	v4 =	vsel vm15, $0x2300, v4  }
.LBB2_1:
0x16: {  	s2 =	simm.s32 $0x0;
	s4 =	simm.s32 $0x200  }
.LBB2_2:
0x17: {  	p1 =	sne.s32 s4, $0xFE00;
	[tilespmem:s2+$0x9CF0] =	vst v0  }
0x18: {  	[tilespmem:s2+$0x9C80] =	vst v0  }
0x19: {  	[tilespmem:s2+$0x9C90] =	vst v0  }
.Ltmp0:
0x1a: {  	[tilespmem:s2+$0x9CA0] =	vst v0;
	(pc) =	sbr.rel @p1 .LBB2_2-.Ltmp0, $4  }
0x1b: {  	[tilespmem:s2+$0x9CB0] =	vst v0  }
0x1c: {  	[tilespmem:s2+$0x9CC0] =	vst v0  }
0x1d: {  	[tilespmem:s2+$0x9CD0] =	vst v0  }
0x1e: {  	[tilespmem:s2+$0x9CE0] =	vst v0;
	s2 =	sshra.s32 s4, $0x2;
	s4 =	sadd.s32 $0x200, s4  }
0x1f: {  	[tilespmem:s2+$0x9CF0] =	vst v0  }
0x20: {  	[tilespmem:s2+$0x9C80] =	vst v0  }
0x21: {  	[tilespmem:s2+$0x9C90] =	vst v0  }
0x22: {  	[tilespmem:s2+$0x9CA0] =	vst v0  }
0x23: {  	[tilespmem:s2+$0x9CB0] =	vst v0  }
0x24: {  	[tilespmem:s2+$0x9CC0] =	vst v0  }
0x25: {  	[tilespmem:s2+$0x9CD0] =	vst v0  }
0x26: {  	[tilespmem:s2+$0x9CE0] =	vst v0;
	s23 =	simm.s32 $0x9C80;
	s4 =	simm.s32 $0x0  }
0x27: {  	[spmem:s7] =	stream.linear.scatter [tilespmem:s23], [sflag:$0x5], $0x2400, $0x38;
	[tilespmem:$0x18580] =	vst v63  }
0x28: {  	s24 =	sand.u32 $0x70, s4;
	s8 =	sand.u32 $0x1C00, s4;
	_ =	swait.ge [sflag:s22], $0x2400  }
0x29: {  	s2 =	sor.u32 s24, s8;
	[sflag:s22] =	ssyncset.done $0x0  }
0x2a: {  	s9 =	sadd.s32 $0x11D80, s2;
	[sflag:s22] =	ssyncadd.s32 $0xFFFFDC00  }
0x2b: {  	[tilespmem:s9+$0x280] =	vst v0  }
0x2c: {  	[tilespmem:s9+$0x200] =	vst v0  }
0x2d: {  	[tilespmem:s9+$0x180] =	vst v0  }
0x2e: {  	[tilespmem:s9+$0x100] =	vst v0  }
0x2f: {  	[tilespmem:s9+$0x80] =	vst v0  }
0x30: {  	s21 =	sor.u32 s4, s4;
	s8 =	simm.s32 $0x10;
	[tilespmem:s2+$0x11D80] =	vst v0  }
.LBB2_4:
0x31: {  	p1 =	sne.s32 s8, $0x3F0;
	[tilespmem:s9+$0x300] =	vst v0;
	s9 =	sor.u32 $0x380, s21  }
0x32: {  	[tilespmem:s9+$0x11D80] =	vst v0  }
0x33: {  	[tilespmem:s2+$0x13D80] =	vst v0  }
0x34: {  	[tilespmem:s2+$0x13E00] =	vst v0  }
0x35: {  	[tilespmem:s2+$0x13E80] =	vst v0  }
0x36: {  	[tilespmem:s2+$0x13F00] =	vst v0  }
0x37: {  	s4 =	sadd.s32 $0x80, s4;
	[tilespmem:s2+$0x13F80] =	vst v0  }
0x38: {  	s9 =	sand.u32 $0x70, s8;
	s21 =	sand.u32 $0x1C00, s4;
	[tilespmem:s2+$0x14000] =	vst v0  }
0x39: {  	s21 =	sor.u32 s9, s21;
	[tilespmem:s2+$0x14080] =	vst v0  }
0x3a: {  	s9 =	sadd.s32 $0x11D80, s21;
	[tilespmem:s2+$0x14100] =	vst v0;
	s2 =	smov.u32 s21  }
0x3b: {  	[tilespmem:s9+$0x280] =	vst v0  }
.Ltmp1:
0x3c: {  	[tilespmem:s9+$0x200] =	vst v0;
	(pc) =	sbr.rel @p1 .LBB2_4-.Ltmp1, $4  }
0x3d: {  	[tilespmem:s9+$0x180] =	vst v0  }
0x3e: {  	[tilespmem:s9+$0x100] =	vst v0  }
0x3f: {  	[tilespmem:s9+$0x80] =	vst v0  }
0x40: {  	s21 =	sor.u32 s4, s8;
	s8 =	sadd.s32 $0x10, s8;
	[tilespmem:s2+$0x11D80] =	vst v0  }
0x41: {  	[tilespmem:s9+$0x300] =	vst v0;
	s4 =	sor.u32 $0x380, s21  }
0x42: {  	[tilespmem:s4+$0x11D80] =	vst v0  }
0x43: {  	[tilespmem:s2+$0x13D80] =	vst v0  }
0x44: {  	[tilespmem:s2+$0x13E00] =	vst v0  }
0x45: {  	[tilespmem:s2+$0x13E80] =	vst v0  }
0x46: {  	[tilespmem:s2+$0x13F00] =	vst v0  }
0x47: {  	[tilespmem:s2+$0x13F80] =	vst v0  }
0x48: {  	[tilespmem:s2+$0x14000] =	vst v0  }
0x49: {  	[tilespmem:s2+$0x14080] =	vst v0  }
0x4a: {  	s24 =	rddreg [dreg:$0x1];
	s8 =	simm.s32 $0x2780;
	[tilespmem:s2+$0x14100] =	vst v0;
	s2 =	simm.s32 $0x0  }
0x4b: {  	[tilespmem:s8], [sflag:$0x5] =	stream.linear.gather [hbm4b:s24+s2], $0x400, $0x38;
	[tilespmem:$0x18580] =	vst v63  }
0x4c: {  	_ =	swait.ge [sflag:s22], $0x400  }
0x4d: {  	[sflag:s22] =	ssyncset.done $0x0  }
0x4e: {  	s4 =	simm.s32 $0x0;
	[sflag:s22] =	ssyncadd.s32 $0xFFFFFC00  }
.LBB2_6:
0x4f: {  	p1 =	sne.s32 s4, $0x9C00  }
.Ltmp2:
0x50: {  	_ = 	snop;
	(pc) =	sbr.rel @p1 .LBB2_6-.Ltmp2, $3  }
0x51: {  	_ =	sdelay $0x1  }
0x52: {  	s8 =	sshra.s32 s4, $0x2  }
0x53: {  	s4 =	sadd.s32 $0x40, s4;
	[tilespmem:s8+$0x0] =	vst v1  }
0x54: {  	s4 =	simm.s32 $0x2780  }
.LBB2_8:
0x55: {  	v7 =	vld [tilespmem:s4+$0x0];
	_ =	sdelay $0x6  }
0x56: {  	v8 =	vor.u32 s2, v2  }
0x57: {  	[tilespmem:v7+s5+$0x0] =	vst.idx.msk $0xffff, v8  }
0x58: {  	v9 =	vld.idx.msk [tilespmem:v7+s5+$0x0], $0xffff;
	_ =	sdelay $0x4  }
0x59: {  	vm0 =	vne.s32 v9, v8  }
0x5a: {  	v9 =	vsel vm0, $0x1, v3  }
0x5b: {  	(xrf0) =	vadd.scan.msk.s32 $0xffff, v9;
	_ =	sdelay $0x5  }
0x5c: {  	v9, _, _ =	vpop (xrf0)  }
0x5d: {  	(v2sf) =	vpush v9, $0xF;
	_ =	sdelay $0xe  }
0x5e: {  	s8 =	spop (v2sf)  }
0x5f: {  	p1 =	slt.s32 s8, $0x1  }
0x60: {  	vm0 =	vcmask @!p1 $0x704  }
0x61: {  	vm1 =	vcmask @!p1 $0xB08  }
0x62: {  	vm2 =	vcmask @!p1 $0xF0C  }
0x63: {  	vm3 =	vcmask @!p1 $0x1310  }
0x64: {  	s8 =	simm.s32 @!p1 $0x0;
	vm4 =	vcmask @!p1 $0x1714  }
0x65: {  	vm5 =	vcmask @!p1 $0x1B18;
	[tilespmem:v7+s8+$0x0] =	vst.idx.msk @!p1 $0x1, v8  }
0x66: {  	[tilespmem:v7+s8+$0x0] =	vst.idx.msk @!p1 vm0, v8;
	vm0 =	vcmask @!p1 $0x1F1C  }
0x67: {  	[tilespmem:v7+s8+$0x0] =	vst.idx.msk @!p1 vm1, v8;
	vm1 =	vcmask @!p1 $0x2320  }
0x68: {  	[tilespmem:v7+s8+$0x0] =	vst.idx.msk @!p1 vm2, v8;
	vm2 =	vcmask @!p1 $0x2724  }
0x69: {  	[tilespmem:v7+s8+$0x0] =	vst.idx.msk @!p1 vm3, v8;
	vm3 =	vcmask @!p1 $0x2B28  }
0x6a: {  	[tilespmem:v7+s8+$0x0] =	vst.idx.msk @!p1 vm4, v8;
	vm4 =	vcmask @!p1 $0x2F2C  }
0x6b: {  	[tilespmem:v7+s8+$0x0] =	vst.idx.msk @!p1 vm5, v8;
	vm5 =	vcmask @!p1 $0x3330  }
0x6c: {  	[tilespmem:v7+s8+$0x0] =	vst.idx.msk @!p1 vm0, v8;
	vm0 =	vcmask @!p1 $0x3734  }
0x6d: {  	[tilespmem:v7+s8+$0x0] =	vst.idx.msk @!p1 vm1, v8;
	vm1 =	vcmask @!p1 $0x3B38  }
0x6e: {  	s2 =	sadd.s32 $0x10, s2;
	[tilespmem:v7+s8+$0x0] =	vst.idx.msk @!p1 vm2, v8;
	vm2 =	vcmask @!p1 $0x3F3C  }
0x6f: {  	p2 =	sne.s32 s2, $0x400;
	[tilespmem:v7+s8+$0x0] =	vst.idx.msk @!p1 vm3, v8  }
.Ltmp3:
0x70: {  	[tilespmem:v7+s8+$0x0] =	vst.idx.msk @!p1 vm4, v8;
	(pc) =	sbr.rel @p2 .LBB2_8-.Ltmp3, $4  }
0x71: {  	[tilespmem:v7+s8+$0x0] =	vst.idx.msk @!p1 vm5, v8  }
0x72: {  	[tilespmem:v7+s8+$0x0] =	vst.idx.msk @!p1 vm0, v8  }
0x73: {  	[tilespmem:v7+s8+$0x0] =	vst.idx.msk @!p1 vm1, v8  }
0x74: {  	s4 =	sadd.s32 $0x10, s4;
	[tilespmem:v7+s8+$0x0] =	vst.idx.msk @!p1 vm2, v8  }
.Ltmp4:
0x75: {  	(pc) =	sbr.rel @p0 .LBB2_13-.Ltmp4, $2  }
0x76: {  	_ =	sdelay $0x1  }
0x77: {  	[bflag:$0x0] =	sbarrier.arrive $0xFFFF;
	_ =	sdelay $0x1  }
0x78: {  	s2 =	simm.s32 $0x0  }
0x79: {  	v7 =	vld [tilespmem:s2+$0x2780];
	_ =	sdelay $0x7  }
0x7a: {  	s4 =	simm.s32 $0x10;
	s8 =	simm.s32 $0x80;
	v7 =	vld.idx.msk [tilespmem:v7+s5+$0x0], $0xffff  }
.LBB2_11:
0x7b: {  	p1 =	sne.s32 s8, $0xFC0;
	v8 =	vld [tilespmem:s4+$0x2780];
	_ =	sdelay $0x3  }
.Ltmp5:
0x7c: {  	(pc) =	sbr.rel @p1 .LBB2_11-.Ltmp5, $2  }
0x7d: {  	[tilespmem:s2+$0x15D80] =	vst v7;
	s2 =	smov.u32 s4;
	_ =	sdelay $0x2  }
0x7e: {  	s4 =	sshra.s32 s8, $0x2;
	s8 =	sadd.s32 $0x40, s8;
	v7 =	vld.idx.msk [tilespmem:v8+s5+$0x0], $0xffff  }
0x7f: {  	v8 =	vld [tilespmem:s4+$0x2780];
	_ =	sdelay $0x6  }
0x80: {  	[tilespmem:s2+$0x15D80] =	vst v7  }
0x81: {  	v7 =	vld.idx.msk [tilespmem:v8+s5+$0x0], $0xffff;
	_ =	sdelay $0x4  }
0x82: {  	s23 =	rddreg [dreg:$0x2];
	s24 =	simm.s32 $0x15D80;
	[tilespmem:s4+$0x15D80] =	vst v7  }
0x83: {  	[hbm4b:s23+s5] =	stream.linear.scatter [tilespmem:s24], [sflag:$0x5], $0x400, $0x38;
	[tilespmem:$0x18580] =	vst v63  }
0x84: {  	_ =	swait.ge [sflag:s22], $0x400  }
0x85: {  	[sflag:s22] =	ssyncset.done $0x0  }
0x86: {  	[sflag:s22] =	ssyncadd.s32 $0xFFFFFC00  }
.LBB2_13:
0x87: {  	s2 =	simm.s32 $0x0;
	s4 =	rddreg [dreg:$0x5]  }
0x88: {  	[tilespmem:s25], [sflag:$0x3] =	stream.linear.gather [hbm4b:s4+s2], $0x7D0, $0x38;
	[tilespmem:$0x18580] =	vst v63  }
0x89: {  	s11 =	rddreg [dreg:$0x6]  }
0x8a: {  	[tilespmem:s26], [sflag:$0x3] =	stream.linear.gather [hbm4b:s11+s2], $0x7D0, $0x38;
	[tilespmem:$0x18580] =	vst v63  }
0x8b: {  	s12 =	rddreg [dreg:$0x7]  }
0x8c: {  	[tilespmem:s28], [sflag:$0x4] =	stream.linear.gather [hbm4b:s12+s2], $0x7D0, $0x38;
	[tilespmem:$0x18580] =	vst v63  }
0x8d: {  	s21 =	rddreg [dreg:$0x8]  }
0x8e: {  	[tilespmem:s29], [sflag:$0x4] =	stream.linear.gather [hbm4b:s21+s2], $0x7D0, $0x38;
	[tilespmem:$0x18580] =	vst v63  }
0x8f: {  	_ =	swait.ge [sflag:s30], $0x7D0  }
0x90: {  	[sflag:s30] =	ssyncset.done $0x0  }
0x91: {  	[sflag:s30] =	ssyncadd.s32 $0xFFFFF830  }
0x92: {  	_ =	swait.ge [sflag:s30], $0x7D0  }
0x93: {  	[sflag:s30] =	ssyncset.done $0x0  }
0x94: {  	s23 =	simm.s32 $0x0;
	[sflag:s30] =	ssyncadd.s32 $0xFFFFF830  }
0x95: {  	v7 =	vld [tilespmem:s23+$0x3B80];
	_ =	sdelay $0x4  }
0x96: {  	v8 =	vld [tilespmem:s23+$0x2B80];
	_ =	sdelay $0x2  }
0x97: {  	v7 =	vld.idx.msk [tilespmem:v7+s5+$0x0], $0xffff;
	_ =	sdelay $0x4  }
0x98: {  	v9 =	vld.idx.msk [tilespmem:v8+s5+$0x0], $0xffff;
	vm0 =	vgt.s32 v7, $0xFFFFFFFF  }
0x99: {  	v10 =	vshll.u32 v7, $0x3;
	v11 =	vsel vm0, $0x1, v3  }
0x9a: {  	v12 =	vand.u32 $0x7F, v7;
	v10 =	vand.u32 $0xFFFFFC00, v10;
	(xrf0) =	vadd.scan.msk.s32 $0xffff, v11  }
0x9b: {  	v10 =	vor.u32 v12, v10  }
0x9c: {  	v10 =	vadd.s32 v4, v10  }
0x9d: {  	vm1 =	vlt.s32 v9, $0x0;
	v9 =	vadd.s32 $0x2710, v9  }
0x9e: {  	v8 =	vsel vm1, v8, v9  }
0x9f: {  	[tilespmem:s2+$0x4B80] =	vst.msk vm0, v8  }
0xa0: {  	[tilespmem:s2+$0x7380] =	vst.msk vm0, v7;
	v7, _, _ =	vpop (xrf0)  }
0xa1: {  	s24 =	simm.s32 $0x10;
	[tilespmem:v10+s31+$0x0] =	vst.idx.add.f32.msk vm0, v5;
	(v2sf) =	vpush v7, $0xF  }
0xa2: {  	v8 =	vld [tilespmem:s24+$0x3B80]  }
0xa3: {  	v7 =	vld [tilespmem:s24+$0x2B80];
	_ =	sdelay $0x6  }
0xa4: {  	v8 =	vld.idx.msk [tilespmem:v8+s5+$0x0], $0xffff  }
0xa5: {  	v9 =	vld.idx.msk [tilespmem:v7+s5+$0x0], $0xffff;
	_ =	sdelay $0x3  }
0xa6: {  	vm0 =	vgt.s32 v8, $0xFFFFFFFF;
	v10 =	vand.u32 $0x7F, v8;
	v11 =	vshll.u32 v8, $0x3  }
0xa7: {  	s4 =	simm.s32 $0x80;
	vm1 =	vlt.s32 v9, $0x0;
	v11 =	vand.u32 $0xFFFFFC00, v11;
	v12 =	vsel vm0, $0x1, v3;
	s8 =	spop (v2sf)  }
.LBB2_14:
0xa8: {  	p1 =	sne.s32 s4, $0x1F00  }
0xa9: {  	v9 =	vadd.s32 $0x2710, v9;
	v10 =	vor.u32 v10, v11;
	(xrf0) =	vadd.scan.msk.s32 $0xffff, v12;
	s2 =	sadd.s32 s2, s8;
	s8 =	smov.u32 s4;
	s4 =	sadd.s32 $0x40, s4  }
0xaa: {  	v7 =	vsel vm1, v7, v9;
	v9 =	vadd.s32 v4, v10  }
0xab: {  	[tilespmem:s2+$0x4B80] =	vst.msk vm0, v7  }
0xac: {  	[tilespmem:s2+$0x7380] =	vst.msk vm0, v8;
	_ =	sdelay $0x2  }
0xad: {  	s8 =	sshra.s32 s8, $0x2;
	[tilespmem:v9+s31+$0x0] =	vst.idx.add.f32.msk vm0, v5;
	v7, _, _ =	vpop (xrf0)  }
0xae: {  	v8 =	vld [tilespmem:s8+$0x3B80];
	(v2sf) =	vpush v7, $0xF  }
0xaf: {  	v7 =	vld [tilespmem:s8+$0x2B80];
	_ =	sdelay $0x6  }
0xb0: {  	v8 =	vld.idx.msk [tilespmem:v8+s5+$0x0], $0xffff  }
0xb1: {  	v9 =	vld.idx.msk [tilespmem:v7+s5+$0x0], $0xffff;
	_ =	sdelay $0x1  }
.Ltmp6:
0xb2: {  	(pc) =	sbr.rel @p1 .LBB2_14-.Ltmp6, $3  }
0xb3: {  	_ =	sdelay $0x1  }
0xb4: {  	vm0 =	vgt.s32 v8, $0xFFFFFFFF;
	v10 =	vand.u32 $0x7F, v8;
	v11 =	vshll.u32 v8, $0x3  }
0xb5: {  	vm1 =	vlt.s32 v9, $0x0;
	v11 =	vand.u32 $0xFFFFFC00, v11;
	v12 =	vsel vm0, $0x1, v3;
	s8 =	spop (v2sf)  }
0xb6: {  	(xrf0) =	vadd.scan.msk.s32 $0xffff, v12;
	_ =	sdelay $0x5  }
0xb7: {  	v12, _, _ =	vpop (xrf0)  }
0xb8: {  	(v2sf) =	vpush v12, $0xF;
	_ =	sdelay $0x4  }
0xb9: {  	v10 =	vor.u32 v10, v11  }
0xba: {  	v10 =	vadd.s32 v4, v10  }
0xbb: {  	v9 =	vadd.s32 $0x2710, v9  }
0xbc: {  	s2 =	sadd.s32 s2, s8;
	v7 =	vsel vm1, v7, v9  }
0xbd: {  	[tilespmem:s2+$0x4B80] =	vst.msk vm0, v7  }
0xbe: {  	[tilespmem:s2+$0x7380] =	vst.msk vm0, v8  }
0xbf: {  	s4 =	simm.s32 $0x0;
	s12 =	rddreg [dreg:$0x9];
	[tilespmem:v10+s31+$0x0] =	vst.idx.add.f32.msk vm0, v5  }
0xc0: {  	[tilespmem:s25], [sflag:$0x3] =	stream.linear.gather [hbm4b:s12+s4], $0x7D0, $0x38;
	[tilespmem:$0x18580] =	vst v63  }
0xc1: {  	_ = 	snop  }
0xc2: {  	[tilespmem:s26], [sflag:$0x3] =	stream.linear.gather [hbm4b:s13+s4], $0x7D0, $0x38;
	[tilespmem:$0x18580] =	vst v63  }
0xc3: {  	s21 =	spop (v2sf)  }
0xc4: {  	_ =	swait.ge [sflag:s0], $0x7D0  }
0xc5: {  	[sflag:s0] =	ssyncset.done $0x0  }
0xc6: {  	[sflag:s0] =	ssyncadd.s32 $0xFFFFF830  }
0xc7: {  	_ =	swait.ge [sflag:s0], $0x7D0  }
0xc8: {  	[sflag:s0] =	ssyncset.done $0x0  }
0xc9: {  	s23 =	simm.s32 $0x0;
	[sflag:s0] =	ssyncadd.s32 $0xFFFFF830  }
0xca: {  	v7 =	vld [tilespmem:s23+$0x4350];
	_ =	sdelay $0x4  }
0xcb: {  	v8 =	vld [tilespmem:s23+$0x3350];
	_ =	sdelay $0x2  }
0xcc: {  	v7 =	vld.idx.msk [tilespmem:v7+s5+$0x0], $0xffff;
	_ =	sdelay $0x4  }
0xcd: {  	v9 =	vld.idx.msk [tilespmem:v8+s5+$0x0], $0xffff;
	vm0 =	vgt.s32 v7, $0xFFFFFFFF  }
0xce: {  	v10 =	vshll.u32 v7, $0x3;
	v11 =	vsel vm0, $0x1, v3  }
0xcf: {  	v12 =	vand.u32 $0x7F, v7;
	v10 =	vand.u32 $0xFFFFFC00, v10;
	(xrf0) =	vadd.scan.msk.s32 $0xffff, v11  }
0xd0: {  	v10 =	vor.u32 v12, v10  }
0xd1: {  	v10 =	vadd.s32 v4, v10  }
0xd2: {  	vm1 =	vlt.s32 v9, $0x0;
	v9 =	vadd.s32 $0x2710, v9  }
0xd3: {  	s2 =	sadd.s32 s2, s21;
	v8 =	vsel vm1, v8, v9  }
0xd4: {  	[tilespmem:s2+$0x4B80] =	vst.msk vm0, v8  }
0xd5: {  	[tilespmem:s2+$0x7380] =	vst.msk vm0, v7;
	v7, _, _ =	vpop (xrf0)  }
0xd6: {  	s24 =	simm.s32 $0x10;
	[tilespmem:v10+s31+$0x0] =	vst.idx.add.f32.msk vm0, v5;
	(v2sf) =	vpush v7, $0xF  }
0xd7: {  	v8 =	vld [tilespmem:s24+$0x4350]  }
0xd8: {  	v7 =	vld [tilespmem:s24+$0x3350];
	_ =	sdelay $0x6  }
0xd9: {  	v8 =	vld.idx.msk [tilespmem:v8+s5+$0x0], $0xffff  }
0xda: {  	v9 =	vld.idx.msk [tilespmem:v7+s5+$0x0], $0xffff;
	_ =	sdelay $0x3  }
0xdb: {  	vm0 =	vgt.s32 v8, $0xFFFFFFFF;
	v10 =	vand.u32 $0x7F, v8;
	v11 =	vshll.u32 v8, $0x3  }
0xdc: {  	s4 =	simm.s32 $0x80;
	vm1 =	vlt.s32 v9, $0x0;
	v11 =	vand.u32 $0xFFFFFC00, v11;
	v12 =	vsel vm0, $0x1, v3;
	s8 =	spop (v2sf)  }
.LBB2_16:
0xdd: {  	p1 =	sne.s32 s4, $0x1F00  }
0xde: {  	v9 =	vadd.s32 $0x2710, v9;
	v10 =	vor.u32 v10, v11;
	(xrf0) =	vadd.scan.msk.s32 $0xffff, v12;
	s2 =	sadd.s32 s2, s8;
	s8 =	smov.u32 s4;
	s4 =	sadd.s32 $0x40, s4  }
0xdf: {  	v7 =	vsel vm1, v7, v9;
	v9 =	vadd.s32 v4, v10  }
0xe0: {  	[tilespmem:s2+$0x4B80] =	vst.msk vm0, v7  }
0xe1: {  	[tilespmem:s2+$0x7380] =	vst.msk vm0, v8;
	_ =	sdelay $0x2  }
0xe2: {  	s8 =	sshra.s32 s8, $0x2;
	[tilespmem:v9+s31+$0x0] =	vst.idx.add.f32.msk vm0, v5;
	v7, _, _ =	vpop (xrf0)  }
0xe3: {  	v8 =	vld [tilespmem:s8+$0x4350];
	(v2sf) =	vpush v7, $0xF  }
0xe4: {  	v7 =	vld [tilespmem:s8+$0x3350];
	_ =	sdelay $0x6  }
0xe5: {  	v8 =	vld.idx.msk [tilespmem:v8+s5+$0x0], $0xffff  }
0xe6: {  	v9 =	vld.idx.msk [tilespmem:v7+s5+$0x0], $0xffff;
	_ =	sdelay $0x1  }
.Ltmp7:
0xe7: {  	(pc) =	sbr.rel @p1 .LBB2_16-.Ltmp7, $3  }
0xe8: {  	_ =	sdelay $0x1  }
0xe9: {  	vm0 =	vgt.s32 v8, $0xFFFFFFFF;
	v10 =	vand.u32 $0x7F, v8;
	v11 =	vshll.u32 v8, $0x3  }
0xea: {  	vm1 =	vlt.s32 v9, $0x0;
	v11 =	vand.u32 $0xFFFFFC00, v11;
	v12 =	vsel vm0, $0x1, v3;
	s8 =	spop (v2sf)  }
0xeb: {  	(xrf0) =	vadd.scan.msk.s32 $0xffff, v12;
	_ =	sdelay $0x5  }
0xec: {  	v12, _, _ =	vpop (xrf0)  }
0xed: {  	(v2sf) =	vpush v12, $0xF;
	_ =	sdelay $0x4  }
0xee: {  	v10 =	vor.u32 v10, v11  }
0xef: {  	v10 =	vadd.s32 v4, v10  }
0xf0: {  	v9 =	vadd.s32 $0x2710, v9  }
0xf1: {  	s2 =	sadd.s32 s2, s8;
	v7 =	vsel vm1, v7, v9  }
0xf2: {  	[tilespmem:s2+$0x4B80] =	vst.msk vm0, v7  }
0xf3: {  	[tilespmem:s2+$0x7380] =	vst.msk vm0, v8  }
0xf4: {  	s4 =	simm.s32 $0x0;
	[tilespmem:v10+s31+$0x0] =	vst.idx.add.f32.msk vm0, v5  }
0xf5: {  	[tilespmem:s28], [sflag:$0x4] =	stream.linear.gather [hbm4b:s14+s4], $0x7D0, $0x38;
	[tilespmem:$0x18580] =	vst v63  }
0xf6: {  	_ = 	snop  }
0xf7: {  	[tilespmem:s29], [sflag:$0x4] =	stream.linear.gather [hbm4b:s15+s4], $0x7D0, $0x38;
	[tilespmem:$0x18580] =	vst v63  }
0xf8: {  	s21 =	spop (v2sf)  }
0xf9: {  	_ =	swait.ge [sflag:s30], $0x7D0  }
0xfa: {  	[sflag:s30] =	ssyncset.done $0x0  }
0xfb: {  	[sflag:s30] =	ssyncadd.s32 $0xFFFFF830  }
0xfc: {  	_ =	swait.ge [sflag:s30], $0x7D0  }
0xfd: {  	[sflag:s30] =	ssyncset.done $0x0  }
0xfe: {  	s23 =	simm.s32 $0x0;
	[sflag:s30] =	ssyncadd.s32 $0xFFFFF830  }
0xff: {  	v7 =	vld [tilespmem:s23+$0x3B80];
	_ =	sdelay $0x4  }
0x100: {  	v8 =	vld [tilespmem:s23+$0x2B80];
	_ =	sdelay $0x2  }
0x101: {  	v7 =	vld.idx.msk [tilespmem:v7+s5+$0x0], $0xffff;
	_ =	sdelay $0x4  }
0x102: {  	v9 =	vld.idx.msk [tilespmem:v8+s5+$0x0], $0xffff;
	vm0 =	vgt.s32 v7, $0xFFFFFFFF  }
0x103: {  	v10 =	vshll.u32 v7, $0x3;
	v11 =	vsel vm0, $0x1, v3  }
0x104: {  	v12 =	vand.u32 $0x7F, v7;
	v10 =	vand.u32 $0xFFFFFC00, v10;
	(xrf0) =	vadd.scan.msk.s32 $0xffff, v11  }
0x105: {  	v10 =	vor.u32 v12, v10  }
0x106: {  	v10 =	vadd.s32 v4, v10  }
0x107: {  	vm1 =	vlt.s32 v9, $0x0;
	v9 =	vadd.s32 $0x2710, v9  }
0x108: {  	s2 =	sadd.s32 s2, s21;
	v8 =	vsel vm1, v8, v9  }
0x109: {  	[tilespmem:s2+$0x4B80] =	vst.msk vm0, v8  }
0x10a: {  	[tilespmem:s2+$0x7380] =	vst.msk vm0, v7;
	v7, _, _ =	vpop (xrf0)  }
0x10b: {  	s24 =	simm.s32 $0x10;
	[tilespmem:v10+s31+$0x0] =	vst.idx.add.f32.msk vm0, v5;
	(v2sf) =	vpush v7, $0xF  }
0x10c: {  	v8 =	vld [tilespmem:s24+$0x3B80]  }
0x10d: {  	v7 =	vld [tilespmem:s24+$0x2B80];
	_ =	sdelay $0x6  }
0x10e: {  	v8 =	vld.idx.msk [tilespmem:v8+s5+$0x0], $0xffff  }
0x10f: {  	v9 =	vld.idx.msk [tilespmem:v7+s5+$0x0], $0xffff;
	_ =	sdelay $0x3  }
0x110: {  	vm0 =	vgt.s32 v8, $0xFFFFFFFF;
	v10 =	vand.u32 $0x7F, v8;
	v11 =	vshll.u32 v8, $0x3  }
0x111: {  	s4 =	simm.s32 $0x80;
	vm1 =	vlt.s32 v9, $0x0;
	v11 =	vand.u32 $0xFFFFFC00, v11;
	v12 =	vsel vm0, $0x1, v3;
	s8 =	spop (v2sf)  }
.LBB2_18:
0x112: {  	p1 =	sne.s32 s4, $0x1F00  }
0x113: {  	v9 =	vadd.s32 $0x2710, v9;
	v10 =	vor.u32 v10, v11;
	(xrf0) =	vadd.scan.msk.s32 $0xffff, v12;
	s2 =	sadd.s32 s2, s8;
	s8 =	smov.u32 s4;
	s4 =	sadd.s32 $0x40, s4  }
0x114: {  	v7 =	vsel vm1, v7, v9;
	v9 =	vadd.s32 v4, v10  }
0x115: {  	[tilespmem:s2+$0x4B80] =	vst.msk vm0, v7  }
0x116: {  	[tilespmem:s2+$0x7380] =	vst.msk vm0, v8;
	_ =	sdelay $0x2  }
0x117: {  	s8 =	sshra.s32 s8, $0x2;
	[tilespmem:v9+s31+$0x0] =	vst.idx.add.f32.msk vm0, v5;
	v7, _, _ =	vpop (xrf0)  }
0x118: {  	v8 =	vld [tilespmem:s8+$0x3B80];
	(v2sf) =	vpush v7, $0xF  }
0x119: {  	v7 =	vld [tilespmem:s8+$0x2B80];
	_ =	sdelay $0x6  }
0x11a: {  	v8 =	vld.idx.msk [tilespmem:v8+s5+$0x0], $0xffff  }
0x11b: {  	v9 =	vld.idx.msk [tilespmem:v7+s5+$0x0], $0xffff;
	_ =	sdelay $0x1  }
.Ltmp8:
0x11c: {  	(pc) =	sbr.rel @p1 .LBB2_18-.Ltmp8, $3  }
0x11d: {  	_ =	sdelay $0x1  }
0x11e: {  	vm0 =	vgt.s32 v8, $0xFFFFFFFF;
	v10 =	vand.u32 $0x7F, v8;
	v11 =	vshll.u32 v8, $0x3  }
0x11f: {  	vm1 =	vlt.s32 v9, $0x0;
	v11 =	vand.u32 $0xFFFFFC00, v11;
	v12 =	vsel vm0, $0x1, v3;
	s8 =	spop (v2sf)  }
0x120: {  	(xrf0) =	vadd.scan.msk.s32 $0xffff, v12;
	_ =	sdelay $0x5  }
0x121: {  	v12, _, _ =	vpop (xrf0)  }
0x122: {  	(v2sf) =	vpush v12, $0xF;
	_ =	sdelay $0x4  }
0x123: {  	v10 =	vor.u32 v10, v11  }
0x124: {  	v10 =	vadd.s32 v4, v10  }
0x125: {  	v9 =	vadd.s32 $0x2710, v9  }
0x126: {  	s2 =	sadd.s32 s2, s8;
	v7 =	vsel vm1, v7, v9  }
0x127: {  	[tilespmem:s2+$0x4B80] =	vst.msk vm0, v7  }
0x128: {  	[tilespmem:s2+$0x7380] =	vst.msk vm0, v8  }
0x129: {  	s4 =	simm.s32 $0x0;
	[tilespmem:v10+s31+$0x0] =	vst.idx.add.f32.msk vm0, v5  }
0x12a: {  	[tilespmem:s25], [sflag:$0x3] =	stream.linear.gather [hbm4b:s16+s4], $0x7D0, $0x38;
	[tilespmem:$0x18580] =	vst v63  }
0x12b: {  	_ = 	snop  }
0x12c: {  	[tilespmem:s26], [sflag:$0x3] =	stream.linear.gather [hbm4b:s17+s4], $0x7D0, $0x38;
	[tilespmem:$0x18580] =	vst v63  }
0x12d: {  	s21 =	spop (v2sf)  }
0x12e: {  	_ =	swait.ge [sflag:s0], $0x7D0  }
0x12f: {  	[sflag:s0] =	ssyncset.done $0x0  }
0x130: {  	[sflag:s0] =	ssyncadd.s32 $0xFFFFF830  }
0x131: {  	_ =	swait.ge [sflag:s0], $0x7D0  }
0x132: {  	[sflag:s0] =	ssyncset.done $0x0  }
0x133: {  	s23 =	simm.s32 $0x0;
	[sflag:s0] =	ssyncadd.s32 $0xFFFFF830  }
0x134: {  	v7 =	vld [tilespmem:s23+$0x4350];
	_ =	sdelay $0x4  }
0x135: {  	v8 =	vld [tilespmem:s23+$0x3350];
	_ =	sdelay $0x2  }
0x136: {  	v7 =	vld.idx.msk [tilespmem:v7+s5+$0x0], $0xffff;
	_ =	sdelay $0x4  }
0x137: {  	v9 =	vld.idx.msk [tilespmem:v8+s5+$0x0], $0xffff;
	vm0 =	vgt.s32 v7, $0xFFFFFFFF  }
0x138: {  	v10 =	vshll.u32 v7, $0x3;
	v11 =	vsel vm0, $0x1, v3  }
0x139: {  	v12 =	vand.u32 $0x7F, v7;
	v10 =	vand.u32 $0xFFFFFC00, v10;
	(xrf0) =	vadd.scan.msk.s32 $0xffff, v11  }
0x13a: {  	v10 =	vor.u32 v12, v10  }
0x13b: {  	v10 =	vadd.s32 v4, v10  }
0x13c: {  	vm1 =	vlt.s32 v9, $0x0;
	v9 =	vadd.s32 $0x2710, v9  }
0x13d: {  	s2 =	sadd.s32 s2, s21;
	v8 =	vsel vm1, v8, v9  }
0x13e: {  	[tilespmem:s2+$0x4B80] =	vst.msk vm0, v8  }
0x13f: {  	[tilespmem:s2+$0x7380] =	vst.msk vm0, v7;
	v7, _, _ =	vpop (xrf0)  }
0x140: {  	s24 =	simm.s32 $0x10;
	[tilespmem:v10+s31+$0x0] =	vst.idx.add.f32.msk vm0, v5;
	(v2sf) =	vpush v7, $0xF  }
0x141: {  	v8 =	vld [tilespmem:s24+$0x4350]  }
0x142: {  	v7 =	vld [tilespmem:s24+$0x3350];
	_ =	sdelay $0x6  }
0x143: {  	v8 =	vld.idx.msk [tilespmem:v8+s5+$0x0], $0xffff  }
0x144: {  	v9 =	vld.idx.msk [tilespmem:v7+s5+$0x0], $0xffff;
	_ =	sdelay $0x3  }
0x145: {  	vm0 =	vgt.s32 v8, $0xFFFFFFFF;
	v10 =	vand.u32 $0x7F, v8;
	v11 =	vshll.u32 v8, $0x3  }
0x146: {  	s4 =	simm.s32 $0x80;
	vm1 =	vlt.s32 v9, $0x0;
	v11 =	vand.u32 $0xFFFFFC00, v11;
	v12 =	vsel vm0, $0x1, v3;
	s8 =	spop (v2sf)  }
.LBB2_20:
0x147: {  	p1 =	sne.s32 s4, $0x1F00  }
0x148: {  	v9 =	vadd.s32 $0x2710, v9;
	v10 =	vor.u32 v10, v11;
	(xrf0) =	vadd.scan.msk.s32 $0xffff, v12;
	s2 =	sadd.s32 s2, s8;
	s8 =	smov.u32 s4;
	s4 =	sadd.s32 $0x40, s4  }
0x149: {  	v7 =	vsel vm1, v7, v9;
	v9 =	vadd.s32 v4, v10  }
0x14a: {  	[tilespmem:s2+$0x4B80] =	vst.msk vm0, v7  }
0x14b: {  	[tilespmem:s2+$0x7380] =	vst.msk vm0, v8;
	_ =	sdelay $0x2  }
0x14c: {  	s8 =	sshra.s32 s8, $0x2;
	[tilespmem:v9+s31+$0x0] =	vst.idx.add.f32.msk vm0, v5;
	v7, _, _ =	vpop (xrf0)  }
0x14d: {  	v8 =	vld [tilespmem:s8+$0x4350];
	(v2sf) =	vpush v7, $0xF  }
0x14e: {  	v7 =	vld [tilespmem:s8+$0x3350];
	_ =	sdelay $0x6  }
0x14f: {  	v8 =	vld.idx.msk [tilespmem:v8+s5+$0x0], $0xffff  }
0x150: {  	v9 =	vld.idx.msk [tilespmem:v7+s5+$0x0], $0xffff;
	_ =	sdelay $0x1  }
.Ltmp9:
0x151: {  	(pc) =	sbr.rel @p1 .LBB2_20-.Ltmp9, $3  }
0x152: {  	_ =	sdelay $0x1  }
0x153: {  	vm0 =	vgt.s32 v8, $0xFFFFFFFF;
	v10 =	vand.u32 $0x7F, v8;
	v11 =	vshll.u32 v8, $0x3  }
0x154: {  	vm1 =	vlt.s32 v9, $0x0;
	v11 =	vand.u32 $0xFFFFFC00, v11;
	v12 =	vsel vm0, $0x1, v3;
	s8 =	spop (v2sf)  }
0x155: {  	(xrf0) =	vadd.scan.msk.s32 $0xffff, v12;
	_ =	sdelay $0x5  }
0x156: {  	v12, _, _ =	vpop (xrf0)  }
0x157: {  	(v2sf) =	vpush v12, $0xF;
	_ =	sdelay $0x8  }
0x158: {  	v10 =	vor.u32 v10, v11  }
0x159: {  	v10 =	vadd.s32 v4, v10  }
0x15a: {  	v9 =	vadd.s32 $0x2710, v9  }
0x15b: {  	s2 =	sadd.s32 s2, s8;
	v7 =	vsel vm1, v7, v9  }
0x15c: {  	[tilespmem:s2+$0x4B80] =	vst.msk vm0, v7  }
0x15d: {  	[tilespmem:s2+$0x7380] =	vst.msk vm0, v8  }
0x15e: {  	[tilespmem:v10+s31+$0x0] =	vst.idx.add.f32.msk vm0, v5;
	s4 =	spop (v2sf)  }
0x15f: {  	_ =	swait.ge [sflag:s30], $0x7D0  }
0x160: {  	[sflag:s30] =	ssyncset.done $0x0  }
0x161: {  	[sflag:s30] =	ssyncadd.s32 $0xFFFFF830  }
0x162: {  	_ =	swait.ge [sflag:s30], $0x7D0  }
0x163: {  	[sflag:s30] =	ssyncset.done $0x0  }
0x164: {  	s23 =	simm.s32 $0x0;
	[sflag:s30] =	ssyncadd.s32 $0xFFFFF830  }
0x165: {  	v7 =	vld [tilespmem:s23+$0x3B80];
	_ =	sdelay $0x4  }
0x166: {  	v8 =	vld [tilespmem:s23+$0x2B80];
	_ =	sdelay $0x2  }
0x167: {  	v7 =	vld.idx.msk [tilespmem:v7+s5+$0x0], $0xffff;
	_ =	sdelay $0x4  }
0x168: {  	v9 =	vld.idx.msk [tilespmem:v8+s5+$0x0], $0xffff;
	vm0 =	vgt.s32 v7, $0xFFFFFFFF  }
0x169: {  	v10 =	vshll.u32 v7, $0x3;
	v11 =	vsel vm0, $0x1, v3  }
0x16a: {  	v12 =	vand.u32 $0x7F, v7;
	v10 =	vand.u32 $0xFFFFFC00, v10;
	(xrf0) =	vadd.scan.msk.s32 $0xffff, v11  }
0x16b: {  	v10 =	vor.u32 v12, v10  }
0x16c: {  	v10 =	vadd.s32 v4, v10  }
0x16d: {  	vm1 =	vlt.s32 v9, $0x0;
	v9 =	vadd.s32 $0x2710, v9  }
0x16e: {  	s2 =	sadd.s32 s2, s4;
	v8 =	vsel vm1, v8, v9  }
0x16f: {  	[tilespmem:s2+$0x4B80] =	vst.msk vm0, v8  }
0x170: {  	[tilespmem:s2+$0x7380] =	vst.msk vm0, v7;
	v7, _, _ =	vpop (xrf0)  }
0x171: {  	s24 =	simm.s32 $0x10;
	[tilespmem:v10+s31+$0x0] =	vst.idx.add.f32.msk vm0, v5;
	(v2sf) =	vpush v7, $0xF  }
0x172: {  	v8 =	vld [tilespmem:s24+$0x3B80]  }
0x173: {  	v7 =	vld [tilespmem:s24+$0x2B80];
	_ =	sdelay $0x6  }
0x174: {  	v8 =	vld.idx.msk [tilespmem:v8+s5+$0x0], $0xffff  }
0x175: {  	v9 =	vld.idx.msk [tilespmem:v7+s5+$0x0], $0xffff;
	_ =	sdelay $0x3  }
0x176: {  	vm0 =	vgt.s32 v8, $0xFFFFFFFF;
	v10 =	vand.u32 $0x7F, v8;
	v11 =	vshll.u32 v8, $0x3  }
0x177: {  	s4 =	simm.s32 $0x80;
	vm1 =	vlt.s32 v9, $0x0;
	v11 =	vand.u32 $0xFFFFFC00, v11;
	v12 =	vsel vm0, $0x1, v3;
	s8 =	spop (v2sf)  }
.LBB2_22:
0x178: {  	p1 =	sne.s32 s4, $0x1F00  }
0x179: {  	v9 =	vadd.s32 $0x2710, v9;
	v10 =	vor.u32 v10, v11;
	(xrf0) =	vadd.scan.msk.s32 $0xffff, v12;
	s2 =	sadd.s32 s2, s8;
	s8 =	smov.u32 s4;
	s4 =	sadd.s32 $0x40, s4  }
0x17a: {  	v7 =	vsel vm1, v7, v9;
	v9 =	vadd.s32 v4, v10  }
0x17b: {  	[tilespmem:s2+$0x4B80] =	vst.msk vm0, v7  }
0x17c: {  	[tilespmem:s2+$0x7380] =	vst.msk vm0, v8;
	_ =	sdelay $0x2  }
0x17d: {  	s8 =	sshra.s32 s8, $0x2;
	[tilespmem:v9+s31+$0x0] =	vst.idx.add.f32.msk vm0, v5;
	v7, _, _ =	vpop (xrf0)  }
0x17e: {  	v8 =	vld [tilespmem:s8+$0x3B80];
	(v2sf) =	vpush v7, $0xF  }
0x17f: {  	v7 =	vld [tilespmem:s8+$0x2B80];
	_ =	sdelay $0x6  }
0x180: {  	v8 =	vld.idx.msk [tilespmem:v8+s5+$0x0], $0xffff  }
0x181: {  	v9 =	vld.idx.msk [tilespmem:v7+s5+$0x0], $0xffff;
	_ =	sdelay $0x1  }
.Ltmp10:
0x182: {  	(pc) =	sbr.rel @p1 .LBB2_22-.Ltmp10, $3  }
0x183: {  	_ =	sdelay $0x1  }
0x184: {  	vm0 =	vgt.s32 v8, $0xFFFFFFFF;
	v10 =	vand.u32 $0x7F, v8;
	v11 =	vshll.u32 v8, $0x3  }
0x185: {  	vm1 =	vlt.s32 v9, $0x0;
	v11 =	vand.u32 $0xFFFFFC00, v11;
	v12 =	vsel vm0, $0x1, v3;
	s8 =	spop (v2sf)  }
0x186: {  	(xrf0) =	vadd.scan.msk.s32 $0xffff, v12;
	_ =	sdelay $0x5  }
0x187: {  	v12, _, _ =	vpop (xrf0)  }
0x188: {  	(v2sf) =	vpush v12, $0xF;
	_ =	sdelay $0x9  }
0x189: {  	v10 =	vor.u32 v10, v11  }
0x18a: {  	v10 =	vadd.s32 v4, v10  }
0x18b: {  	v9 =	vadd.s32 $0x2710, v9  }
0x18c: {  	s2 =	sadd.s32 s2, s8;
	v7 =	vsel vm1, v7, v9  }
0x18d: {  	[tilespmem:s2+$0x4B80] =	vst.msk vm0, v7  }
0x18e: {  	[tilespmem:s2+$0x7380] =	vst.msk vm0, v8;
	s4 =	spop (v2sf)  }
0x18f: {  	[tilespmem:v10+s31+$0x0] =	vst.idx.add.f32.msk vm0, v5;
	s2 =	sadd.s32 s2, s4  }
0x190: {  	[tilespmem:s2+$0x7380] =	vst v6  }
0x191: {  	[tilespmem:s2+$0x4B80] =	vst v3  }
0x192: {  	[tilespmem:s2+$0x7390] =	vst v6  }
0x193: {  	[tilespmem:s2+$0x4B90] =	vst v3  }
0x194: {  	[tilespmem:s2+$0x73A0] =	vst v6  }
0x195: {  	[tilespmem:s2+$0x4BA0] =	vst v3  }
0x196: {  	[tilespmem:s2+$0x73B0] =	vst v6  }
0x197: {  	[tilespmem:s2+$0x4BB0] =	vst v3  }
0x198: {  	[tilespmem:s2+$0x73C0] =	vst v6;
	s4 =	sadd.s32 $0x7F, s2  }
0x199: {  	[tilespmem:s2+$0x4BC0] =	vst v3;
	s10 =	sand.u32 $0x7F, s4  }
0x19a: {  	[tilespmem:s2+$0x73D0] =	vst v6;
	s9 =	sshra.s32 s4, $0x1F;
	p1 =	slt.s32 s4, $0x1;
	p2 =	sne.s32 s10, $0x0  }
0x19b: {  	[tilespmem:s2+$0x4BD0] =	vst v3;
	s11 =	sshrl.u32 s9, $0x19;
	p1 =	por !p1, !p2  }
0x19c: {  	s8 =	simm.s32 $0x1;
	[tilespmem:s2+$0x73E0] =	vst v6;
	s4 =	sadd.s32 s11, s4;
	p1 =	por !p1, !p1  }
0x19d: {  	[tilespmem:s2+$0x4BE0] =	vst v3;
	s4 =	sshra.s32 s4, $0x7;
	s8 =	simm.s32 @!p1 $0x0  }
0x19e: {  	[tilespmem:s2+$0x73F0] =	vst v6;
	s21 =	ssub.s32 s4, s8  }
0x19f: {  	[tilespmem:s2+$0x4BF0] =	vst v3;
	p1 =	slt.s32 s21, $0x1  }
0x1a0: {  	v7 =	vld @!p1 [tilespmem:$0x4B80]  }
0x1a1: {  	v8 =	vld @!p1 [tilespmem:$0x7380]  }
0x1a2: {  	v9 =	vld @!p1 [tilespmem:$0x4B90]  }
0x1a3: {  	v10 =	vld @!p1 [tilespmem:$0x7390]  }
0x1a4: {  	v11 =	vld @!p1 [tilespmem:$0x4BA0]  }
0x1a5: {  	[tilespmem:$0x9B80] =	vst @!p1 v7;
	v7 =	vld @!p1 [tilespmem:$0x73A0]  }
0x1a6: {  	[tilespmem:$0x9C00] =	vst @!p1 v8;
	v8 =	vld @!p1 [tilespmem:$0x4BB0]  }
0x1a7: {  	[tilespmem:$0x9B90] =	vst @!p1 v9;
	v9 =	vld @!p1 [tilespmem:$0x73B0]  }
0x1a8: {  	[tilespmem:$0x9C10] =	vst @!p1 v10;
	v10 =	vld @!p1 [tilespmem:$0x4BC0]  }
0x1a9: {  	[tilespmem:$0x9BA0] =	vst @!p1 v11;
	v11 =	vld @!p1 [tilespmem:$0x73C0]  }
0x1aa: {  	[tilespmem:$0x9C20] =	vst @!p1 v7;
	v7 =	vld @!p1 [tilespmem:$0x4BD0]  }
0x1ab: {  	[tilespmem:$0x9BB0] =	vst @!p1 v8;
	v8 =	vld @!p1 [tilespmem:$0x73D0]  }
0x1ac: {  	[tilespmem:$0x9C30] =	vst @!p1 v9;
	v9 =	vld @!p1 [tilespmem:$0x4BE0]  }
0x1ad: {  	[tilespmem:$0x9BC0] =	vst @!p1 v10;
	v10 =	vld @!p1 [tilespmem:$0x73E0]  }
0x1ae: {  	[tilespmem:$0x9C40] =	vst @!p1 v11;
	v11 =	vld @!p1 [tilespmem:$0x4BF0]  }
0x1af: {  	[tilespmem:$0x9BD0] =	vst @!p1 v7;
	v7 =	vld @!p1 [tilespmem:$0x73F0]  }
0x1b0: {  	[tilespmem:$0x9C50] =	vst @!p1 v8  }
0x1b1: {  	[tilespmem:$0x9BE0] =	vst @!p1 v9  }
0x1b2: {  	s12 =	sadd.s32 $0x1, s21;
	[tilespmem:$0x9C60] =	vst @!p1 v10  }
0x1b3: {  	p5 =	slt.s32 s21, $0x0;
	s2 =	simm.s32 @!p1 $0x80;
	s23 =	sand.u32 $0x1, s12;
	[tilespmem:$0x9BF0] =	vst @!p1 v11  }
0x1b4: {  	s4 =	simm.s32 @!p1 $0x9B80;
	s8 =	simm.s32 @!p1 $0x9C80;
	p6 =	seq.s32 s23, $0x1;
	[tilespmem:$0x9C70] =	vst @!p1 v7  }
0x1b5: {  	[tilespmem:s8], [sflag:$0x1] =	stream.indirect.gather @!p1 [hbm4b:s6+s2], $0x80, s4, s2, $0xb8;
	[tilespmem:$0x18580] =	vst v63  }
0x1b6: {  	s24 =	sshrl.u32 s12, $0x1F;
	p1 =	por !p5, !p6  }
0x1b7: {  	s2 =	sadd.s32 s24, s12;
	s4 =	simm.s32 $0x1;
	p1 =	por !p1, !p1  }
0x1b8: {  	s2 =	sshra.s32 s2, $0x1;
	s4 =	simm.s32 @!p1 $0x0  }
0x1b9: {  	s2 =	ssub.s32 s2, s4  }
0x1ba: {  	p1 =	slt.s32 s2, $0x1  }
.Ltmp11:
0x1bb: {  	_ = 	snop;
	(pc) =	sbr.rel @p1 .LBB2_29-.Ltmp11, $1  }
0x1bc: {  	_ =	sdelay $0x3  }
0x1bd: {  	s8 =	sadd.s32 $0xFFFFFFFF, s2  }
0x1be: {  	p2 =	sne.s32 s8, $0x0  }
.Ltmp12:
0x1bf: {  	_ = 	snop;
	(pc) =	sbr.rel @!p2 .LBB2_25-.Ltmp12, $4  }
0x1c0: {  	_ = 	snop  }
0x1c1: {  	s24 =	sadd.s32 $0xFFFFFFFF, s21  }
0x1c2: {  	s4 =	simm.s32 $0x0;
	s23 =	simm.s32 $0x7440;
	p3 =	sle.s32 s21, $0x0  }
0x1c3: {  	s2 =	simm.s32 $0x4C40;
	p1 =	por $0x0, $0x0;
	p5 =	sle.s32 @!p3 s21, $0x1  }
0x1c4: {  	p1 =	por p5, p3  }
0x1c5: {  	v7 =	vld @!p1 [tilespmem:s2+$0xFFFFFFC0];
	_ =	sdelay $0x4  }
0x1c6: {  	[tilespmem:$0xDC80] =	vst @!p1 v7  }
0x1c7: {  	v7 =	vld @!p1 [tilespmem:s23+$0xFFFFFFC0];
	_ =	sdelay $0x4  }
0x1c8: {  	[tilespmem:$0xDD00] =	vst @!p1 v7  }
0x1c9: {  	v7 =	vld @!p1 [tilespmem:s2+$0xFFFFFFD0];
	_ =	sdelay $0x4  }
0x1ca: {  	[tilespmem:$0xDC90] =	vst @!p1 v7  }
0x1cb: {  	v7 =	vld @!p1 [tilespmem:s23+$0xFFFFFFD0];
	_ =	sdelay $0x4  }
0x1cc: {  	[tilespmem:$0xDD10] =	vst @!p1 v7  }
0x1cd: {  	v7 =	vld @!p1 [tilespmem:s2+$0xFFFFFFE0];
	_ =	sdelay $0x4  }
0x1ce: {  	[tilespmem:$0xDCA0] =	vst @!p1 v7  }
0x1cf: {  	v7 =	vld @!p1 [tilespmem:s23+$0xFFFFFFE0];
	_ =	sdelay $0x4  }
0x1d0: {  	[tilespmem:$0xDD20] =	vst @!p1 v7  }
0x1d1: {  	v7 =	vld @!p1 [tilespmem:s2+$0xFFFFFFF0];
	_ =	sdelay $0x4  }
0x1d2: {  	[tilespmem:$0xDCB0] =	vst @!p1 v7  }
0x1d3: {  	v7 =	vld @!p1 [tilespmem:s23+$0xFFFFFFF0];
	_ =	sdelay $0x4  }
0x1d4: {  	[tilespmem:$0xDD30] =	vst @!p1 v7  }
0x1d5: {  	v7 =	vld @!p1 [tilespmem:s2+$0x0];
	_ =	sdelay $0x4  }
0x1d6: {  	[tilespmem:$0xDCC0] =	vst @!p1 v7  }
0x1d7: {  	v7 =	vld @!p1 [tilespmem:s23+$0x0];
	_ =	sdelay $0x4  }
0x1d8: {  	[tilespmem:$0xDD40] =	vst @!p1 v7  }
0x1d9: {  	v7 =	vld @!p1 [tilespmem:s2+$0x10];
	_ =	sdelay $0x4  }
0x1da: {  	[tilespmem:$0xDCD0] =	vst @!p1 v7  }
0x1db: {  	v7 =	vld @!p1 [tilespmem:s23+$0x10];
	_ =	sdelay $0x4  }
0x1dc: {  	[tilespmem:$0xDD50] =	vst @!p1 v7  }
0x1dd: {  	v7 =	vld @!p1 [tilespmem:s2+$0x20];
	_ =	sdelay $0x4  }
0x1de: {  	[tilespmem:$0xDCE0] =	vst @!p1 v7  }
0x1df: {  	v7 =	vld @!p1 [tilespmem:s23+$0x20];
	_ =	sdelay $0x4  }
0x1e0: {  	[tilespmem:$0xDD60] =	vst @!p1 v7  }
0x1e1: {  	v7 =	vld @!p1 [tilespmem:s2+$0x30];
	_ =	sdelay $0x4  }
0x1e2: {  	[tilespmem:$0xDCF0] =	vst @!p1 v7  }
0x1e3: {  	v7 =	vld @!p1 [tilespmem:s23+$0x30];
	_ =	sdelay $0x3  }
0x1e4: {  	s4 =	simm.s32 @!p3 $0x1  }
0x1e5: {  	s9 =	simm.s32 @!p1 $0x80;
	s10 =	simm.s32 @!p1 $0xDC80;
	s11 =	simm.s32 @!p1 $0xDD80;
	[tilespmem:$0xDD70] =	vst @!p1 v7  }
0x1e6: {  	[tilespmem:s11], [sflag:$0x2] =	stream.indirect.gather @!p1 [hbm4b:s6+s9], $0x80, s10, s9, $0xb8;
	[tilespmem:$0x18580] =	vst v63  }
0x1e7: {  	_ =	swait.ge @!p3 [sflag:s4], $0x4000  }
0x1e8: {  	s9 =	simm.s32 @!p3 $0x9C80;
	s10 =	simm.s32 @!p3 $0x6;
	[sflag:s4] =	ssyncset.done @!p3 $0x0  }
0x1e9: {  	s11 =	simm.s32 @!p3 $0x9C00;
	[sflag:s4] =	ssyncadd.s32 @!p3 $0xFFFFC000;
	s4 =	simm.s32 @!p3 $0x80  }
0x1ea: {  	[spmem:s3] =	stream.indirect.scatter.add.f32 @!p3 [tilespmem:s9], [sflag:$0x6], $0x80, s11, s4, $0xb8;
	[tilespmem:$0x18580] =	vst v63  }
0x1eb: {  	p4 =	sle.s32 s24, $0x0;
	_ =	swait.ge @!p3 [sflag:s10], $0x4000  }
0x1ec: {  	p1 =	sle.s32 @!p4 s21, $0x2;
	[sflag:s10] =	ssyncset.done @!p3 $0x0  }
0x1ed: {  	p1 =	por p1, p4;
	[sflag:s10] =	ssyncadd.s32 @!p3 $0xFFFFC000  }
0x1ee: {  	v7 =	vld @!p1 [tilespmem:s2+$0x40];
	_ =	sdelay $0x4  }
0x1ef: {  	[tilespmem:$0x9B80] =	vst @!p1 v7  }
0x1f0: {  	v7 =	vld @!p1 [tilespmem:s23+$0x40];
	_ =	sdelay $0x4  }
0x1f1: {  	[tilespmem:$0x9C00] =	vst @!p1 v7  }
0x1f2: {  	v7 =	vld @!p1 [tilespmem:s2+$0x50];
	_ =	sdelay $0x4  }
0x1f3: {  	[tilespmem:$0x9B90] =	vst @!p1 v7  }
0x1f4: {  	v7 =	vld @!p1 [tilespmem:s23+$0x50];
	_ =	sdelay $0x4  }
0x1f5: {  	[tilespmem:$0x9C10] =	vst @!p1 v7  }
0x1f6: {  	v7 =	vld @!p1 [tilespmem:s2+$0x60];
	_ =	sdelay $0x4  }
0x1f7: {  	[tilespmem:$0x9BA0] =	vst @!p1 v7  }
0x1f8: {  	v7 =	vld @!p1 [tilespmem:s23+$0x60];
	_ =	sdelay $0x4  }
0x1f9: {  	[tilespmem:$0x9C20] =	vst @!p1 v7  }
0x1fa: {  	v7 =	vld @!p1 [tilespmem:s2+$0x70];
	_ =	sdelay $0x4  }
0x1fb: {  	[tilespmem:$0x9BB0] =	vst @!p1 v7  }
0x1fc: {  	v7 =	vld @!p1 [tilespmem:s23+$0x70];
	_ =	sdelay $0x4  }
0x1fd: {  	[tilespmem:$0x9C30] =	vst @!p1 v7  }
0x1fe: {  	v7 =	vld @!p1 [tilespmem:s2+$0x80];
	_ =	sdelay $0x4  }
0x1ff: {  	[tilespmem:$0x9BC0] =	vst @!p1 v7  }
0x200: {  	v7 =	vld @!p1 [tilespmem:s23+$0x80];
	_ =	sdelay $0x4  }
0x201: {  	[tilespmem:$0x9C40] =	vst @!p1 v7  }
0x202: {  	v7 =	vld @!p1 [tilespmem:s2+$0x90];
	_ =	sdelay $0x4  }
0x203: {  	[tilespmem:$0x9BD0] =	vst @!p1 v7  }
0x204: {  	v7 =	vld @!p1 [tilespmem:s23+$0x90];
	_ =	sdelay $0x4  }
0x205: {  	[tilespmem:$0x9C50] =	vst @!p1 v7  }
0x206: {  	v7 =	vld @!p1 [tilespmem:s2+$0xA0];
	_ =	sdelay $0x4  }
0x207: {  	[tilespmem:$0x9BE0] =	vst @!p1 v7  }
0x208: {  	v7 =	vld @!p1 [tilespmem:s23+$0xA0];
	_ =	sdelay $0x4  }
0x209: {  	[tilespmem:$0x9C60] =	vst @!p1 v7  }
0x20a: {  	v7 =	vld @!p1 [tilespmem:s2+$0xB0];
	_ =	sdelay $0x4  }
0x20b: {  	[tilespmem:$0x9BF0] =	vst @!p1 v7  }
0x20c: {  	v7 =	vld @!p1 [tilespmem:s23+$0xB0];
	_ =	sdelay $0x2  }
0x20d: {  	s8 =	sadd.s32 $0xFFFFFFFF, s8  }
0x20e: {  	p2 =	sne.s32 s8, $0x0;
	s4 =	simm.s32 @!p1 $0x80;
	s9 =	simm.s32 @!p1 $0x9B80  }
0x20f: {  	s10 =	simm.s32 @!p1 $0x9C80;
	p3 =	sle.s32 s21, $0x2;
	s2 =	simm.s32 @!p4 $0x2;
	[tilespmem:$0x9C70] =	vst @!p1 v7  }
0x210: {  	[tilespmem:s10], [sflag:$0x1] =	stream.indirect.gather @!p1 [hbm4b:s6+s4], $0x80, s9, s4, $0xb8;
	[tilespmem:$0x18580] =	vst v63  }
0x211: {  	s11 =	simm.s32 @!p4 $0xDD00;
	p5 =	sle.s32 @!p3 s21, $0x3;
	_ =	swait.ge @!p4 [sflag:s2], $0x4000  }
.Ltmp13:
0x212: {  	s10 =	simm.s32 @!p4 $0xDD80;
	[sflag:s2] =	ssyncset.done @!p4 $0x0;
	(pc) =	sbr.rel @!p2 .LBB2_28-.Ltmp13, $4  }
0x213: {  	s9 =	simm.s32 @!p4 $0x5;
	[sflag:s2] =	ssyncadd.s32 @!p4 $0xFFFFC000;
	s2 =	simm.s32 @!p4 $0x80  }
0x214: {  	[spmem:s3] =	stream.indirect.scatter.add.f32 @!p4 [tilespmem:s10], [sflag:$0x5], $0x80, s11, s2, $0xb8;
	[tilespmem:$0x18580] =	vst v63  }
0x215: {  	s23 =	simm.s32 $0x7540;
	s4 =	simm.s32 $0x2;
	_ =	swait.ge @!p4 [sflag:s9], $0x4000  }
0x216: {  	p1 =	por $0x1, $0x1;
	s2 =	simm.s32 $0x4D40;
	[sflag:s9] =	ssyncset.done @!p4 $0x0  }
.LBB2_27:
0x217: {  	s8 =	sadd.s32 $0xFFFFFFFF, s8;
	p5 =	por p5, p3;
	[sflag:s9] =	ssyncadd.s32 @!p4 $0xFFFFC000  }
0x218: {  	p2 =	sne.s32 s8, $0x0;
	v7 =	vld @!p5 [tilespmem:s2+$0xFFFFFFC0];
	_ =	sdelay $0x4  }
0x219: {  	[tilespmem:$0xDC80] =	vst @!p5 v7  }
0x21a: {  	v7 =	vld @!p5 [tilespmem:s23+$0xFFFFFFC0];
	_ =	sdelay $0x4  }
0x21b: {  	[tilespmem:$0xDD00] =	vst @!p5 v7  }
0x21c: {  	v7 =	vld @!p5 [tilespmem:s2+$0xFFFFFFD0];
	_ =	sdelay $0x4  }
0x21d: {  	[tilespmem:$0xDC90] =	vst @!p5 v7  }
0x21e: {  	v7 =	vld @!p5 [tilespmem:s23+$0xFFFFFFD0];
	_ =	sdelay $0x4  }
0x21f: {  	[tilespmem:$0xDD10] =	vst @!p5 v7  }
0x220: {  	v7 =	vld @!p5 [tilespmem:s2+$0xFFFFFFE0];
	_ =	sdelay $0x4  }
0x221: {  	[tilespmem:$0xDCA0] =	vst @!p5 v7  }
0x222: {  	v7 =	vld @!p5 [tilespmem:s23+$0xFFFFFFE0];
	_ =	sdelay $0x4  }
0x223: {  	[tilespmem:$0xDD20] =	vst @!p5 v7  }
0x224: {  	v7 =	vld @!p5 [tilespmem:s2+$0xFFFFFFF0];
	_ =	sdelay $0x4  }
0x225: {  	[tilespmem:$0xDCB0] =	vst @!p5 v7  }
0x226: {  	v7 =	vld @!p5 [tilespmem:s23+$0xFFFFFFF0];
	_ =	sdelay $0x4  }
0x227: {  	[tilespmem:$0xDD30] =	vst @!p5 v7  }
0x228: {  	v7 =	vld @!p5 [tilespmem:s2+$0x0];
	_ =	sdelay $0x4  }
0x229: {  	[tilespmem:$0xDCC0] =	vst @!p5 v7  }
0x22a: {  	v7 =	vld @!p5 [tilespmem:s23+$0x0];
	_ =	sdelay $0x4  }
0x22b: {  	[tilespmem:$0xDD40] =	vst @!p5 v7  }
0x22c: {  	v7 =	vld @!p5 [tilespmem:s2+$0x10];
	_ =	sdelay $0x4  }
0x22d: {  	[tilespmem:$0xDCD0] =	vst @!p5 v7  }
0x22e: {  	v7 =	vld @!p5 [tilespmem:s23+$0x10];
	_ =	sdelay $0x4  }
0x22f: {  	[tilespmem:$0xDD50] =	vst @!p5 v7  }
0x230: {  	v7 =	vld @!p5 [tilespmem:s2+$0x20];
	_ =	sdelay $0x4  }
0x231: {  	[tilespmem:$0xDCE0] =	vst @!p5 v7  }
0x232: {  	v7 =	vld @!p5 [tilespmem:s23+$0x20];
	_ =	sdelay $0x4  }
0x233: {  	[tilespmem:$0xDD60] =	vst @!p5 v7  }
0x234: {  	v7 =	vld @!p5 [tilespmem:s2+$0x30];
	_ =	sdelay $0x4  }
0x235: {  	[tilespmem:$0xDCF0] =	vst @!p5 v7  }
0x236: {  	v7 =	vld @!p5 [tilespmem:s23+$0x30];
	_ =	sdelay $0x3  }
0x237: {  	s9 =	simm.s32 @!p3 $0x1  }
0x238: {  	s10 =	simm.s32 @!p5 $0x80;
	s11 =	simm.s32 @!p5 $0xDC80;
	s12 =	simm.s32 @!p5 $0xDD80;
	[tilespmem:$0xDD70] =	vst @!p5 v7  }
0x239: {  	[tilespmem:s12], [sflag:$0x2] =	stream.indirect.gather @!p5 [hbm4b:s6+s10], $0x80, s11, s10, $0xb8;
	[tilespmem:$0x18580] =	vst v63  }
0x23a: {  	p4 =	sge.s32 s4, s24;
	_ =	swait.ge @!p3 [sflag:s9], $0x4000  }
0x23b: {  	s10 =	simm.s32 @!p3 $0x9C80;
	s11 =	simm.s32 @!p3 $0x6;
	[sflag:s9] =	ssyncset.done @!p3 $0x0  }
0x23c: {  	s12 =	simm.s32 @!p3 $0x9C00;
	[sflag:s9] =	ssyncadd.s32 @!p3 $0xFFFFC000;
	s9 =	simm.s32 @!p3 $0x80  }
0x23d: {  	[spmem:s3] =	stream.indirect.scatter.add.f32 @!p3 [tilespmem:s10], [sflag:$0x6], $0x80, s12, s9, $0xb8;
	[tilespmem:$0x18580] =	vst v63  }
0x23e: {  	s9 =	sadd.s32 @!p4 $0x2, s4;
	_ =	swait.ge @!p3 [sflag:s11], $0x4000  }
0x23f: {  	p5 =	sge.s32 @!p4 s9, s21;
	[sflag:s11] =	ssyncset.done @!p3 $0x0  }
0x240: {  	[sflag:s11] =	ssyncadd.s32 @!p3 $0xFFFFC000;
	p3 =	por p5, p4  }
0x241: {  	v7 =	vld @!p3 [tilespmem:s2+$0x40];
	_ =	sdelay $0x4  }
0x242: {  	[tilespmem:$0x9B80] =	vst @!p3 v7  }
0x243: {  	v7 =	vld @!p3 [tilespmem:s23+$0x40];
	_ =	sdelay $0x4  }
0x244: {  	[tilespmem:$0x9C00] =	vst @!p3 v7  }
0x245: {  	v7 =	vld @!p3 [tilespmem:s2+$0x50];
	_ =	sdelay $0x4  }
0x246: {  	[tilespmem:$0x9B90] =	vst @!p3 v7  }
0x247: {  	v7 =	vld @!p3 [tilespmem:s23+$0x50];
	_ =	sdelay $0x4  }
0x248: {  	[tilespmem:$0x9C10] =	vst @!p3 v7  }
0x249: {  	v7 =	vld @!p3 [tilespmem:s2+$0x60];
	_ =	sdelay $0x4  }
0x24a: {  	[tilespmem:$0x9BA0] =	vst @!p3 v7  }
0x24b: {  	v7 =	vld @!p3 [tilespmem:s23+$0x60];
	_ =	sdelay $0x4  }
0x24c: {  	[tilespmem:$0x9C20] =	vst @!p3 v7  }
0x24d: {  	v7 =	vld @!p3 [tilespmem:s2+$0x70];
	_ =	sdelay $0x4  }
0x24e: {  	[tilespmem:$0x9BB0] =	vst @!p3 v7  }
0x24f: {  	v7 =	vld @!p3 [tilespmem:s23+$0x70];
	_ =	sdelay $0x4  }
0x250: {  	[tilespmem:$0x9C30] =	vst @!p3 v7  }
0x251: {  	v7 =	vld @!p3 [tilespmem:s2+$0x80];
	_ =	sdelay $0x4  }
0x252: {  	[tilespmem:$0x9BC0] =	vst @!p3 v7  }
0x253: {  	v7 =	vld @!p3 [tilespmem:s23+$0x80];
	_ =	sdelay $0x4  }
0x254: {  	[tilespmem:$0x9C40] =	vst @!p3 v7  }
0x255: {  	v7 =	vld @!p3 [tilespmem:s2+$0x90];
	_ =	sdelay $0x4  }
0x256: {  	[tilespmem:$0x9BD0] =	vst @!p3 v7  }
0x257: {  	v7 =	vld @!p3 [tilespmem:s23+$0x90];
	_ =	sdelay $0x4  }
0x258: {  	[tilespmem:$0x9C50] =	vst @!p3 v7  }
0x259: {  	v7 =	vld @!p3 [tilespmem:s2+$0xA0];
	_ =	sdelay $0x4  }
0x25a: {  	[tilespmem:$0x9BE0] =	vst @!p3 v7  }
0x25b: {  	v7 =	vld @!p3 [tilespmem:s23+$0xA0];
	_ =	sdelay $0x4  }
0x25c: {  	[tilespmem:$0x9C60] =	vst @!p3 v7  }
0x25d: {  	v7 =	vld @!p3 [tilespmem:s2+$0xB0];
	_ =	sdelay $0x4  }
0x25e: {  	[tilespmem:$0x9BF0] =	vst @!p3 v7  }
0x25f: {  	v7 =	vld @!p3 [tilespmem:s23+$0xB0];
	_ =	sdelay $0x3  }
0x260: {  	s10 =	simm.s32 @!p4 $0x2;
	s4 =	sadd.s32 $0x2, s4  }
0x261: {  	s9 =	simm.s32 @!p3 $0x80;
	s11 =	simm.s32 @!p3 $0x9B80;
	s12 =	simm.s32 @!p3 $0x9C80;
	[tilespmem:$0x9C70] =	vst @!p3 v7  }
0x262: {  	[tilespmem:s12], [sflag:$0x1] =	stream.indirect.gather @!p3 [hbm4b:s6+s9], $0x80, s11, s9, $0xb8;
	[tilespmem:$0x18580] =	vst v63  }
0x263: {  	s11 =	simm.s32 @!p4 $0xDD80;
	s9 =	simm.s32 @!p4 $0x5;
	_ =	swait.ge @!p4 [sflag:s10], $0x4000  }
.Ltmp14:
0x264: {  	s12 =	simm.s32 @!p4 $0xDD00;
	[sflag:s10] =	ssyncset.done @!p4 $0x0;
	(pc) =	sbr.rel @p2 .LBB2_27-.Ltmp14, $4  }
0x265: {  	p3 =	sge.s32 s4, s21;
	[sflag:s10] =	ssyncadd.s32 @!p4 $0xFFFFC000;
	s10 =	simm.s32 @!p4 $0x80  }
0x266: {  	[spmem:s3] =	stream.indirect.scatter.add.f32 @!p4 [tilespmem:s11], [sflag:$0x5], $0x80, s12, s10, $0xb8;
	[tilespmem:$0x18580] =	vst v63  }
0x267: {  	s2 =	sadd.s32 $0x100, s2;
	s10 =	sadd.s32 @!p3 $0x1, s4;
	_ =	swait.ge @!p4 [sflag:s9], $0x4000  }
0x268: {  	s23 =	sadd.s32 $0x100, s23;
	p5 =	sge.s32 @!p3 s10, s21;
	[sflag:s9] =	ssyncset.done @!p4 $0x0  }
.LBB2_28:
0x269: {  	p2 =	por p4, !p1  }
0x26a: {  	p1 =	por p5, p3;
	[sflag:s9] =	ssyncadd.s32 @!p2 $0xFFFFC000  }
0x26b: {  	v7 =	vld @!p1 [tilespmem:s2+$0xFFFFFFC0];
	_ =	sdelay $0x4  }
0x26c: {  	[tilespmem:$0xDC80] =	vst @!p1 v7  }
0x26d: {  	v7 =	vld @!p1 [tilespmem:s23+$0xFFFFFFC0];
	_ =	sdelay $0x4  }
0x26e: {  	[tilespmem:$0xDD00] =	vst @!p1 v7  }
0x26f: {  	v7 =	vld @!p1 [tilespmem:s2+$0xFFFFFFD0];
	_ =	sdelay $0x4  }
0x270: {  	[tilespmem:$0xDC90] =	vst @!p1 v7  }
0x271: {  	v7 =	vld @!p1 [tilespmem:s23+$0xFFFFFFD0];
	_ =	sdelay $0x4  }
0x272: {  	[tilespmem:$0xDD10] =	vst @!p1 v7  }
0x273: {  	v7 =	vld @!p1 [tilespmem:s2+$0xFFFFFFE0];
	_ =	sdelay $0x4  }
0x274: {  	[tilespmem:$0xDCA0] =	vst @!p1 v7  }
0x275: {  	v7 =	vld @!p1 [tilespmem:s23+$0xFFFFFFE0];
	_ =	sdelay $0x4  }
0x276: {  	[tilespmem:$0xDD20] =	vst @!p1 v7  }
0x277: {  	v7 =	vld @!p1 [tilespmem:s2+$0xFFFFFFF0];
	_ =	sdelay $0x4  }
0x278: {  	[tilespmem:$0xDCB0] =	vst @!p1 v7  }
0x279: {  	v7 =	vld @!p1 [tilespmem:s23+$0xFFFFFFF0];
	_ =	sdelay $0x4  }
0x27a: {  	[tilespmem:$0xDD30] =	vst @!p1 v7  }
0x27b: {  	v7 =	vld @!p1 [tilespmem:s2+$0x0];
	_ =	sdelay $0x4  }
0x27c: {  	[tilespmem:$0xDCC0] =	vst @!p1 v7  }
0x27d: {  	v7 =	vld @!p1 [tilespmem:s23+$0x0];
	_ =	sdelay $0x4  }
0x27e: {  	[tilespmem:$0xDD40] =	vst @!p1 v7  }
0x27f: {  	v7 =	vld @!p1 [tilespmem:s2+$0x10];
	_ =	sdelay $0x4  }
0x280: {  	[tilespmem:$0xDCD0] =	vst @!p1 v7  }
0x281: {  	v7 =	vld @!p1 [tilespmem:s23+$0x10];
	_ =	sdelay $0x4  }
0x282: {  	[tilespmem:$0xDD50] =	vst @!p1 v7  }
0x283: {  	v7 =	vld @!p1 [tilespmem:s2+$0x20];
	_ =	sdelay $0x4  }
0x284: {  	[tilespmem:$0xDCE0] =	vst @!p1 v7  }
0x285: {  	v7 =	vld @!p1 [tilespmem:s23+$0x20];
	_ =	sdelay $0x4  }
0x286: {  	[tilespmem:$0xDD60] =	vst @!p1 v7  }
0x287: {  	v7 =	vld @!p1 [tilespmem:s2+$0x30];
	_ =	sdelay $0x4  }
0x288: {  	[tilespmem:$0xDCF0] =	vst @!p1 v7  }
0x289: {  	v7 =	vld @!p1 [tilespmem:s23+$0x30];
	_ =	sdelay $0x3  }
0x28a: {  	s8 =	simm.s32 @!p3 $0x1  }
0x28b: {  	s9 =	simm.s32 @!p1 $0x80;
	s10 =	simm.s32 @!p1 $0xDC80;
	s11 =	simm.s32 @!p1 $0xDD80;
	[tilespmem:$0xDD70] =	vst @!p1 v7  }
0x28c: {  	[tilespmem:s11], [sflag:$0x2] =	stream.indirect.gather @!p1 [hbm4b:s6+s9], $0x80, s10, s9, $0xb8;
	[tilespmem:$0x18580] =	vst v63  }
0x28d: {  	p1 =	sge.s32 s4, s24;
	_ =	swait.ge @!p3 [sflag:s8], $0x4000  }
0x28e: {  	s9 =	simm.s32 @!p3 $0x9C80;
	s10 =	simm.s32 @!p3 $0x6;
	[sflag:s8] =	ssyncset.done @!p3 $0x0  }
0x28f: {  	s11 =	simm.s32 @!p3 $0x9C00;
	[sflag:s8] =	ssyncadd.s32 @!p3 $0xFFFFC000;
	s8 =	simm.s32 @!p3 $0x80  }
0x290: {  	[spmem:s3] =	stream.indirect.scatter.add.f32 @!p3 [tilespmem:s9], [sflag:$0x6], $0x80, s11, s8, $0xb8;
	[tilespmem:$0x18580] =	vst v63  }
0x291: {  	s4 =	sadd.s32 @!p1 $0x2, s4;
	_ =	swait.ge @!p3 [sflag:s10], $0x4000  }
0x292: {  	p2 =	sge.s32 @!p1 s4, s21;
	[sflag:s10] =	ssyncset.done @!p3 $0x0  }
0x293: {  	p2 =	por p2, p1;
	[sflag:s10] =	ssyncadd.s32 @!p3 $0xFFFFC000  }
0x294: {  	v7 =	vld @!p2 [tilespmem:s2+$0x40];
	_ =	sdelay $0x4  }
0x295: {  	[tilespmem:$0x9B80] =	vst @!p2 v7  }
0x296: {  	v7 =	vld @!p2 [tilespmem:s23+$0x40];
	_ =	sdelay $0x4  }
0x297: {  	[tilespmem:$0x9C00] =	vst @!p2 v7  }
0x298: {  	v7 =	vld @!p2 [tilespmem:s2+$0x50];
	_ =	sdelay $0x4  }
0x299: {  	[tilespmem:$0x9B90] =	vst @!p2 v7  }
0x29a: {  	v7 =	vld @!p2 [tilespmem:s23+$0x50];
	_ =	sdelay $0x4  }
0x29b: {  	[tilespmem:$0x9C10] =	vst @!p2 v7  }
0x29c: {  	v7 =	vld @!p2 [tilespmem:s2+$0x60];
	_ =	sdelay $0x4  }
0x29d: {  	[tilespmem:$0x9BA0] =	vst @!p2 v7  }
0x29e: {  	v7 =	vld @!p2 [tilespmem:s23+$0x60];
	_ =	sdelay $0x4  }
0x29f: {  	[tilespmem:$0x9C20] =	vst @!p2 v7  }
0x2a0: {  	v7 =	vld @!p2 [tilespmem:s2+$0x70];
	_ =	sdelay $0x4  }
0x2a1: {  	[tilespmem:$0x9BB0] =	vst @!p2 v7  }
0x2a2: {  	v7 =	vld @!p2 [tilespmem:s23+$0x70];
	_ =	sdelay $0x4  }
0x2a3: {  	[tilespmem:$0x9C30] =	vst @!p2 v7  }
0x2a4: {  	v7 =	vld @!p2 [tilespmem:s2+$0x80];
	_ =	sdelay $0x4  }
0x2a5: {  	[tilespmem:$0x9BC0] =	vst @!p2 v7  }
0x2a6: {  	v7 =	vld @!p2 [tilespmem:s23+$0x80];
	_ =	sdelay $0x4  }
0x2a7: {  	[tilespmem:$0x9C40] =	vst @!p2 v7  }
0x2a8: {  	v7 =	vld @!p2 [tilespmem:s2+$0x90];
	_ =	sdelay $0x4  }
0x2a9: {  	[tilespmem:$0x9BD0] =	vst @!p2 v7  }
0x2aa: {  	v7 =	vld @!p2 [tilespmem:s23+$0x90];
	_ =	sdelay $0x4  }
0x2ab: {  	[tilespmem:$0x9C50] =	vst @!p2 v7  }
0x2ac: {  	v7 =	vld @!p2 [tilespmem:s2+$0xA0];
	_ =	sdelay $0x4  }
0x2ad: {  	[tilespmem:$0x9BE0] =	vst @!p2 v7  }
0x2ae: {  	v7 =	vld @!p2 [tilespmem:s23+$0xA0];
	_ =	sdelay $0x4  }
0x2af: {  	[tilespmem:$0x9C60] =	vst @!p2 v7  }
0x2b0: {  	v7 =	vld @!p2 [tilespmem:s2+$0xB0];
	_ =	sdelay $0x4  }
0x2b1: {  	[tilespmem:$0x9BF0] =	vst @!p2 v7  }
0x2b2: {  	v7 =	vld @!p2 [tilespmem:s23+$0xB0];
	_ =	sdelay $0x3  }
0x2b3: {  	s4 =	simm.s32 @!p2 $0x80  }
0x2b4: {  	s8 =	simm.s32 @!p2 $0x9B80;
	s9 =	simm.s32 @!p2 $0x9C80;
	s2 =	simm.s32 @!p1 $0x2;
	[tilespmem:$0x9C70] =	vst @!p2 v7  }
0x2b5: {  	[tilespmem:s9], [sflag:$0x1] =	stream.indirect.gather @!p2 [hbm4b:s6+s4], $0x80, s8, s4, $0xb8;
	[tilespmem:$0x18580] =	vst v63  }
0x2b6: {  	_ =	swait.ge @!p1 [sflag:s2], $0x4000  }
0x2b7: {  	s4 =	simm.s32 @!p1 $0xDD80;
	s8 =	simm.s32 @!p1 $0x5;
	[sflag:s2] =	ssyncset.done @!p1 $0x0  }
0x2b8: {  	s9 =	simm.s32 @!p1 $0xDD00;
	[sflag:s2] =	ssyncadd.s32 @!p1 $0xFFFFC000;
	s2 =	simm.s32 @!p1 $0x80  }
0x2b9: {  	[spmem:s3] =	stream.indirect.scatter.add.f32 @!p1 [tilespmem:s4], [sflag:$0x5], $0x80, s9, s2, $0xb8;
	[tilespmem:$0x18580] =	vst v63  }
0x2ba: {  	_ =	swait.ge @!p1 [sflag:s8], $0x4000  }
0x2bb: {  	[sflag:s8] =	ssyncset.done @!p1 $0x0  }
0x2bc: {  	[sflag:s8] =	ssyncadd.s32 @!p1 $0xFFFFC000  }
.LBB2_29:
0x2bd: {  	s4 =	simm.s32 $0x0  }
0x2be: {  	s2 =	sand.u32 $0x70, s4;
	s8 =	sand.u32 $0x1C00, s4  }
0x2bf: {  	s2 =	sor.u32 s2, s8  }
0x2c0: {  	s8 =	sadd.s32 $0x11D80, s2;
	v8 =	vld [tilespmem:s2+$0x11D80]  }
0x2c1: {  	v7 =	vld [tilespmem:s8+$0x80];
	_ =	sdelay $0x1  }
0x2c2: {  	v9 =	vld [tilespmem:s8+$0x100];
	_ =	sdelay $0x1  }
0x2c3: {  	v10 =	vld [tilespmem:s8+$0x180]  }
0x2c4: {  	v7 =	vadd.f32 v7, v8  }
0x2c5: {  	v8 =	vld [tilespmem:s8+$0x200]  }
0x2c6: {  	v7 =	vadd.f32 v9, v7  }
0x2c7: {  	v56 =	vld [tilespmem:s8+$0x280]  }
0x2c8: {  	v7 =	vadd.f32 v10, v7  }
0x2c9: {  	s4 =	sor.u32 s4, s4;
	v57 =	vld [tilespmem:s8+$0x300]  }
0x2ca: {  	s4 =	sor.u32 $0x380, s4;
	v7 =	vadd.f32 v8, v7  }
0x2cb: {  	v8 =	vld [tilespmem:s4+$0x11D80]  }
0x2cc: {  	v7 =	vadd.f32 v56, v7  }
0x2cd: {  	v58 =	vld [tilespmem:s2+$0x13D80]  }
0x2ce: {  	v7 =	vadd.f32 v57, v7  }
0x2cf: {  	v59 =	vld [tilespmem:s2+$0x13E00]  }
0x2d0: {  	v7 =	vadd.f32 v8, v7  }
0x2d1: {  	v8 =	vld [tilespmem:s2+$0x13E80]  }
0x2d2: {  	v7 =	vadd.f32 v58, v7  }
0x2d3: {  	v60 =	vld [tilespmem:s2+$0x13F00]  }
0x2d4: {  	v7 =	vadd.f32 v59, v7  }
0x2d5: {  	v61 =	vld [tilespmem:s2+$0x13F80]  }
0x2d6: {  	v7 =	vadd.f32 v8, v7  }
0x2d7: {  	v8 =	vld [tilespmem:s2+$0x14000]  }
0x2d8: {  	v7 =	vadd.f32 v60, v7  }
0x2d9: {  	v62 =	vld [tilespmem:s2+$0x14080]  }
0x2da: {  	v7 =	vadd.f32 v61, v7  }
0x2db: {  	v63 =	vld [tilespmem:s2+$0x14100]  }
0x2dc: {  	v7 =	vadd.f32 v8, v7;
	_ =	sdelay $0x1  }
0x2dd: {  	s8 =	simm.s32 $0x80;
	s4 =	simm.s32 $0x10;
	v7 =	vadd.f32 v62, v7  }
0x2de: {  	s10 =	sand.u32 $0x1C00, s8;
	s9 =	sand.u32 $0x70, s4  }
0x2df: {  	s21 =	simm.s32 $0x20;
	s23 =	sor.u32 s9, s10;
	v7 =	vadd.f32 v63, v7  }
.LBB2_30:
0x2e0: {  	p1 =	sne.s32 s21, $0x3F0;
	s9 =	sadd.s32 $0x11D80, s23  }
0x2e1: {  	v8 =	vld [tilespmem:s9+$0x80];
	[tilespmem:s2+$0x11D80] =	vst v7;
	s2 =	smov.u32 s23  }
0x2e2: {  	v7 =	vld [tilespmem:s2+$0x11D80];
	_ =	sdelay $0x1  }
0x2e3: {  	v9 =	vld [tilespmem:s9+$0x100];
	_ =	sdelay $0x1  }
0x2e4: {  	v10 =	vld [tilespmem:s9+$0x180]  }
0x2e5: {  	v7 =	vadd.f32 v8, v7  }
0x2e6: {  	v8 =	vld [tilespmem:s9+$0x200]  }
0x2e7: {  	v7 =	vadd.f32 v9, v7  }
0x2e8: {  	v9 =	vld [tilespmem:s9+$0x280]  }
0x2e9: {  	v7 =	vadd.f32 v10, v7  }
0x2ea: {  	v10 =	vld [tilespmem:s9+$0x300];
	s9 =	sor.u32 s8, s4;
	s4 =	smov.u32 s21  }
0x2eb: {  	v7 =	vadd.f32 v8, v7;
	s9 =	sor.u32 $0x380, s9  }
0x2ec: {  	v8 =	vld [tilespmem:s9+$0x11D80]  }
0x2ed: {  	v7 =	vadd.f32 v9, v7  }
0x2ee: {  	v9 =	vld [tilespmem:s2+$0x13D80]  }
0x2ef: {  	v7 =	vadd.f32 v10, v7  }
0x2f0: {  	v10 =	vld [tilespmem:s2+$0x13E00]  }
0x2f1: {  	v7 =	vadd.f32 v8, v7  }
0x2f2: {  	v8 =	vld [tilespmem:s2+$0x13E80]  }
0x2f3: {  	v7 =	vadd.f32 v9, v7  }
0x2f4: {  	v9 =	vld [tilespmem:s2+$0x13F00]  }
0x2f5: {  	v7 =	vadd.f32 v10, v7  }
0x2f6: {  	v10 =	vld [tilespmem:s2+$0x13F80]  }
0x2f7: {  	v7 =	vadd.f32 v8, v7  }
0x2f8: {  	v8 =	vld [tilespmem:s2+$0x14000]  }
0x2f9: {  	v7 =	vadd.f32 v9, v7  }
0x2fa: {  	v9 =	vld [tilespmem:s2+$0x14080]  }
0x2fb: {  	v7 =	vadd.f32 v10, v7  }
0x2fc: {  	v10 =	vld [tilespmem:s2+$0x14100]  }
.Ltmp15:
0x2fd: {  	v7 =	vadd.f32 v8, v7;
	(pc) =	sbr.rel @p1 .LBB2_30-.Ltmp15, $4  }
0x2fe: {  	_ = 	snop  }
0x2ff: {  	s8 =	sadd.s32 $0x80, s8;
	v7 =	vadd.f32 v9, v7  }
0x300: {  	s10 =	sand.u32 $0x1C00, s8;
	s9 =	sand.u32 $0x70, s21  }
0x301: {  	s21 =	sadd.s32 $0x10, s21;
	s23 =	sor.u32 s9, s10;
	v7 =	vadd.f32 v10, v7  }
0x302: {  	s9 =	sadd.s32 $0x11D80, s23  }
0x303: {  	v8 =	vld [tilespmem:s9+$0x80];
	[tilespmem:s2+$0x11D80] =	vst v7  }
0x304: {  	v7 =	vld [tilespmem:s23+$0x11D80];
	_ =	sdelay $0x1  }
0x305: {  	v9 =	vld [tilespmem:s9+$0x100];
	_ =	sdelay $0x1  }
0x306: {  	v10 =	vld [tilespmem:s9+$0x180]  }
0x307: {  	v7 =	vadd.f32 v8, v7  }
0x308: {  	v8 =	vld [tilespmem:s9+$0x200]  }
0x309: {  	v7 =	vadd.f32 v9, v7  }
0x30a: {  	v56 =	vld [tilespmem:s9+$0x280]  }
0x30b: {  	v7 =	vadd.f32 v10, v7  }
0x30c: {  	s4 =	sor.u32 s8, s4;
	v57 =	vld [tilespmem:s9+$0x300]  }
0x30d: {  	s2 =	sor.u32 $0x380, s4;
	v7 =	vadd.f32 v8, v7  }
0x30e: {  	v8 =	vld [tilespmem:s2+$0x11D80]  }
0x30f: {  	v7 =	vadd.f32 v56, v7  }
0x310: {  	v58 =	vld [tilespmem:s23+$0x13D80]  }
0x311: {  	v7 =	vadd.f32 v57, v7  }
0x312: {  	v59 =	vld [tilespmem:s23+$0x13E00]  }
0x313: {  	v7 =	vadd.f32 v8, v7  }
0x314: {  	v8 =	vld [tilespmem:s23+$0x13E80]  }
0x315: {  	v7 =	vadd.f32 v58, v7  }
0x316: {  	v60 =	vld [tilespmem:s23+$0x13F00]  }
0x317: {  	v7 =	vadd.f32 v59, v7  }
0x318: {  	v61 =	vld [tilespmem:s23+$0x13F80]  }
0x319: {  	v7 =	vadd.f32 v8, v7  }
0x31a: {  	v8 =	vld [tilespmem:s23+$0x14000]  }
0x31b: {  	v7 =	vadd.f32 v60, v7  }
0x31c: {  	v62 =	vld [tilespmem:s23+$0x14080]  }
0x31d: {  	v7 =	vadd.f32 v61, v7  }
0x31e: {  	v63 =	vld [tilespmem:s23+$0x14100]  }
0x31f: {  	v7 =	vadd.f32 v8, v7;
	_ =	sdelay $0x1  }
0x320: {  	v7 =	vadd.f32 v62, v7;
	_ =	sdelay $0x1  }
0x321: {  	v7 =	vadd.f32 v63, v7;
	_ =	sdelay $0x1  }
0x322: {  	[tilespmem:s23+$0x11D80] =	vst v7  }
0x323: {  	[hbm4b:s18+s5] =	stream.linear.scatter [tilespmem:s31], [sflag:$0x5], $0x80, $0x38;
	[tilespmem:$0x18580] =	vst v63  }
0x324: {  	s8 =	sadd.s32 $0x10, s18;
	s9 =	simm.s32 $0x12180  }
0x325: {  	[hbm4b:s8+s5] =	stream.linear.scatter [tilespmem:s9], [sflag:$0x5], $0x80, $0x38;
	[tilespmem:$0x18580] =	vst v63  }
0x326: {  	s10 =	sadd.s32 $0x20, s18;
	s11 =	simm.s32 $0x12580  }
0x327: {  	[hbm4b:s10+s5] =	stream.linear.scatter [tilespmem:s11], [sflag:$0x5], $0x80, $0x38;
	[tilespmem:$0x18580] =	vst v63  }
0x328: {  	s12 =	sadd.s32 $0x30, s18;
	s21 =	simm.s32 $0x12980  }
0x329: {  	[hbm4b:s12+s5] =	stream.linear.scatter [tilespmem:s21], [sflag:$0x5], $0x80, $0x38;
	[tilespmem:$0x18580] =	vst v63  }
0x32a: {  	s24 =	simm.s32 $0x12D80;
	s23 =	sadd.s32 $0x40, s18  }
0x32b: {  	[hbm4b:s23+s5] =	stream.linear.scatter [tilespmem:s24], [sflag:$0x5], $0x80, $0x38;
	[tilespmem:$0x18580] =	vst v63  }
0x32c: {  	s8 =	sadd.s32 $0x50, s18;
	s9 =	simm.s32 $0x13180  }
0x32d: {  	[hbm4b:s8+s5] =	stream.linear.scatter [tilespmem:s9], [sflag:$0x5], $0x80, $0x38;
	[tilespmem:$0x18580] =	vst v63  }
0x32e: {  	s10 =	sadd.s32 $0x60, s18;
	s11 =	simm.s32 $0x13580  }
0x32f: {  	[hbm4b:s10+s5] =	stream.linear.scatter [tilespmem:s11], [sflag:$0x5], $0x80, $0x38;
	[tilespmem:$0x18580] =	vst v63  }
0x330: {  	s12 =	sadd.s32 $0x70, s18;
	s21 =	simm.s32 $0x13980  }
0x331: {  	[hbm4b:s12+s5] =	stream.linear.scatter [tilespmem:s21], [sflag:$0x5], $0x80, $0x38;
	[tilespmem:$0x18580] =	vst v63  }
0x332: {  	_ =	swait.ge [sflag:s22], $0x400  }
0x333: {  	s1 =	sadd.s32 $0x1, s1;
	s23 =	stileid.u32;
	[sflag:s22] =	ssyncset.done $0x0  }
0x334: {  	p1 =	sne.s32 s1, s20;
	s2 =	sshll.u32 s23, $0x6;
	[sflag:s22] =	ssyncadd.s32 $0xFFFFFC00  }
0x335: {  	s24 =	sshrl.u32 s7, $0x3;
	s2 =	sor.u32 $0x1C05, s2;
	[bflag:$0x0] =	sbarrier.arrive $0xFFFF  }
0x336: {  	[hbm:s19], [sflag:s2] =	dma.local [spmem:s24], $0x480  }
.Ltmp16:
0x337: {  	_ = 	snop;
	(pc) =	sbr.rel @p1 .LBB2_1-.Ltmp16, $4  }
.Ltmp17:
0x338: {  	_ = 	snop;
	(pc) =	sbr.rel @!p1 .LBB2_32-.Ltmp17, $4  }
0x339: {  	_ =	swait.ge [sflag:s22], $0x480  }
0x33a: {  	[sflag:s22] =	ssyncset.done $0x0  }
0x33b: {  	[sflag:s22] =	ssyncadd.s32 $0xFFFFFB80  }
0x33c: {  	_ = 	snop  }
.LBB2_25:
.Ltmp18:
0x33d: {  	(pc) =	sbr.rel .LBB2_28-.Ltmp18, $2  }
0x33e: {  	_ =	sdelay $0x2  }
0x33f: {  	_ = 	snop  }
.LBB2_32:
0x340: {  	_ =	sfence.sel $0x180000  }
0x341: {  	[bflag:$0x0] =	sbarrier.arrive $0xFFFF  }
0x342: {  	_ =	strace $0x90000047  }
0x343: {  	s0 =	stileid.u32;
	[bflag:$0x2] =	sbarrier.arrive $0xFFFF  }
0x344: {  	p0 =	sne.s32 s0, $0x0;
	s0 =	rddreg [dreg:$0x4]  }
0x345: {  	s0 =	sadd.s32 @!p0 $0x100000, s0  }
0x346: {  	[sflag:s0] =	ssyncadd.tile.s32 @!p0 $0x1;
	_ =	shalt  }
.Lfunc_end2:
_tile_overlayer_lowered:
.L_overlay_start_2:
0x347: {  	(tag) =	ssettag $0x2  }
0x348: {  	s0 =	rddreg [dreg:$0x0];
	s2 =	stileid.u32  }
0x349: {  	s1 =	rddreg [dreg:$0x1];
	p0 =	sne.s32 s2, $0x0  }
0x34a: {  	s3 =	rddreg [dreg:$0x2];
	[bflag:$0x3] =	sbarrier.arrive $0xFFFF;
	s2 =	simm.s32 @!p0 $0x1C05  }
0x34b: {  	[timem:s3], [sflag:s2] =	dma.local @!p0 [hbm:s0], s1  }
0x34c: {  	s0 =	simm.s32 @!p0 $0x5  }
0x34d: {  	_ =	swait.ge @!p0 [sflag:s0], s1  }
0x34e: {  	s1 =	ssub.s32 @!p0 $0x0, s1;
	[sflag:s0] =	ssyncset.done @!p0 $0x0  }
0x34f: {  	[sflag:s0] =	ssyncadd.s32 @!p0 s1  }
0x350: {  	[bflag:$0x3] =	sbarrier.arrive $0xFFFF  }
0x351: {  	_ =	shalt  }

</sc_bundles>
